<compile_context>
chip_gen: v7x
topology: tpu7x:2x2x1
jax: 0.10.2.dev20260603
libtpu: 0.0.44.dev20260713+nightly
codegen_flags: <defaults>
</compile_context>

<pallas_src>
import functools

import jax
import jax.numpy as jnp
from jax import lax
from jax.experimental import pallas as pl
from jax.experimental.pallas import tpu as pltpu
from jax.experimental.pallas import tpu_sc as plsc

EMBED = 64
PADW = 128
B = 16384
VOCAB1 = 1000001
NBLK = (VOCAB1 + PADW - 1) // PADW
NC = 2
NS = 16
NW = NC * NS
BPT = (NBLK + NW - 1) // NW
RING = 4
NGRP = (BPT + RING - 1) // RING
LAST = NBLK - 1
LAST_LO = LAST * PADW
NOFF = 272

_mesh = plsc.VectorSubcoreMesh(core_axis_name="c", subcore_axis_name="s")


def _ltz(x):
    return lax.shift_right_logical(x, 31)


def _nz(x):
    return lax.shift_right_logical(x | (0 - x), 31)


@functools.partial(
    pl.kernel,
    mesh=_mesh,
    out_type=jax.ShapeDtypeStruct((B, PADW), jnp.float32),
    scratch_types=[
        pltpu.VMEM((B + 16,), jnp.int32),
        pltpu.VMEM((B + 16,), jnp.int32),
        pltpu.VMEM((B + 16,), jnp.int32),
        pltpu.VMEM((B + 16,), jnp.int32),
        pltpu.VMEM((NOFF,), jnp.int32),
        pltpu.VMEM((NOFF,), jnp.int32),
        pltpu.VMEM((NOFF,), jnp.int32),
        pltpu.VMEM((RING, EMBED, PADW), jnp.float32),
        pltpu.VMEM((PADW, PADW), jnp.float32),
        pltpu.VMEM((PADW,), jnp.int32),
        pltpu.SMEM((4,), jnp.int32),
        pltpu.SemaphoreType.DMA,
        pltpu.SemaphoreType.DMA,
        pltpu.SemaphoreType.DMA,
        pltpu.SemaphoreType.DMA,
        pltpu.SemaphoreType.DMA,
    ],
    compiler_params=pltpu.CompilerParams(
        use_tc_tiling_on_sc=True, needs_layout_passes=False
    ),
)
def _sc_lookup(idx_hbm, tt_hbm, tail_hbm, out_hbm, idx_all, pairs_i, pairs_r,
               pairs2_r, counts, off_v, pos_v, blocks_v, rows_buf, sc_r, cnt_s,
               sf, s0, s1, s2, s3):
    sems = (s0, s1, s2, s3)
    pairs2_i = idx_all
    wid = lax.axis_index("s") * NC + lax.axis_index("c")
    ii = lax.iota(jnp.int32, 16)

    pltpu.sync_copy(idx_hbm.at[pl.ds(0, B)], idx_all.at[pl.ds(0, B)])

    lo_b = wid * BPT
    hi_b = jnp.minimum(lo_b + BPT, NBLK)
    lo_i = lo_b * PADW
    hi_i = hi_b * PADW

    cnt_s[0] = 0

    def p1(t, c):
        vv = idx_all[pl.ds(t * 16, 16)]
        ge = 1 - _ltz(vv - lo_i)
        lt = _ltz(vv - hi_i)
        mi = ge * lt
        n = cnt_s[0]
        pos = n + plsc.cumsum(mi) - 1
        pos2 = pos * mi + B * (1 - mi)
        plsc.store_scatter(pairs_i, [pos2], vv)
        plsc.store_scatter(pairs_r, [pos2], t * 16 + ii)
        cnt_s[0] = n + jnp.sum(mi)
        return c

    lax.fori_loop(0, B // 16, p1, 0)
    plsc.subcore_barrier()
    n_pairs = cnt_s[0]
    nvec = (n_pairs + 15) // 16
    cnt_s[1] = 0

    for z in range(NOFF // 16):
        counts[pl.ds(16 * z, 16)] = ii * 0

    def hist(p, c):
        xv = pairs_i[pl.ds(p, 16)][0]
        blk = lax.shift_right_logical(xv, 7) - lo_b
        cv = counts[pl.ds(blk, 16)][0]
        plsc.store_scatter(counts, [blk + ii * 0], cv + 1 + ii * 0)
        return c

    lax.fori_loop(0, n_pairs, hist, 0)
    plsc.subcore_barrier()

    cnt_s[2] = 0
    for z in range(NOFF // 16):
        cv = counts[pl.ds(16 * z, 16)]
        co = plsc.cumsum(cv)
        car = cnt_s[2]
        off_v[pl.ds(16 * z, 16)] = car + co - cv
        pos_v[pl.ds(16 * z, 16)] = car + co - cv
        cnt_s[2] = car + jnp.sum(cv)

    def place(p, c):
        xv = pairs_i[pl.ds(p, 16)][0]
        rv = pairs_r[pl.ds(p, 16)][0]
        blk = lax.shift_right_logical(xv, 7) - lo_b
        pp = pos_v[pl.ds(blk, 16)][0]
        plsc.store_scatter(pairs2_i, [pp + ii * 0], xv + ii * 0)
        plsc.store_scatter(pairs2_r, [pp + ii * 0], rv + ii * 0)
        plsc.store_scatter(pos_v, [blk + ii * 0], pp + 1 + ii * 0)
        return c

    lax.fori_loop(0, n_pairs, place, 0)
    plsc.subcore_barrier()

    def issue(b, u):
        @pl.when(b == LAST)
        def _():
            pltpu.async_copy(tail_hbm, blocks_v.at[u], sems[u])

        @pl.when(b != LAST)
        def _():
            pltpu.async_copy(
                tt_hbm.at[:, pl.ds(pl.multiple_of(b * PADW, PADW), PADW)],
                blocks_v.at[u],
                sems[u],
            )

    def flush_full():
        pltpu.async_copy(rows_buf, out_hbm.at[sc_r], sf).wait()
        cnt_s[1] = 0

    def process(b, u):
        bl = b - lo_b
        o0 = off_v[pl.ds(bl, 16)][0]
        o1 = off_v[pl.ds(bl + 1, 16)][0]

        def pairf(p, c):
            xv = pairs2_i[pl.ds(p, 16)][0]
            rv = pairs2_r[pl.ds(p, 16)][0]
            cvec = (xv & (PADW - 1)) + ii * 0
            nloc = cnt_s[1]
            for q4 in range(EMBED // 16):
                e = ii + 16 * q4
                w = plsc.load_gather(blocks_v.at[u], [e, cvec])
                rows_buf[nloc, pl.ds(16 * q4, 16)] = w
            plsc.store_scatter(sc_r, [nloc + ii * 0], rv + ii * 0)
            cnt_s[1] = nloc + 1

            @pl.when(nloc + 1 == PADW)
            def _():
                flush_full()

            return c

        lax.fori_loop(o0, o1, pairf, 0)

    for u in range(RING):
        b = lo_b + u

        @pl.when(b < hi_b)
        def _(b=b, u=u):
            issue(b, u)

    def grp(g, c):
        for u in range(RING):
            b = lo_b + g * RING + u

            @pl.when(b < hi_b)
            def _(b=b, u=u):
                pltpu.make_async_copy(tail_hbm, blocks_v.at[u], sems[u]).wait()
                process(b, u)
                b2 = b + RING

                @pl.when(b2 < hi_b)
                def _():
                    issue(b2, u)

        return c

    lax.fori_loop(0, NGRP, grp, 0)

    nloc = cnt_s[1]

    @pl.when(nloc > 0)
    def _():
        e0 = 1 - _nz(ii)
        v0 = sc_r[pl.ds(0, 16)]
        r0 = jnp.sum(e0 * v0)
        for j16 in range(PADW // 16):
            pos = ii + 16 * j16
            cur = sc_r[pl.ds(16 * j16, 16)]
            keep = _ltz(pos - nloc)
            sc_r[pl.ds(16 * j16, 16)] = cur * keep + r0 * (1 - keep)
        row0 = [rows_buf[0, pl.ds(16 * q4, 16)] for q4 in range(EMBED // 16)]

        def padrow(j, c):
            @pl.when(j >= nloc)
            def _():
                for q4 in range(EMBED // 16):
                    rows_buf[j, pl.ds(16 * q4, 16)] = row0[q4]

            return c

        lax.fori_loop(0, PADW, padrow, 0)
        flush_full()


def kernel(inputs, table):
    idx = inputs.astype(jnp.int32)
    tt = table.T
    tail = jnp.pad(table[LAST_LO:].T, ((0, 0), (0, PADW - (VOCAB1 - LAST_LO))))
    out = _sc_lookup(idx, tt, tail)
    return out[:, :EMBED]

# --- scband reference (transcript-rebuilt; emitter-appended) ---
"""Pipeline reference for scband-user-model-54735063220346 (READ-ONLY COPY).

The authoritative reference and input builder live on the scoring server;
editing this copy changes nothing except your own understanding.
"""

import jax, jax.numpy as jnp
import numpy as np

VOCAB = 1000000
EMBED = 64

def setup_inputs(seed: int = 0) -> dict:
    key = jax.random.key(seed)
    k_idx, k_tab = jax.random.split(key)
    # StringLookup maps user-id strings -> integer ids in [0, vocab]; we model its
    # output directly as int indices (index 0 reserved for OOV as in StringLookup).
    inputs = jax.random.randint(k_idx, (16384,), 0, VOCAB + 1, dtype=jnp.int64)
    table = jax.random.normal(k_tab, (VOCAB + 1, EMBED), dtype=jnp.float32) * 0.05
    return {"inputs": inputs, "table": table}

def reference(inputs, table):
    # tf.keras.layers.Embedding lookup == row gather from the table
    return jnp.take(table, inputs, axis=0)

if __name__ == "__main__":
    import jax
    _d = setup_inputs()
    print(jax.jit(kernel)(*tuple(_d.values())))

</pallas_src>

<mosaic_0001>
#map = affine_map<(d0, d1) -> (0)>
#map1 = affine_map<(d0, d1) -> (0, 0)>
module attributes {stable_mosaic.version = 14 : i64} {
  func.func @_sc_lookup(%arg0: i32, %arg1: i32, %arg2: memref<16384xi32, #tpu.memory_space<hbm>>, %arg3: memref<64x1000001xf32, #tpu.memory_space<hbm>>, %arg4: memref<64x128xf32, #tpu.memory_space<hbm>>, %arg5: memref<16384x128xf32, #tpu.memory_space<hbm>>, %arg6: memref<16400xi32, #tpu.memory_space<vmem>>, %arg7: memref<16400xi32, #tpu.memory_space<vmem>>, %arg8: memref<16400xi32, #tpu.memory_space<vmem>>, %arg9: memref<16400xi32, #tpu.memory_space<vmem>>, %arg10: memref<272xi32, #tpu.memory_space<vmem>>, %arg11: memref<272xi32, #tpu.memory_space<vmem>>, %arg12: memref<272xi32, #tpu.memory_space<vmem>>, %arg13: memref<4x64x128xf32, #tpu.memory_space<vmem>>, %arg14: memref<128x128xf32, #tpu.memory_space<vmem>>, %arg15: memref<128xi32, #tpu.memory_space<vmem>>, %arg16: memref<4xi32, #tpu.memory_space<smem>>, %arg17: memref<!tpu.dma_semaphore, #tpu.memory_space<semaphore_mem>>, %arg18: memref<!tpu.dma_semaphore, #tpu.memory_space<semaphore_mem>>, %arg19: memref<!tpu.dma_semaphore, #tpu.memory_space<semaphore_mem>>, %arg20: memref<!tpu.dma_semaphore, #tpu.memory_space<semaphore_mem>>, %arg21: memref<!tpu.dma_semaphore, #tpu.memory_space<semaphore_mem>>) attributes {dimension_semantics = [#tpu.dimension_semantics<core_parallel>, #tpu.dimension_semantics<subcore_parallel>], iteration_bounds = array<i64: 2, 16>, scalar_prefetch = 0 : i64, scratch_operands = 16 : i64, tpu.core_type = #tpu.core_type<sc_vector_subcore>, window_params = [{transform_indices = #map}, {transform_indices = #map1}, {transform_indices = #map1}, {transform_indices = #map1}]} {
    %mul3A = arith.constant 2 : i32
    %mul3A_0 = arith.muli %arg1, %mul3A : i32
    %add3A = arith.addi %mul3A_0, %arg0 : i32
    %iota3A = tpu.iota {dimensions = array<i32: 0>} : vector<16xi32>
    "tpu.region"() ({
      %run_scoped3A = tpu.sem_alloc : memref<!tpu.dma_semaphore, #tpu.memory_space<semaphore_mem>>
      %dma_start3A = arith.constant 0 : i32
      %dma_start3A_625 = tpu.memref_slice %arg6[%dma_start3A] : memref<16400xi32, #tpu.memory_space<vmem>> -> memref<16384xi32, #tpu.memory_space<vmem>>
      %dma_start3A_626 = arith.constant 0 : i32
      %dma_start3A_627 = tpu.memref_slice %arg2[%dma_start3A_626] : memref<16384xi32, #tpu.memory_space<hbm>> -> memref<16384xi32, #tpu.memory_space<hbm>>
      %dma_start3A_628 = arith.constant 0 : i32
      %dma_start3A_629 = tpu.memref_slice %arg6[%dma_start3A_628] : memref<16400xi32, #tpu.memory_space<vmem>> -> memref<16384xi32, #tpu.memory_space<vmem>>
      %dma_start3A_630 = arith.constant 0 : i32
      %dma_start3A_631 = tpu.memref_slice %arg2[%dma_start3A_630] : memref<16384xi32, #tpu.memory_space<hbm>> -> memref<16384xi32, #tpu.memory_space<hbm>>
      tpu.enqueue_dma source(%dma_start3A_631 : memref<16384xi32, #tpu.memory_space<hbm>>) target(%dma_start3A_629 : memref<16384xi32, #tpu.memory_space<vmem>>) target_semaphore(%run_scoped3A : memref<!tpu.dma_semaphore, #tpu.memory_space<semaphore_mem>>)
      %dma_wait3A = arith.constant 0 : i32
      %dma_wait3A_632 = tpu.memref_slice %arg6[%dma_wait3A] : memref<16400xi32, #tpu.memory_space<vmem>> -> memref<16384xi32, #tpu.memory_space<vmem>>
      %dma_wait3A_633 = arith.constant 0 : i32
      %dma_wait3A_634 = tpu.memref_slice %arg2[%dma_wait3A_633] : memref<16384xi32, #tpu.memory_space<hbm>> -> memref<16384xi32, #tpu.memory_space<hbm>>
      %dma_wait3A_635 = arith.constant 0 : i32
      %dma_wait3A_636 = tpu.memref_slice %arg6[%dma_wait3A_635] : memref<16400xi32, #tpu.memory_space<vmem>> -> memref<16384xi32, #tpu.memory_space<vmem>>
      %dma_wait3A_637 = arith.constant 0 : i32
      %dma_wait3A_638 = tpu.memref_slice %arg2[%dma_wait3A_637] : memref<16384xi32, #tpu.memory_space<hbm>> -> memref<16384xi32, #tpu.memory_space<hbm>>
      tpu.wait_dma2 semaphore(%run_scoped3A : memref<!tpu.dma_semaphore, #tpu.memory_space<semaphore_mem>>) src(%dma_wait3A_638 : memref<16384xi32, #tpu.memory_space<hbm>>) dst(%dma_wait3A_636 : memref<16384xi32, #tpu.memory_space<vmem>>)
      tpu.yield
    }) : () -> ()
    %mul3A_1 = arith.constant 245 : i32
    %mul3A_2 = arith.muli %add3A, %mul3A_1 : i32
    %add3A_3 = arith.constant 245 : i32
    %add3A_4 = arith.addi %mul3A_2, %add3A_3 : i32
    %min3A = arith.constant 7813 : i32
    %min3A_5 = arith.minsi %add3A_4, %min3A : i32
    %mul3A_6 = arith.constant 128 : i32
    %mul3A_7 = arith.muli %mul3A_2, %mul3A_6 : i32
    %mul3A_8 = arith.constant 128 : i32
    %mul3A_9 = arith.muli %min3A_5, %mul3A_8 : i32
    %swap3A = arith.constant 0 : i32
    %swap3A_10 = arith.constant 0 : i32
    %swap3A_11 = arith.index_cast %swap3A_10 : i32 to index
    %swap3A_12 = memref.load %arg16[%swap3A_11] : memref<4xi32, #tpu.memory_space<smem>>
    memref.store %swap3A, %arg16[%swap3A_11] : memref<4xi32, #tpu.memory_space<smem>>
    %scan3A = arith.constant 0 : i32
    %scan3A_13 = arith.constant 0 : i32
    %scan3A_14 = arith.constant 1024 : i32
    %scan3A_15 = arith.addi %scan3A_13, %scan3A_14 : i32
    %scan3A_16 = arith.constant 1 : i32
    scf.for %scan3A_625 = %scan3A_13 to %scan3A_15 step %scan3A_16  : i32 {
      %mul3A_626 = arith.constant 16 : i32
      %mul3A_627 = arith.muli %scan3A_625, %mul3A_626 : i32
      %get3A_628 = arith.index_cast %mul3A_627 : i32 to index
      %get3A_629 = tpu.vector_load %arg6[%get3A_628] {strides = array<i32>} : memref<16400xi32, #tpu.memory_space<vmem>>, vector<16xi32>,
      %sub3A_630 = vector.broadcast %mul3A_7 : i32 to vector<16xi32>
      %sub3A_631 = arith.subi %get3A_629, %sub3A_630 : vector<16xi32>
      %shift_right_logical3A = arith.constant 31 : i32
      %shift_right_logical3A_632 = vector.broadcast %shift_right_logical3A : i32 to vector<16xi32>
      %shift_right_logical3A_633 = arith.shrui %sub3A_631, %shift_right_logical3A_632 : vector<16xi32>
      %sub3A_634 = arith.constant 1 : i32
      %sub3A_635 = vector.broadcast %sub3A_634 : i32 to vector<16xi32>
      %sub3A_636 = arith.subi %sub3A_635, %shift_right_logical3A_633 : vector<16xi32>
      %sub3A_637 = vector.broadcast %mul3A_9 : i32 to vector<16xi32>
      %sub3A_638 = arith.subi %get3A_629, %sub3A_637 : vector<16xi32>
      %shift_right_logical3A_639 = arith.constant 31 : i32
      %shift_right_logical3A_640 = vector.broadcast %shift_right_logical3A_639 : i32 to vector<16xi32>
      %shift_right_logical3A_641 = arith.shrui %sub3A_638, %shift_right_logical3A_640 : vector<16xi32>
      %mul3A_642 = arith.muli %sub3A_636, %shift_right_logical3A_641 : vector<16xi32>
      %get3A_643 = arith.constant 0 : i32
      %get3A_644 = arith.index_cast %get3A_643 : i32 to index
      %get3A_645 = memref.load %arg16[%get3A_644] : memref<4xi32, #tpu.memory_space<smem>>
      %broadcast_in_dim3A_646 = arith.constant true
      %broadcast_in_dim3A_647 = vector.broadcast %broadcast_in_dim3A_646 : i1 to vector<16xi1>
      %masked_cumsum3A_648 = tpu.scan <sum>, %mul3A_642 masked %broadcast_in_dim3A_647 : vector<16xi32>, vector<16xi1> -> vector<16xi32>
      %add3A_649 = vector.broadcast %get3A_645 : i32 to vector<16xi32>
      %add3A_650 = arith.addi %add3A_649, %masked_cumsum3A_648 : vector<16xi32>
      %sub3A_651 = arith.constant 1 : i32
      %sub3A_652 = vector.broadcast %sub3A_651 : i32 to vector<16xi32>
      %sub3A_653 = arith.subi %add3A_650, %sub3A_652 : vector<16xi32>
      %mul3A_654 = arith.muli %sub3A_653, %mul3A_642 : vector<16xi32>
      %sub3A_655 = arith.constant 1 : i32
      %sub3A_656 = vector.broadcast %sub3A_655 : i32 to vector<16xi32>
      %sub3A_657 = arith.subi %sub3A_656, %mul3A_642 : vector<16xi32>
      %mul3A_658 = arith.constant 16384 : i32
      %mul3A_659 = vector.broadcast %mul3A_658 : i32 to vector<16xi32>
      %mul3A_660 = arith.muli %mul3A_659, %sub3A_657 : vector<16xi32>
      %add3A_661 = arith.addi %mul3A_654, %mul3A_660 : vector<16xi32>
      tpu.vector_store_idx %arg7[%add3A_661], %get3A_629 : memref<16400xi32, #tpu.memory_space<vmem>>[vector<16xi32>], vector<16xi32>,
      %mul3A_662 = arith.constant 16 : i32
      %mul3A_663 = arith.muli %scan3A_625, %mul3A_662 : i32
      %add3A_664 = vector.broadcast %mul3A_663 : i32 to vector<16xi32>
      %add3A_665 = arith.addi %add3A_664, %iota3A : vector<16xi32>
      tpu.vector_store_idx %arg8[%add3A_661], %add3A_665 : memref<16400xi32, #tpu.memory_space<vmem>>[vector<16xi32>], vector<16xi32>,
      %reduce_sum3A_666 = arith.constant true
      %reduce_sum3A_667 = vector.broadcast %reduce_sum3A_666 : i1 to vector<16xi1>
      %reduce_sum3A_668 = tpu.scan <sum>, %mul3A_642 masked %reduce_sum3A_667 : vector<16xi32>, vector<16xi1> -> vector<16xi32>
      %reduce_sum3A_669 = vector.extract %reduce_sum3A_668[15] : i32 from vector<16xi32>
      %add3A_670 = arith.addi %get3A_645, %reduce_sum3A_669 : i32
      %swap3A_671 = arith.constant 0 : i32
      %swap3A_672 = arith.index_cast %swap3A_671 : i32 to index
      %swap3A_673 = memref.load %arg16[%swap3A_672] : memref<4xi32, #tpu.memory_space<smem>>
      memref.store %add3A_670, %arg16[%swap3A_672] : memref<4xi32, #tpu.memory_space<smem>>
    }
    %scan3A_17 = arith.constant 1024 : i32
    %barrier3A = arith.constant 0 : index
    tpu.barrier barrier_id(%barrier3A)
    %get3A = arith.constant 0 : i32
    %get3A_18 = arith.index_cast %get3A : i32 to index
    %get3A_19 = memref.load %arg16[%get3A_18] : memref<4xi32, #tpu.memory_space<smem>>
    %add3A_20 = arith.constant 15 : i32
    %add3A_21 = arith.addi %get3A_19, %add3A_20 : i32
    %jit3A = arith.constant 16 : i32
    %div3A = arith.divsi %add3A_21, %jit3A : i32
    %sign3A = arith.constant 0 : i32
    %sign3A_22 = arith.cmpi sgt, %add3A_21, %sign3A : i32
    %sign3A_23 = arith.extui %sign3A_22 : i1 to i32
    %sign3A_24 = arith.constant 0 : i32
    %sign3A_25 = arith.cmpi slt, %add3A_21, %sign3A_24 : i32
    %sign3A_26 = arith.extui %sign3A_25 : i1 to i32
    %sign3A_27 = arith.subi %sign3A_23, %sign3A_26 : i32
    %sign3A_28 = arith.constant 0 : i32
    %sign3A_29 = arith.cmpi sgt, %jit3A, %sign3A_28 : i32
    %sign3A_30 = arith.extui %sign3A_29 : i1 to i32
    %sign3A_31 = arith.constant 0 : i32
    %sign3A_32 = arith.cmpi slt, %jit3A, %sign3A_31 : i32
    %sign3A_33 = arith.extui %sign3A_32 : i1 to i32
    %sign3A_34 = arith.subi %sign3A_30, %sign3A_33 : i32
    %ne3A = arith.cmpi ne, %sign3A_27, %sign3A_34 : i32
    %rem3A = arith.remsi %add3A_21, %jit3A : i32
    %ne3A_35 = arith.constant 0 : i32
    %ne3A_36 = arith.cmpi ne, %rem3A, %ne3A_35 : i32
    %and3A = arith.andi %ne3A, %ne3A_36 : i1
    %sub3A = arith.constant 1 : i32
    %sub3A_37 = arith.subi %div3A, %sub3A : i32
    %select_n3A = arith.select %and3A, %sub3A_37, %div3A : i32
    %swap3A_38 = arith.constant 0 : i32
    %swap3A_39 = arith.constant 1 : i32
    %swap3A_40 = arith.index_cast %swap3A_39 : i32 to index
    %swap3A_41 = memref.load %arg16[%swap3A_40] : memref<4xi32, #tpu.memory_space<smem>>
    memref.store %swap3A_38, %arg16[%swap3A_40] : memref<4xi32, #tpu.memory_space<smem>>
    %mul3A_42 = arith.constant 0 : i32
    %mul3A_43 = vector.broadcast %mul3A_42 : i32 to vector<16xi32>
    %mul3A_44 = arith.muli %iota3A, %mul3A_43 : vector<16xi32>
    %swap3A_45 = arith.constant 0 : index
    %swap3A_46 = tpu.vector_load %arg10[%swap3A_45] {strides = array<i32>} : memref<272xi32, #tpu.memory_space<vmem>>, vector<16xi32>,
    tpu.vector_store %arg10[%swap3A_45], %mul3A_44 {strides = array<i32>} : memref<272xi32, #tpu.memory_space<vmem>>, vector<16xi32>,
    %mul3A_47 = arith.constant 0 : i32
    %mul3A_48 = vector.broadcast %mul3A_47 : i32 to vector<16xi32>
    %mul3A_49 = arith.muli %iota3A, %mul3A_48 : vector<16xi32>
    %swap3A_50 = arith.constant 16 : index
    %swap3A_51 = tpu.vector_load %arg10[%swap3A_50] {strides = array<i32>} : memref<272xi32, #tpu.memory_space<vmem>>, vector<16xi32>,
    tpu.vector_store %arg10[%swap3A_50], %mul3A_49 {strides = array<i32>} : memref<272xi32, #tpu.memory_space<vmem>>, vector<16xi32>,
    %mul3A_52 = arith.constant 0 : i32
    %mul3A_53 = vector.broadcast %mul3A_52 : i32 to vector<16xi32>
    %mul3A_54 = arith.muli %iota3A, %mul3A_53 : vector<16xi32>
    %swap3A_55 = arith.constant 32 : index
    %swap3A_56 = tpu.vector_load %arg10[%swap3A_55] {strides = array<i32>} : memref<272xi32, #tpu.memory_space<vmem>>, vector<16xi32>,
    tpu.vector_store %arg10[%swap3A_55], %mul3A_54 {strides = array<i32>} : memref<272xi32, #tpu.memory_space<vmem>>, vector<16xi32>,
    %mul3A_57 = arith.constant 0 : i32
    %mul3A_58 = vector.broadcast %mul3A_57 : i32 to vector<16xi32>
    %mul3A_59 = arith.muli %iota3A, %mul3A_58 : vector<16xi32>
    %swap3A_60 = arith.constant 48 : index
    %swap3A_61 = tpu.vector_load %arg10[%swap3A_60] {strides = array<i32>} : memref<272xi32, #tpu.memory_space<vmem>>, vector<16xi32>,
    tpu.vector_store %arg10[%swap3A_60], %mul3A_59 {strides = array<i32>} : memref<272xi32, #tpu.memory_space<vmem>>, vector<16xi32>,
    %mul3A_62 = arith.constant 0 : i32
    %mul3A_63 = vector.broadcast %mul3A_62 : i32 to vector<16xi32>
    %mul3A_64 = arith.muli %iota3A, %mul3A_63 : vector<16xi32>
    %swap3A_65 = arith.constant 64 : index
    %swap3A_66 = tpu.vector_load %arg10[%swap3A_65] {strides = array<i32>} : memref<272xi32, #tpu.memory_space<vmem>>, vector<16xi32>,
    tpu.vector_store %arg10[%swap3A_65], %mul3A_64 {strides = array<i32>} : memref<272xi32, #tpu.memory_space<vmem>>, vector<16xi32>,
    %mul3A_67 = arith.constant 0 : i32
    %mul3A_68 = vector.broadcast %mul3A_67 : i32 to vector<16xi32>
    %mul3A_69 = arith.muli %iota3A, %mul3A_68 : vector<16xi32>
    %swap3A_70 = arith.constant 80 : index
    %swap3A_71 = tpu.vector_load %arg10[%swap3A_70] {strides = array<i32>} : memref<272xi32, #tpu.memory_space<vmem>>, vector<16xi32>,
    tpu.vector_store %arg10[%swap3A_70], %mul3A_69 {strides = array<i32>} : memref<272xi32, #tpu.memory_space<vmem>>, vector<16xi32>,
    %mul3A_72 = arith.constant 0 : i32
    %mul3A_73 = vector.broadcast %mul3A_72 : i32 to vector<16xi32>
    %mul3A_74 = arith.muli %iota3A, %mul3A_73 : vector<16xi32>
    %swap3A_75 = arith.constant 96 : index
    %swap3A_76 = tpu.vector_load %arg10[%swap3A_75] {strides = array<i32>} : memref<272xi32, #tpu.memory_space<vmem>>, vector<16xi32>,
    tpu.vector_store %arg10[%swap3A_75], %mul3A_74 {strides = array<i32>} : memref<272xi32, #tpu.memory_space<vmem>>, vector<16xi32>,
    %mul3A_77 = arith.constant 0 : i32
    %mul3A_78 = vector.broadcast %mul3A_77 : i32 to vector<16xi32>
    %mul3A_79 = arith.muli %iota3A, %mul3A_78 : vector<16xi32>
    %swap3A_80 = arith.constant 112 : index
    %swap3A_81 = tpu.vector_load %arg10[%swap3A_80] {strides = array<i32>} : memref<272xi32, #tpu.memory_space<vmem>>, vector<16xi32>,
    tpu.vector_store %arg10[%swap3A_80], %mul3A_79 {strides = array<i32>} : memref<272xi32, #tpu.memory_space<vmem>>, vector<16xi32>,
    %mul3A_82 = arith.constant 0 : i32
    %mul3A_83 = vector.broadcast %mul3A_82 : i32 to vector<16xi32>
    %mul3A_84 = arith.muli %iota3A, %mul3A_83 : vector<16xi32>
    %swap3A_85 = arith.constant 128 : index
    %swap3A_86 = tpu.vector_load %arg10[%swap3A_85] {strides = array<i32>} : memref<272xi32, #tpu.memory_space<vmem>>, vector<16xi32>,
    tpu.vector_store %arg10[%swap3A_85], %mul3A_84 {strides = array<i32>} : memref<272xi32, #tpu.memory_space<vmem>>, vector<16xi32>,
    %mul3A_87 = arith.constant 0 : i32
    %mul3A_88 = vector.broadcast %mul3A_87 : i32 to vector<16xi32>
    %mul3A_89 = arith.muli %iota3A, %mul3A_88 : vector<16xi32>
    %swap3A_90 = arith.constant 144 : index
    %swap3A_91 = tpu.vector_load %arg10[%swap3A_90] {strides = array<i32>} : memref<272xi32, #tpu.memory_space<vmem>>, vector<16xi32>,
    tpu.vector_store %arg10[%swap3A_90], %mul3A_89 {strides = array<i32>} : memref<272xi32, #tpu.memory_space<vmem>>, vector<16xi32>,
    %mul3A_92 = arith.constant 0 : i32
    %mul3A_93 = vector.broadcast %mul3A_92 : i32 to vector<16xi32>
    %mul3A_94 = arith.muli %iota3A, %mul3A_93 : vector<16xi32>
    %swap3A_95 = arith.constant 160 : index
    %swap3A_96 = tpu.vector_load %arg10[%swap3A_95] {strides = array<i32>} : memref<272xi32, #tpu.memory_space<vmem>>, vector<16xi32>,
    tpu.vector_store %arg10[%swap3A_95], %mul3A_94 {strides = array<i32>} : memref<272xi32, #tpu.memory_space<vmem>>, vector<16xi32>,
    %mul3A_97 = arith.constant 0 : i32
    %mul3A_98 = vector.broadcast %mul3A_97 : i32 to vector<16xi32>
    %mul3A_99 = arith.muli %iota3A, %mul3A_98 : vector<16xi32>
    %swap3A_100 = arith.constant 176 : index
    %swap3A_101 = tpu.vector_load %arg10[%swap3A_100] {strides = array<i32>} : memref<272xi32, #tpu.memory_space<vmem>>, vector<16xi32>,
    tpu.vector_store %arg10[%swap3A_100], %mul3A_99 {strides = array<i32>} : memref<272xi32, #tpu.memory_space<vmem>>, vector<16xi32>,
    %mul3A_102 = arith.constant 0 : i32
    %mul3A_103 = vector.broadcast %mul3A_102 : i32 to vector<16xi32>
    %mul3A_104 = arith.muli %iota3A, %mul3A_103 : vector<16xi32>
    %swap3A_105 = arith.constant 192 : index
    %swap3A_106 = tpu.vector_load %arg10[%swap3A_105] {strides = array<i32>} : memref<272xi32, #tpu.memory_space<vmem>>, vector<16xi32>,
    tpu.vector_store %arg10[%swap3A_105], %mul3A_104 {strides = array<i32>} : memref<272xi32, #tpu.memory_space<vmem>>, vector<16xi32>,
    %mul3A_107 = arith.constant 0 : i32
    %mul3A_108 = vector.broadcast %mul3A_107 : i32 to vector<16xi32>
    %mul3A_109 = arith.muli %iota3A, %mul3A_108 : vector<16xi32>
    %swap3A_110 = arith.constant 208 : index
    %swap3A_111 = tpu.vector_load %arg10[%swap3A_110] {strides = array<i32>} : memref<272xi32, #tpu.memory_space<vmem>>, vector<16xi32>,
    tpu.vector_store %arg10[%swap3A_110], %mul3A_109 {strides = array<i32>} : memref<272xi32, #tpu.memory_space<vmem>>, vector<16xi32>,
    %mul3A_112 = arith.constant 0 : i32
    %mul3A_113 = vector.broadcast %mul3A_112 : i32 to vector<16xi32>
    %mul3A_114 = arith.muli %iota3A, %mul3A_113 : vector<16xi32>
    %swap3A_115 = arith.constant 224 : index
    %swap3A_116 = tpu.vector_load %arg10[%swap3A_115] {strides = array<i32>} : memref<272xi32, #tpu.memory_space<vmem>>, vector<16xi32>,
    tpu.vector_store %arg10[%swap3A_115], %mul3A_114 {strides = array<i32>} : memref<272xi32, #tpu.memory_space<vmem>>, vector<16xi32>,
    %mul3A_117 = arith.constant 0 : i32
    %mul3A_118 = vector.broadcast %mul3A_117 : i32 to vector<16xi32>
    %mul3A_119 = arith.muli %iota3A, %mul3A_118 : vector<16xi32>
    %swap3A_120 = arith.constant 240 : index
    %swap3A_121 = tpu.vector_load %arg10[%swap3A_120] {strides = array<i32>} : memref<272xi32, #tpu.memory_space<vmem>>, vector<16xi32>,
    tpu.vector_store %arg10[%swap3A_120], %mul3A_119 {strides = array<i32>} : memref<272xi32, #tpu.memory_space<vmem>>, vector<16xi32>,
    %mul3A_122 = arith.constant 0 : i32
    %mul3A_123 = vector.broadcast %mul3A_122 : i32 to vector<16xi32>
    %mul3A_124 = arith.muli %iota3A, %mul3A_123 : vector<16xi32>
    %swap3A_125 = arith.constant 256 : index
    %swap3A_126 = tpu.vector_load %arg10[%swap3A_125] {strides = array<i32>} : memref<272xi32, #tpu.memory_space<vmem>>, vector<16xi32>,
    tpu.vector_store %arg10[%swap3A_125], %mul3A_124 {strides = array<i32>} : memref<272xi32, #tpu.memory_space<vmem>>, vector<16xi32>,
    %while3A = arith.constant 0 : i32
    %while3A_127 = arith.constant 0 : i32
    %while3A_128 = arith.subi %get3A_19, %while3A_127 : i32
    %while3A_129 = arith.addi %while3A_127, %while3A_128 : i32
    %while3A_130 = arith.constant 1 : i32
    %while3A_131 = arith.divsi %while3A_128, %while3A_130 : i32
    %while3A_132 = arith.muli %while3A_131, %while3A_130 : i32
    %while3A_133 = arith.addi %while3A_127, %while3A_132 : i32
    %while3A_134 = arith.constant 1 : i32
    scf.for %while3A_625 = %while3A_127 to %while3A_133 step %while3A_134  : i32 {
      %get3A_626 = arith.index_cast %while3A_625 : i32 to index
      %get3A_627 = tpu.vector_load %arg7[%get3A_626] {strides = array<i32>} : memref<16400xi32, #tpu.memory_space<vmem>>, vector<16xi32>,
      %slice3A = vector.extract_strided_slice %get3A_627 {offsets = [0], sizes = [1], strides = [1]} : vector<16xi32> to vector<1xi32>
      %squeeze3A = vector.extract %slice3A[0] : i32 from vector<1xi32>
      %shift_right_logical3A = arith.constant 7 : i32
      %shift_right_logical3A_628 = arith.shrui %squeeze3A, %shift_right_logical3A : i32
      %sub3A_629 = arith.subi %shift_right_logical3A_628, %mul3A_2 : i32
      %get3A_630 = arith.index_cast %sub3A_629 : i32 to index
      %get3A_631 = tpu.vector_load %arg10[%get3A_630] {strides = array<i32>} : memref<272xi32, #tpu.memory_space<vmem>>, vector<16xi32>,
      %slice3A_632 = vector.extract_strided_slice %get3A_631 {offsets = [0], sizes = [1], strides = [1]} : vector<16xi32> to vector<1xi32>
      %squeeze3A_633 = vector.extract %slice3A_632[0] : i32 from vector<1xi32>
      %mul3A_634 = arith.constant 0 : i32
      %mul3A_635 = vector.broadcast %mul3A_634 : i32 to vector<16xi32>
      %mul3A_636 = arith.muli %iota3A, %mul3A_635 : vector<16xi32>
      %add3A_637 = vector.broadcast %sub3A_629 : i32 to vector<16xi32>
      %add3A_638 = arith.addi %add3A_637, %mul3A_636 : vector<16xi32>
      %add3A_639 = arith.constant 1 : i32
      %add3A_640 = arith.addi %squeeze3A_633, %add3A_639 : i32
      %mul3A_641 = arith.constant 0 : i32
      %mul3A_642 = vector.broadcast %mul3A_641 : i32 to vector<16xi32>
      %mul3A_643 = arith.muli %iota3A, %mul3A_642 : vector<16xi32>
      %add3A_644 = vector.broadcast %add3A_640 : i32 to vector<16xi32>
      %add3A_645 = arith.addi %add3A_644, %mul3A_643 : vector<16xi32>
      tpu.vector_store_idx %arg10[%add3A_638], %add3A_645 : memref<272xi32, #tpu.memory_space<vmem>>[vector<16xi32>], vector<16xi32>,
    }
    %while3A_135 = arith.constant 1 : i32
    scf.for %while3A_625 = %while3A_133 to %while3A_129 step %while3A_135  : i32 {
      %get3A_626 = arith.index_cast %while3A_625 : i32 to index
      %get3A_627 = tpu.vector_load %arg7[%get3A_626] {strides = array<i32>} : memref<16400xi32, #tpu.memory_space<vmem>>, vector<16xi32>,
      %slice3A = vector.extract_strided_slice %get3A_627 {offsets = [0], sizes = [1], strides = [1]} : vector<16xi32> to vector<1xi32>
      %squeeze3A = vector.extract %slice3A[0] : i32 from vector<1xi32>
      %shift_right_logical3A = arith.constant 7 : i32
      %shift_right_logical3A_628 = arith.shrui %squeeze3A, %shift_right_logical3A : i32
      %sub3A_629 = arith.subi %shift_right_logical3A_628, %mul3A_2 : i32
      %get3A_630 = arith.index_cast %sub3A_629 : i32 to index
      %get3A_631 = tpu.vector_load %arg10[%get3A_630] {strides = array<i32>} : memref<272xi32, #tpu.memory_space<vmem>>, vector<16xi32>,
      %slice3A_632 = vector.extract_strided_slice %get3A_631 {offsets = [0], sizes = [1], strides = [1]} : vector<16xi32> to vector<1xi32>
      %squeeze3A_633 = vector.extract %slice3A_632[0] : i32 from vector<1xi32>
      %mul3A_634 = arith.constant 0 : i32
      %mul3A_635 = vector.broadcast %mul3A_634 : i32 to vector<16xi32>
      %mul3A_636 = arith.muli %iota3A, %mul3A_635 : vector<16xi32>
      %add3A_637 = vector.broadcast %sub3A_629 : i32 to vector<16xi32>
      %add3A_638 = arith.addi %add3A_637, %mul3A_636 : vector<16xi32>
      %add3A_639 = arith.constant 1 : i32
      %add3A_640 = arith.addi %squeeze3A_633, %add3A_639 : i32
      %mul3A_641 = arith.constant 0 : i32
      %mul3A_642 = vector.broadcast %mul3A_641 : i32 to vector<16xi32>
      %mul3A_643 = arith.muli %iota3A, %mul3A_642 : vector<16xi32>
      %add3A_644 = vector.broadcast %add3A_640 : i32 to vector<16xi32>
      %add3A_645 = arith.addi %add3A_644, %mul3A_643 : vector<16xi32>
      tpu.vector_store_idx %arg10[%add3A_638], %add3A_645 : memref<272xi32, #tpu.memory_space<vmem>>[vector<16xi32>], vector<16xi32>,
    }
    %barrier3A_136 = arith.constant 0 : index
    tpu.barrier barrier_id(%barrier3A_136)
    %swap3A_137 = arith.constant 0 : i32
    %swap3A_138 = arith.constant 2 : i32
    %swap3A_139 = arith.index_cast %swap3A_138 : i32 to index
    %swap3A_140 = memref.load %arg16[%swap3A_139] : memref<4xi32, #tpu.memory_space<smem>>
    memref.store %swap3A_137, %arg16[%swap3A_139] : memref<4xi32, #tpu.memory_space<smem>>
    %get3A_141 = arith.constant 0 : index
    %get3A_142 = tpu.vector_load %arg10[%get3A_141] {strides = array<i32>} : memref<272xi32, #tpu.memory_space<vmem>>, vector<16xi32>,
    %broadcast_in_dim3A = arith.constant true
    %broadcast_in_dim3A_143 = vector.broadcast %broadcast_in_dim3A : i1 to vector<16xi1>
    %masked_cumsum3A = tpu.scan <sum>, %get3A_142 masked %broadcast_in_dim3A_143 : vector<16xi32>, vector<16xi1> -> vector<16xi32>
    %get3A_144 = arith.constant 2 : i32
    %get3A_145 = arith.index_cast %get3A_144 : i32 to index
    %get3A_146 = memref.load %arg16[%get3A_145] : memref<4xi32, #tpu.memory_space<smem>>
    %add3A_147 = vector.broadcast %get3A_146 : i32 to vector<16xi32>
    %add3A_148 = arith.addi %add3A_147, %masked_cumsum3A : vector<16xi32>
    %sub3A_149 = arith.subi %add3A_148, %get3A_142 : vector<16xi32>
    %swap3A_150 = arith.constant 0 : index
    %swap3A_151 = tpu.vector_load %arg11[%swap3A_150] {strides = array<i32>} : memref<272xi32, #tpu.memory_space<vmem>>, vector<16xi32>,
    tpu.vector_store %arg11[%swap3A_150], %sub3A_149 {strides = array<i32>} : memref<272xi32, #tpu.memory_space<vmem>>, vector<16xi32>,
    %add3A_152 = vector.broadcast %get3A_146 : i32 to vector<16xi32>
    %add3A_153 = arith.addi %add3A_152, %masked_cumsum3A : vector<16xi32>
    %sub3A_154 = arith.subi %add3A_153, %get3A_142 : vector<16xi32>
    %swap3A_155 = arith.constant 0 : index
    %swap3A_156 = tpu.vector_load %arg12[%swap3A_155] {strides = array<i32>} : memref<272xi32, #tpu.memory_space<vmem>>, vector<16xi32>,
    tpu.vector_store %arg12[%swap3A_155], %sub3A_154 {strides = array<i32>} : memref<272xi32, #tpu.memory_space<vmem>>, vector<16xi32>,
    %reduce_sum3A = arith.constant true
    %reduce_sum3A_157 = vector.broadcast %reduce_sum3A : i1 to vector<16xi1>
    %reduce_sum3A_158 = tpu.scan <sum>, %get3A_142 masked %reduce_sum3A_157 : vector<16xi32>, vector<16xi1> -> vector<16xi32>
    %reduce_sum3A_159 = vector.extract %reduce_sum3A_158[15] : i32 from vector<16xi32>
    %add3A_160 = arith.addi %get3A_146, %reduce_sum3A_159 : i32
    %swap3A_161 = arith.constant 2 : i32
    %swap3A_162 = arith.index_cast %swap3A_161 : i32 to index
    %swap3A_163 = memref.load %arg16[%swap3A_162] : memref<4xi32, #tpu.memory_space<smem>>
    memref.store %add3A_160, %arg16[%swap3A_162] : memref<4xi32, #tpu.memory_space<smem>>
    %get3A_164 = arith.constant 16 : index
    %get3A_165 = tpu.vector_load %arg10[%get3A_164] {strides = array<i32>} : memref<272xi32, #tpu.memory_space<vmem>>, vector<16xi32>,
    %broadcast_in_dim3A_166 = arith.constant true
    %broadcast_in_dim3A_167 = vector.broadcast %broadcast_in_dim3A_166 : i1 to vector<16xi1>
    %masked_cumsum3A_168 = tpu.scan <sum>, %get3A_165 masked %broadcast_in_dim3A_167 : vector<16xi32>, vector<16xi1> -> vector<16xi32>
    %get3A_169 = arith.constant 2 : i32
    %get3A_170 = arith.index_cast %get3A_169 : i32 to index
    %get3A_171 = memref.load %arg16[%get3A_170] : memref<4xi32, #tpu.memory_space<smem>>
    %add3A_172 = vector.broadcast %get3A_171 : i32 to vector<16xi32>
    %add3A_173 = arith.addi %add3A_172, %masked_cumsum3A_168 : vector<16xi32>
    %sub3A_174 = arith.subi %add3A_173, %get3A_165 : vector<16xi32>
    %swap3A_175 = arith.constant 16 : index
    %swap3A_176 = tpu.vector_load %arg11[%swap3A_175] {strides = array<i32>} : memref<272xi32, #tpu.memory_space<vmem>>, vector<16xi32>,
    tpu.vector_store %arg11[%swap3A_175], %sub3A_174 {strides = array<i32>} : memref<272xi32, #tpu.memory_space<vmem>>, vector<16xi32>,
    %add3A_177 = vector.broadcast %get3A_171 : i32 to vector<16xi32>
    %add3A_178 = arith.addi %add3A_177, %masked_cumsum3A_168 : vector<16xi32>
    %sub3A_179 = arith.subi %add3A_178, %get3A_165 : vector<16xi32>
    %swap3A_180 = arith.constant 16 : index
    %swap3A_181 = tpu.vector_load %arg12[%swap3A_180] {strides = array<i32>} : memref<272xi32, #tpu.memory_space<vmem>>, vector<16xi32>,
    tpu.vector_store %arg12[%swap3A_180], %sub3A_179 {strides = array<i32>} : memref<272xi32, #tpu.memory_space<vmem>>, vector<16xi32>,
    %reduce_sum3A_182 = arith.constant true
    %reduce_sum3A_183 = vector.broadcast %reduce_sum3A_182 : i1 to vector<16xi1>
    %reduce_sum3A_184 = tpu.scan <sum>, %get3A_165 masked %reduce_sum3A_183 : vector<16xi32>, vector<16xi1> -> vector<16xi32>
    %reduce_sum3A_185 = vector.extract %reduce_sum3A_184[15] : i32 from vector<16xi32>
    %add3A_186 = arith.addi %get3A_171, %reduce_sum3A_185 : i32
    %swap3A_187 = arith.constant 2 : i32
    %swap3A_188 = arith.index_cast %swap3A_187 : i32 to index
    %swap3A_189 = memref.load %arg16[%swap3A_188] : memref<4xi32, #tpu.memory_space<smem>>
    memref.store %add3A_186, %arg16[%swap3A_188] : memref<4xi32, #tpu.memory_space<smem>>
    %get3A_190 = arith.constant 32 : index
    %get3A_191 = tpu.vector_load %arg10[%get3A_190] {strides = array<i32>} : memref<272xi32, #tpu.memory_space<vmem>>, vector<16xi32>,
    %broadcast_in_dim3A_192 = arith.constant true
    %broadcast_in_dim3A_193 = vector.broadcast %broadcast_in_dim3A_192 : i1 to vector<16xi1>
    %masked_cumsum3A_194 = tpu.scan <sum>, %get3A_191 masked %broadcast_in_dim3A_193 : vector<16xi32>, vector<16xi1> -> vector<16xi32>
    %get3A_195 = arith.constant 2 : i32
    %get3A_196 = arith.index_cast %get3A_195 : i32 to index
    %get3A_197 = memref.load %arg16[%get3A_196] : memref<4xi32, #tpu.memory_space<smem>>
    %add3A_198 = vector.broadcast %get3A_197 : i32 to vector<16xi32>
    %add3A_199 = arith.addi %add3A_198, %masked_cumsum3A_194 : vector<16xi32>
    %sub3A_200 = arith.subi %add3A_199, %get3A_191 : vector<16xi32>
    %swap3A_201 = arith.constant 32 : index
    %swap3A_202 = tpu.vector_load %arg11[%swap3A_201] {strides = array<i32>} : memref<272xi32, #tpu.memory_space<vmem>>, vector<16xi32>,
    tpu.vector_store %arg11[%swap3A_201], %sub3A_200 {strides = array<i32>} : memref<272xi32, #tpu.memory_space<vmem>>, vector<16xi32>,
    %add3A_203 = vector.broadcast %get3A_197 : i32 to vector<16xi32>
    %add3A_204 = arith.addi %add3A_203, %masked_cumsum3A_194 : vector<16xi32>
    %sub3A_205 = arith.subi %add3A_204, %get3A_191 : vector<16xi32>
    %swap3A_206 = arith.constant 32 : index
    %swap3A_207 = tpu.vector_load %arg12[%swap3A_206] {strides = array<i32>} : memref<272xi32, #tpu.memory_space<vmem>>, vector<16xi32>,
    tpu.vector_store %arg12[%swap3A_206], %sub3A_205 {strides = array<i32>} : memref<272xi32, #tpu.memory_space<vmem>>, vector<16xi32>,
    %reduce_sum3A_208 = arith.constant true
    %reduce_sum3A_209 = vector.broadcast %reduce_sum3A_208 : i1 to vector<16xi1>
    %reduce_sum3A_210 = tpu.scan <sum>, %get3A_191 masked %reduce_sum3A_209 : vector<16xi32>, vector<16xi1> -> vector<16xi32>
    %reduce_sum3A_211 = vector.extract %reduce_sum3A_210[15] : i32 from vector<16xi32>
    %add3A_212 = arith.addi %get3A_197, %reduce_sum3A_211 : i32
    %swap3A_213 = arith.constant 2 : i32
    %swap3A_214 = arith.index_cast %swap3A_213 : i32 to index
    %swap3A_215 = memref.load %arg16[%swap3A_214] : memref<4xi32, #tpu.memory_space<smem>>
    memref.store %add3A_212, %arg16[%swap3A_214] : memref<4xi32, #tpu.memory_space<smem>>
    %get3A_216 = arith.constant 48 : index
    %get3A_217 = tpu.vector_load %arg10[%get3A_216] {strides = array<i32>} : memref<272xi32, #tpu.memory_space<vmem>>, vector<16xi32>,
    %broadcast_in_dim3A_218 = arith.constant true
    %broadcast_in_dim3A_219 = vector.broadcast %broadcast_in_dim3A_218 : i1 to vector<16xi1>
    %masked_cumsum3A_220 = tpu.scan <sum>, %get3A_217 masked %broadcast_in_dim3A_219 : vector<16xi32>, vector<16xi1> -> vector<16xi32>
    %get3A_221 = arith.constant 2 : i32
    %get3A_222 = arith.index_cast %get3A_221 : i32 to index
    %get3A_223 = memref.load %arg16[%get3A_222] : memref<4xi32, #tpu.memory_space<smem>>
    %add3A_224 = vector.broadcast %get3A_223 : i32 to vector<16xi32>
    %add3A_225 = arith.addi %add3A_224, %masked_cumsum3A_220 : vector<16xi32>
    %sub3A_226 = arith.subi %add3A_225, %get3A_217 : vector<16xi32>
    %swap3A_227 = arith.constant 48 : index
    %swap3A_228 = tpu.vector_load %arg11[%swap3A_227] {strides = array<i32>} : memref<272xi32, #tpu.memory_space<vmem>>, vector<16xi32>,
    tpu.vector_store %arg11[%swap3A_227], %sub3A_226 {strides = array<i32>} : memref<272xi32, #tpu.memory_space<vmem>>, vector<16xi32>,
    %add3A_229 = vector.broadcast %get3A_223 : i32 to vector<16xi32>
    %add3A_230 = arith.addi %add3A_229, %masked_cumsum3A_220 : vector<16xi32>
    %sub3A_231 = arith.subi %add3A_230, %get3A_217 : vector<16xi32>
    %swap3A_232 = arith.constant 48 : index
    %swap3A_233 = tpu.vector_load %arg12[%swap3A_232] {strides = array<i32>} : memref<272xi32, #tpu.memory_space<vmem>>, vector<16xi32>,
    tpu.vector_store %arg12[%swap3A_232], %sub3A_231 {strides = array<i32>} : memref<272xi32, #tpu.memory_space<vmem>>, vector<16xi32>,
    %reduce_sum3A_234 = arith.constant true
    %reduce_sum3A_235 = vector.broadcast %reduce_sum3A_234 : i1 to vector<16xi1>
    %reduce_sum3A_236 = tpu.scan <sum>, %get3A_217 masked %reduce_sum3A_235 : vector<16xi32>, vector<16xi1> -> vector<16xi32>
    %reduce_sum3A_237 = vector.extract %reduce_sum3A_236[15] : i32 from vector<16xi32>
    %add3A_238 = arith.addi %get3A_223, %reduce_sum3A_237 : i32
    %swap3A_239 = arith.constant 2 : i32
    %swap3A_240 = arith.index_cast %swap3A_239 : i32 to index
    %swap3A_241 = memref.load %arg16[%swap3A_240] : memref<4xi32, #tpu.memory_space<smem>>
    memref.store %add3A_238, %arg16[%swap3A_240] : memref<4xi32, #tpu.memory_space<smem>>
    %get3A_242 = arith.constant 64 : index
    %get3A_243 = tpu.vector_load %arg10[%get3A_242] {strides = array<i32>} : memref<272xi32, #tpu.memory_space<vmem>>, vector<16xi32>,
    %broadcast_in_dim3A_244 = arith.constant true
    %broadcast_in_dim3A_245 = vector.broadcast %broadcast_in_dim3A_244 : i1 to vector<16xi1>
    %masked_cumsum3A_246 = tpu.scan <sum>, %get3A_243 masked %broadcast_in_dim3A_245 : vector<16xi32>, vector<16xi1> -> vector<16xi32>
    %get3A_247 = arith.constant 2 : i32
    %get3A_248 = arith.index_cast %get3A_247 : i32 to index
    %get3A_249 = memref.load %arg16[%get3A_248] : memref<4xi32, #tpu.memory_space<smem>>
    %add3A_250 = vector.broadcast %get3A_249 : i32 to vector<16xi32>
    %add3A_251 = arith.addi %add3A_250, %masked_cumsum3A_246 : vector<16xi32>
    %sub3A_252 = arith.subi %add3A_251, %get3A_243 : vector<16xi32>
    %swap3A_253 = arith.constant 64 : index
    %swap3A_254 = tpu.vector_load %arg11[%swap3A_253] {strides = array<i32>} : memref<272xi32, #tpu.memory_space<vmem>>, vector<16xi32>,
    tpu.vector_store %arg11[%swap3A_253], %sub3A_252 {strides = array<i32>} : memref<272xi32, #tpu.memory_space<vmem>>, vector<16xi32>,
    %add3A_255 = vector.broadcast %get3A_249 : i32 to vector<16xi32>
    %add3A_256 = arith.addi %add3A_255, %masked_cumsum3A_246 : vector<16xi32>
    %sub3A_257 = arith.subi %add3A_256, %get3A_243 : vector<16xi32>
    %swap3A_258 = arith.constant 64 : index
    %swap3A_259 = tpu.vector_load %arg12[%swap3A_258] {strides = array<i32>} : memref<272xi32, #tpu.memory_space<vmem>>, vector<16xi32>,
    tpu.vector_store %arg12[%swap3A_258], %sub3A_257 {strides = array<i32>} : memref<272xi32, #tpu.memory_space<vmem>>, vector<16xi32>,
    %reduce_sum3A_260 = arith.constant true
    %reduce_sum3A_261 = vector.broadcast %reduce_sum3A_260 : i1 to vector<16xi1>
    %reduce_sum3A_262 = tpu.scan <sum>, %get3A_243 masked %reduce_sum3A_261 : vector<16xi32>, vector<16xi1> -> vector<16xi32>
    %reduce_sum3A_263 = vector.extract %reduce_sum3A_262[15] : i32 from vector<16xi32>
    %add3A_264 = arith.addi %get3A_249, %reduce_sum3A_263 : i32
    %swap3A_265 = arith.constant 2 : i32
    %swap3A_266 = arith.index_cast %swap3A_265 : i32 to index
    %swap3A_267 = memref.load %arg16[%swap3A_266] : memref<4xi32, #tpu.memory_space<smem>>
    memref.store %add3A_264, %arg16[%swap3A_266] : memref<4xi32, #tpu.memory_space<smem>>
    %get3A_268 = arith.constant 80 : index
    %get3A_269 = tpu.vector_load %arg10[%get3A_268] {strides = array<i32>} : memref<272xi32, #tpu.memory_space<vmem>>, vector<16xi32>,
    %broadcast_in_dim3A_270 = arith.constant true
    %broadcast_in_dim3A_271 = vector.broadcast %broadcast_in_dim3A_270 : i1 to vector<16xi1>
    %masked_cumsum3A_272 = tpu.scan <sum>, %get3A_269 masked %broadcast_in_dim3A_271 : vector<16xi32>, vector<16xi1> -> vector<16xi32>
    %get3A_273 = arith.constant 2 : i32
    %get3A_274 = arith.index_cast %get3A_273 : i32 to index
    %get3A_275 = memref.load %arg16[%get3A_274] : memref<4xi32, #tpu.memory_space<smem>>
    %add3A_276 = vector.broadcast %get3A_275 : i32 to vector<16xi32>
    %add3A_277 = arith.addi %add3A_276, %masked_cumsum3A_272 : vector<16xi32>
    %sub3A_278 = arith.subi %add3A_277, %get3A_269 : vector<16xi32>
    %swap3A_279 = arith.constant 80 : index
    %swap3A_280 = tpu.vector_load %arg11[%swap3A_279] {strides = array<i32>} : memref<272xi32, #tpu.memory_space<vmem>>, vector<16xi32>,
    tpu.vector_store %arg11[%swap3A_279], %sub3A_278 {strides = array<i32>} : memref<272xi32, #tpu.memory_space<vmem>>, vector<16xi32>,
    %add3A_281 = vector.broadcast %get3A_275 : i32 to vector<16xi32>
    %add3A_282 = arith.addi %add3A_281, %masked_cumsum3A_272 : vector<16xi32>
    %sub3A_283 = arith.subi %add3A_282, %get3A_269 : vector<16xi32>
    %swap3A_284 = arith.constant 80 : index
    %swap3A_285 = tpu.vector_load %arg12[%swap3A_284] {strides = array<i32>} : memref<272xi32, #tpu.memory_space<vmem>>, vector<16xi32>,
    tpu.vector_store %arg12[%swap3A_284], %sub3A_283 {strides = array<i32>} : memref<272xi32, #tpu.memory_space<vmem>>, vector<16xi32>,
    %reduce_sum3A_286 = arith.constant true
    %reduce_sum3A_287 = vector.broadcast %reduce_sum3A_286 : i1 to vector<16xi1>
    %reduce_sum3A_288 = tpu.scan <sum>, %get3A_269 masked %reduce_sum3A_287 : vector<16xi32>, vector<16xi1> -> vector<16xi32>
    %reduce_sum3A_289 = vector.extract %reduce_sum3A_288[15] : i32 from vector<16xi32>
    %add3A_290 = arith.addi %get3A_275, %reduce_sum3A_289 : i32
    %swap3A_291 = arith.constant 2 : i32
    %swap3A_292 = arith.index_cast %swap3A_291 : i32 to index
    %swap3A_293 = memref.load %arg16[%swap3A_292] : memref<4xi32, #tpu.memory_space<smem>>
    memref.store %add3A_290, %arg16[%swap3A_292] : memref<4xi32, #tpu.memory_space<smem>>
    %get3A_294 = arith.constant 96 : index
    %get3A_295 = tpu.vector_load %arg10[%get3A_294] {strides = array<i32>} : memref<272xi32, #tpu.memory_space<vmem>>, vector<16xi32>,
    %broadcast_in_dim3A_296 = arith.constant true
    %broadcast_in_dim3A_297 = vector.broadcast %broadcast_in_dim3A_296 : i1 to vector<16xi1>
    %masked_cumsum3A_298 = tpu.scan <sum>, %get3A_295 masked %broadcast_in_dim3A_297 : vector<16xi32>, vector<16xi1> -> vector<16xi32>
    %get3A_299 = arith.constant 2 : i32
    %get3A_300 = arith.index_cast %get3A_299 : i32 to index
    %get3A_301 = memref.load %arg16[%get3A_300] : memref<4xi32, #tpu.memory_space<smem>>
    %add3A_302 = vector.broadcast %get3A_301 : i32 to vector<16xi32>
    %add3A_303 = arith.addi %add3A_302, %masked_cumsum3A_298 : vector<16xi32>
    %sub3A_304 = arith.subi %add3A_303, %get3A_295 : vector<16xi32>
    %swap3A_305 = arith.constant 96 : index
    %swap3A_306 = tpu.vector_load %arg11[%swap3A_305] {strides = array<i32>} : memref<272xi32, #tpu.memory_space<vmem>>, vector<16xi32>,
    tpu.vector_store %arg11[%swap3A_305], %sub3A_304 {strides = array<i32>} : memref<272xi32, #tpu.memory_space<vmem>>, vector<16xi32>,
    %add3A_307 = vector.broadcast %get3A_301 : i32 to vector<16xi32>
    %add3A_308 = arith.addi %add3A_307, %masked_cumsum3A_298 : vector<16xi32>
    %sub3A_309 = arith.subi %add3A_308, %get3A_295 : vector<16xi32>
    %swap3A_310 = arith.constant 96 : index
    %swap3A_311 = tpu.vector_load %arg12[%swap3A_310] {strides = array<i32>} : memref<272xi32, #tpu.memory_space<vmem>>, vector<16xi32>,
    tpu.vector_store %arg12[%swap3A_310], %sub3A_309 {strides = array<i32>} : memref<272xi32, #tpu.memory_space<vmem>>, vector<16xi32>,
    %reduce_sum3A_312 = arith.constant true
    %reduce_sum3A_313 = vector.broadcast %reduce_sum3A_312 : i1 to vector<16xi1>
    %reduce_sum3A_314 = tpu.scan <sum>, %get3A_295 masked %reduce_sum3A_313 : vector<16xi32>, vector<16xi1> -> vector<16xi32>
    %reduce_sum3A_315 = vector.extract %reduce_sum3A_314[15] : i32 from vector<16xi32>
    %add3A_316 = arith.addi %get3A_301, %reduce_sum3A_315 : i32
    %swap3A_317 = arith.constant 2 : i32
    %swap3A_318 = arith.index_cast %swap3A_317 : i32 to index
    %swap3A_319 = memref.load %arg16[%swap3A_318] : memref<4xi32, #tpu.memory_space<smem>>
    memref.store %add3A_316, %arg16[%swap3A_318] : memref<4xi32, #tpu.memory_space<smem>>
    %get3A_320 = arith.constant 112 : index
    %get3A_321 = tpu.vector_load %arg10[%get3A_320] {strides = array<i32>} : memref<272xi32, #tpu.memory_space<vmem>>, vector<16xi32>,
    %broadcast_in_dim3A_322 = arith.constant true
    %broadcast_in_dim3A_323 = vector.broadcast %broadcast_in_dim3A_322 : i1 to vector<16xi1>
    %masked_cumsum3A_324 = tpu.scan <sum>, %get3A_321 masked %broadcast_in_dim3A_323 : vector<16xi32>, vector<16xi1> -> vector<16xi32>
    %get3A_325 = arith.constant 2 : i32
    %get3A_326 = arith.index_cast %get3A_325 : i32 to index
    %get3A_327 = memref.load %arg16[%get3A_326] : memref<4xi32, #tpu.memory_space<smem>>
    %add3A_328 = vector.broadcast %get3A_327 : i32 to vector<16xi32>
    %add3A_329 = arith.addi %add3A_328, %masked_cumsum3A_324 : vector<16xi32>
    %sub3A_330 = arith.subi %add3A_329, %get3A_321 : vector<16xi32>
    %swap3A_331 = arith.constant 112 : index
    %swap3A_332 = tpu.vector_load %arg11[%swap3A_331] {strides = array<i32>} : memref<272xi32, #tpu.memory_space<vmem>>, vector<16xi32>,
    tpu.vector_store %arg11[%swap3A_331], %sub3A_330 {strides = array<i32>} : memref<272xi32, #tpu.memory_space<vmem>>, vector<16xi32>,
    %add3A_333 = vector.broadcast %get3A_327 : i32 to vector<16xi32>
    %add3A_334 = arith.addi %add3A_333, %masked_cumsum3A_324 : vector<16xi32>
    %sub3A_335 = arith.subi %add3A_334, %get3A_321 : vector<16xi32>
    %swap3A_336 = arith.constant 112 : index
    %swap3A_337 = tpu.vector_load %arg12[%swap3A_336] {strides = array<i32>} : memref<272xi32, #tpu.memory_space<vmem>>, vector<16xi32>,
    tpu.vector_store %arg12[%swap3A_336], %sub3A_335 {strides = array<i32>} : memref<272xi32, #tpu.memory_space<vmem>>, vector<16xi32>,
    %reduce_sum3A_338 = arith.constant true
    %reduce_sum3A_339 = vector.broadcast %reduce_sum3A_338 : i1 to vector<16xi1>
    %reduce_sum3A_340 = tpu.scan <sum>, %get3A_321 masked %reduce_sum3A_339 : vector<16xi32>, vector<16xi1> -> vector<16xi32>
    %reduce_sum3A_341 = vector.extract %reduce_sum3A_340[15] : i32 from vector<16xi32>
    %add3A_342 = arith.addi %get3A_327, %reduce_sum3A_341 : i32
    %swap3A_343 = arith.constant 2 : i32
    %swap3A_344 = arith.index_cast %swap3A_343 : i32 to index
    %swap3A_345 = memref.load %arg16[%swap3A_344] : memref<4xi32, #tpu.memory_space<smem>>
    memref.store %add3A_342, %arg16[%swap3A_344] : memref<4xi32, #tpu.memory_space<smem>>
    %get3A_346 = arith.constant 128 : index
    %get3A_347 = tpu.vector_load %arg10[%get3A_346] {strides = array<i32>} : memref<272xi32, #tpu.memory_space<vmem>>, vector<16xi32>,
    %broadcast_in_dim3A_348 = arith.constant true
    %broadcast_in_dim3A_349 = vector.broadcast %broadcast_in_dim3A_348 : i1 to vector<16xi1>
    %masked_cumsum3A_350 = tpu.scan <sum>, %get3A_347 masked %broadcast_in_dim3A_349 : vector<16xi32>, vector<16xi1> -> vector<16xi32>
    %get3A_351 = arith.constant 2 : i32
    %get3A_352 = arith.index_cast %get3A_351 : i32 to index
    %get3A_353 = memref.load %arg16[%get3A_352] : memref<4xi32, #tpu.memory_space<smem>>
    %add3A_354 = vector.broadcast %get3A_353 : i32 to vector<16xi32>
    %add3A_355 = arith.addi %add3A_354, %masked_cumsum3A_350 : vector<16xi32>
    %sub3A_356 = arith.subi %add3A_355, %get3A_347 : vector<16xi32>
    %swap3A_357 = arith.constant 128 : index
    %swap3A_358 = tpu.vector_load %arg11[%swap3A_357] {strides = array<i32>} : memref<272xi32, #tpu.memory_space<vmem>>, vector<16xi32>,
    tpu.vector_store %arg11[%swap3A_357], %sub3A_356 {strides = array<i32>} : memref<272xi32, #tpu.memory_space<vmem>>, vector<16xi32>,
    %add3A_359 = vector.broadcast %get3A_353 : i32 to vector<16xi32>
    %add3A_360 = arith.addi %add3A_359, %masked_cumsum3A_350 : vector<16xi32>
    %sub3A_361 = arith.subi %add3A_360, %get3A_347 : vector<16xi32>
    %swap3A_362 = arith.constant 128 : index
    %swap3A_363 = tpu.vector_load %arg12[%swap3A_362] {strides = array<i32>} : memref<272xi32, #tpu.memory_space<vmem>>, vector<16xi32>,
    tpu.vector_store %arg12[%swap3A_362], %sub3A_361 {strides = array<i32>} : memref<272xi32, #tpu.memory_space<vmem>>, vector<16xi32>,
    %reduce_sum3A_364 = arith.constant true
    %reduce_sum3A_365 = vector.broadcast %reduce_sum3A_364 : i1 to vector<16xi1>
    %reduce_sum3A_366 = tpu.scan <sum>, %get3A_347 masked %reduce_sum3A_365 : vector<16xi32>, vector<16xi1> -> vector<16xi32>
    %reduce_sum3A_367 = vector.extract %reduce_sum3A_366[15] : i32 from vector<16xi32>
    %add3A_368 = arith.addi %get3A_353, %reduce_sum3A_367 : i32
    %swap3A_369 = arith.constant 2 : i32
    %swap3A_370 = arith.index_cast %swap3A_369 : i32 to index
    %swap3A_371 = memref.load %arg16[%swap3A_370] : memref<4xi32, #tpu.memory_space<smem>>
    memref.store %add3A_368, %arg16[%swap3A_370] : memref<4xi32, #tpu.memory_space<smem>>
    %get3A_372 = arith.constant 144 : index
    %get3A_373 = tpu.vector_load %arg10[%get3A_372] {strides = array<i32>} : memref<272xi32, #tpu.memory_space<vmem>>, vector<16xi32>,
    %broadcast_in_dim3A_374 = arith.constant true
    %broadcast_in_dim3A_375 = vector.broadcast %broadcast_in_dim3A_374 : i1 to vector<16xi1>
    %masked_cumsum3A_376 = tpu.scan <sum>, %get3A_373 masked %broadcast_in_dim3A_375 : vector<16xi32>, vector<16xi1> -> vector<16xi32>
    %get3A_377 = arith.constant 2 : i32
    %get3A_378 = arith.index_cast %get3A_377 : i32 to index
    %get3A_379 = memref.load %arg16[%get3A_378] : memref<4xi32, #tpu.memory_space<smem>>
    %add3A_380 = vector.broadcast %get3A_379 : i32 to vector<16xi32>
    %add3A_381 = arith.addi %add3A_380, %masked_cumsum3A_376 : vector<16xi32>
    %sub3A_382 = arith.subi %add3A_381, %get3A_373 : vector<16xi32>
    %swap3A_383 = arith.constant 144 : index
    %swap3A_384 = tpu.vector_load %arg11[%swap3A_383] {strides = array<i32>} : memref<272xi32, #tpu.memory_space<vmem>>, vector<16xi32>,
    tpu.vector_store %arg11[%swap3A_383], %sub3A_382 {strides = array<i32>} : memref<272xi32, #tpu.memory_space<vmem>>, vector<16xi32>,
    %add3A_385 = vector.broadcast %get3A_379 : i32 to vector<16xi32>
    %add3A_386 = arith.addi %add3A_385, %masked_cumsum3A_376 : vector<16xi32>
    %sub3A_387 = arith.subi %add3A_386, %get3A_373 : vector<16xi32>
    %swap3A_388 = arith.constant 144 : index
    %swap3A_389 = tpu.vector_load %arg12[%swap3A_388] {strides = array<i32>} : memref<272xi32, #tpu.memory_space<vmem>>, vector<16xi32>,
    tpu.vector_store %arg12[%swap3A_388], %sub3A_387 {strides = array<i32>} : memref<272xi32, #tpu.memory_space<vmem>>, vector<16xi32>,
    %reduce_sum3A_390 = arith.constant true
    %reduce_sum3A_391 = vector.broadcast %reduce_sum3A_390 : i1 to vector<16xi1>
    %reduce_sum3A_392 = tpu.scan <sum>, %get3A_373 masked %reduce_sum3A_391 : vector<16xi32>, vector<16xi1> -> vector<16xi32>
    %reduce_sum3A_393 = vector.extract %reduce_sum3A_392[15] : i32 from vector<16xi32>
    %add3A_394 = arith.addi %get3A_379, %reduce_sum3A_393 : i32
    %swap3A_395 = arith.constant 2 : i32
    %swap3A_396 = arith.index_cast %swap3A_395 : i32 to index
    %swap3A_397 = memref.load %arg16[%swap3A_396] : memref<4xi32, #tpu.memory_space<smem>>
    memref.store %add3A_394, %arg16[%swap3A_396] : memref<4xi32, #tpu.memory_space<smem>>
    %get3A_398 = arith.constant 160 : index
    %get3A_399 = tpu.vector_load %arg10[%get3A_398] {strides = array<i32>} : memref<272xi32, #tpu.memory_space<vmem>>, vector<16xi32>,
    %broadcast_in_dim3A_400 = arith.constant true
    %broadcast_in_dim3A_401 = vector.broadcast %broadcast_in_dim3A_400 : i1 to vector<16xi1>
    %masked_cumsum3A_402 = tpu.scan <sum>, %get3A_399 masked %broadcast_in_dim3A_401 : vector<16xi32>, vector<16xi1> -> vector<16xi32>
    %get3A_403 = arith.constant 2 : i32
    %get3A_404 = arith.index_cast %get3A_403 : i32 to index
    %get3A_405 = memref.load %arg16[%get3A_404] : memref<4xi32, #tpu.memory_space<smem>>
    %add3A_406 = vector.broadcast %get3A_405 : i32 to vector<16xi32>
    %add3A_407 = arith.addi %add3A_406, %masked_cumsum3A_402 : vector<16xi32>
    %sub3A_408 = arith.subi %add3A_407, %get3A_399 : vector<16xi32>
    %swap3A_409 = arith.constant 160 : index
    %swap3A_410 = tpu.vector_load %arg11[%swap3A_409] {strides = array<i32>} : memref<272xi32, #tpu.memory_space<vmem>>, vector<16xi32>,
    tpu.vector_store %arg11[%swap3A_409], %sub3A_408 {strides = array<i32>} : memref<272xi32, #tpu.memory_space<vmem>>, vector<16xi32>,
    %add3A_411 = vector.broadcast %get3A_405 : i32 to vector<16xi32>
    %add3A_412 = arith.addi %add3A_411, %masked_cumsum3A_402 : vector<16xi32>
    %sub3A_413 = arith.subi %add3A_412, %get3A_399 : vector<16xi32>
    %swap3A_414 = arith.constant 160 : index
    %swap3A_415 = tpu.vector_load %arg12[%swap3A_414] {strides = array<i32>} : memref<272xi32, #tpu.memory_space<vmem>>, vector<16xi32>,
    tpu.vector_store %arg12[%swap3A_414], %sub3A_413 {strides = array<i32>} : memref<272xi32, #tpu.memory_space<vmem>>, vector<16xi32>,
    %reduce_sum3A_416 = arith.constant true
    %reduce_sum3A_417 = vector.broadcast %reduce_sum3A_416 : i1 to vector<16xi1>
    %reduce_sum3A_418 = tpu.scan <sum>, %get3A_399 masked %reduce_sum3A_417 : vector<16xi32>, vector<16xi1> -> vector<16xi32>
    %reduce_sum3A_419 = vector.extract %reduce_sum3A_418[15] : i32 from vector<16xi32>
    %add3A_420 = arith.addi %get3A_405, %reduce_sum3A_419 : i32
    %swap3A_421 = arith.constant 2 : i32
    %swap3A_422 = arith.index_cast %swap3A_421 : i32 to index
    %swap3A_423 = memref.load %arg16[%swap3A_422] : memref<4xi32, #tpu.memory_space<smem>>
    memref.store %add3A_420, %arg16[%swap3A_422] : memref<4xi32, #tpu.memory_space<smem>>
    %get3A_424 = arith.constant 176 : index
    %get3A_425 = tpu.vector_load %arg10[%get3A_424] {strides = array<i32>} : memref<272xi32, #tpu.memory_space<vmem>>, vector<16xi32>,
    %broadcast_in_dim3A_426 = arith.constant true
    %broadcast_in_dim3A_427 = vector.broadcast %broadcast_in_dim3A_426 : i1 to vector<16xi1>
    %masked_cumsum3A_428 = tpu.scan <sum>, %get3A_425 masked %broadcast_in_dim3A_427 : vector<16xi32>, vector<16xi1> -> vector<16xi32>
    %get3A_429 = arith.constant 2 : i32
    %get3A_430 = arith.index_cast %get3A_429 : i32 to index
    %get3A_431 = memref.load %arg16[%get3A_430] : memref<4xi32, #tpu.memory_space<smem>>
    %add3A_432 = vector.broadcast %get3A_431 : i32 to vector<16xi32>
    %add3A_433 = arith.addi %add3A_432, %masked_cumsum3A_428 : vector<16xi32>
    %sub3A_434 = arith.subi %add3A_433, %get3A_425 : vector<16xi32>
    %swap3A_435 = arith.constant 176 : index
    %swap3A_436 = tpu.vector_load %arg11[%swap3A_435] {strides = array<i32>} : memref<272xi32, #tpu.memory_space<vmem>>, vector<16xi32>,
    tpu.vector_store %arg11[%swap3A_435], %sub3A_434 {strides = array<i32>} : memref<272xi32, #tpu.memory_space<vmem>>, vector<16xi32>,
    %add3A_437 = vector.broadcast %get3A_431 : i32 to vector<16xi32>
    %add3A_438 = arith.addi %add3A_437, %masked_cumsum3A_428 : vector<16xi32>
    %sub3A_439 = arith.subi %add3A_438, %get3A_425 : vector<16xi32>
    %swap3A_440 = arith.constant 176 : index
    %swap3A_441 = tpu.vector_load %arg12[%swap3A_440] {strides = array<i32>} : memref<272xi32, #tpu.memory_space<vmem>>, vector<16xi32>,
    tpu.vector_store %arg12[%swap3A_440], %sub3A_439 {strides = array<i32>} : memref<272xi32, #tpu.memory_space<vmem>>, vector<16xi32>,
    %reduce_sum3A_442 = arith.constant true
    %reduce_sum3A_443 = vector.broadcast %reduce_sum3A_442 : i1 to vector<16xi1>
    %reduce_sum3A_444 = tpu.scan <sum>, %get3A_425 masked %reduce_sum3A_443 : vector<16xi32>, vector<16xi1> -> vector<16xi32>
    %reduce_sum3A_445 = vector.extract %reduce_sum3A_444[15] : i32 from vector<16xi32>
    %add3A_446 = arith.addi %get3A_431, %reduce_sum3A_445 : i32
    %swap3A_447 = arith.constant 2 : i32
    %swap3A_448 = arith.index_cast %swap3A_447 : i32 to index
    %swap3A_449 = memref.load %arg16[%swap3A_448] : memref<4xi32, #tpu.memory_space<smem>>
    memref.store %add3A_446, %arg16[%swap3A_448] : memref<4xi32, #tpu.memory_space<smem>>
    %get3A_450 = arith.constant 192 : index
    %get3A_451 = tpu.vector_load %arg10[%get3A_450] {strides = array<i32>} : memref<272xi32, #tpu.memory_space<vmem>>, vector<16xi32>,
    %broadcast_in_dim3A_452 = arith.constant true
    %broadcast_in_dim3A_453 = vector.broadcast %broadcast_in_dim3A_452 : i1 to vector<16xi1>
    %masked_cumsum3A_454 = tpu.scan <sum>, %get3A_451 masked %broadcast_in_dim3A_453 : vector<16xi32>, vector<16xi1> -> vector<16xi32>
    %get3A_455 = arith.constant 2 : i32
    %get3A_456 = arith.index_cast %get3A_455 : i32 to index
    %get3A_457 = memref.load %arg16[%get3A_456] : memref<4xi32, #tpu.memory_space<smem>>
    %add3A_458 = vector.broadcast %get3A_457 : i32 to vector<16xi32>
    %add3A_459 = arith.addi %add3A_458, %masked_cumsum3A_454 : vector<16xi32>
    %sub3A_460 = arith.subi %add3A_459, %get3A_451 : vector<16xi32>
    %swap3A_461 = arith.constant 192 : index
    %swap3A_462 = tpu.vector_load %arg11[%swap3A_461] {strides = array<i32>} : memref<272xi32, #tpu.memory_space<vmem>>, vector<16xi32>,
    tpu.vector_store %arg11[%swap3A_461], %sub3A_460 {strides = array<i32>} : memref<272xi32, #tpu.memory_space<vmem>>, vector<16xi32>,
    %add3A_463 = vector.broadcast %get3A_457 : i32 to vector<16xi32>
    %add3A_464 = arith.addi %add3A_463, %masked_cumsum3A_454 : vector<16xi32>
    %sub3A_465 = arith.subi %add3A_464, %get3A_451 : vector<16xi32>
    %swap3A_466 = arith.constant 192 : index
    %swap3A_467 = tpu.vector_load %arg12[%swap3A_466] {strides = array<i32>} : memref<272xi32, #tpu.memory_space<vmem>>, vector<16xi32>,
    tpu.vector_store %arg12[%swap3A_466], %sub3A_465 {strides = array<i32>} : memref<272xi32, #tpu.memory_space<vmem>>, vector<16xi32>,
    %reduce_sum3A_468 = arith.constant true
    %reduce_sum3A_469 = vector.broadcast %reduce_sum3A_468 : i1 to vector<16xi1>
    %reduce_sum3A_470 = tpu.scan <sum>, %get3A_451 masked %reduce_sum3A_469 : vector<16xi32>, vector<16xi1> -> vector<16xi32>
    %reduce_sum3A_471 = vector.extract %reduce_sum3A_470[15] : i32 from vector<16xi32>
    %add3A_472 = arith.addi %get3A_457, %reduce_sum3A_471 : i32
    %swap3A_473 = arith.constant 2 : i32
    %swap3A_474 = arith.index_cast %swap3A_473 : i32 to index
    %swap3A_475 = memref.load %arg16[%swap3A_474] : memref<4xi32, #tpu.memory_space<smem>>
    memref.store %add3A_472, %arg16[%swap3A_474] : memref<4xi32, #tpu.memory_space<smem>>
    %get3A_476 = arith.constant 208 : index
    %get3A_477 = tpu.vector_load %arg10[%get3A_476] {strides = array<i32>} : memref<272xi32, #tpu.memory_space<vmem>>, vector<16xi32>,
    %broadcast_in_dim3A_478 = arith.constant true
    %broadcast_in_dim3A_479 = vector.broadcast %broadcast_in_dim3A_478 : i1 to vector<16xi1>
    %masked_cumsum3A_480 = tpu.scan <sum>, %get3A_477 masked %broadcast_in_dim3A_479 : vector<16xi32>, vector<16xi1> -> vector<16xi32>
    %get3A_481 = arith.constant 2 : i32
    %get3A_482 = arith.index_cast %get3A_481 : i32 to index
    %get3A_483 = memref.load %arg16[%get3A_482] : memref<4xi32, #tpu.memory_space<smem>>
    %add3A_484 = vector.broadcast %get3A_483 : i32 to vector<16xi32>
    %add3A_485 = arith.addi %add3A_484, %masked_cumsum3A_480 : vector<16xi32>
    %sub3A_486 = arith.subi %add3A_485, %get3A_477 : vector<16xi32>
    %swap3A_487 = arith.constant 208 : index
    %swap3A_488 = tpu.vector_load %arg11[%swap3A_487] {strides = array<i32>} : memref<272xi32, #tpu.memory_space<vmem>>, vector<16xi32>,
    tpu.vector_store %arg11[%swap3A_487], %sub3A_486 {strides = array<i32>} : memref<272xi32, #tpu.memory_space<vmem>>, vector<16xi32>,
    %add3A_489 = vector.broadcast %get3A_483 : i32 to vector<16xi32>
    %add3A_490 = arith.addi %add3A_489, %masked_cumsum3A_480 : vector<16xi32>
    %sub3A_491 = arith.subi %add3A_490, %get3A_477 : vector<16xi32>
    %swap3A_492 = arith.constant 208 : index
    %swap3A_493 = tpu.vector_load %arg12[%swap3A_492] {strides = array<i32>} : memref<272xi32, #tpu.memory_space<vmem>>, vector<16xi32>,
    tpu.vector_store %arg12[%swap3A_492], %sub3A_491 {strides = array<i32>} : memref<272xi32, #tpu.memory_space<vmem>>, vector<16xi32>,
    %reduce_sum3A_494 = arith.constant true
    %reduce_sum3A_495 = vector.broadcast %reduce_sum3A_494 : i1 to vector<16xi1>
    %reduce_sum3A_496 = tpu.scan <sum>, %get3A_477 masked %reduce_sum3A_495 : vector<16xi32>, vector<16xi1> -> vector<16xi32>
    %reduce_sum3A_497 = vector.extract %reduce_sum3A_496[15] : i32 from vector<16xi32>
    %add3A_498 = arith.addi %get3A_483, %reduce_sum3A_497 : i32
    %swap3A_499 = arith.constant 2 : i32
    %swap3A_500 = arith.index_cast %swap3A_499 : i32 to index
    %swap3A_501 = memref.load %arg16[%swap3A_500] : memref<4xi32, #tpu.memory_space<smem>>
    memref.store %add3A_498, %arg16[%swap3A_500] : memref<4xi32, #tpu.memory_space<smem>>
    %get3A_502 = arith.constant 224 : index
    %get3A_503 = tpu.vector_load %arg10[%get3A_502] {strides = array<i32>} : memref<272xi32, #tpu.memory_space<vmem>>, vector<16xi32>,
    %broadcast_in_dim3A_504 = arith.constant true
    %broadcast_in_dim3A_505 = vector.broadcast %broadcast_in_dim3A_504 : i1 to vector<16xi1>
    %masked_cumsum3A_506 = tpu.scan <sum>, %get3A_503 masked %broadcast_in_dim3A_505 : vector<16xi32>, vector<16xi1> -> vector<16xi32>
    %get3A_507 = arith.constant 2 : i32
    %get3A_508 = arith.index_cast %get3A_507 : i32 to index
    %get3A_509 = memref.load %arg16[%get3A_508] : memref<4xi32, #tpu.memory_space<smem>>
    %add3A_510 = vector.broadcast %get3A_509 : i32 to vector<16xi32>
    %add3A_511 = arith.addi %add3A_510, %masked_cumsum3A_506 : vector<16xi32>
    %sub3A_512 = arith.subi %add3A_511, %get3A_503 : vector<16xi32>
    %swap3A_513 = arith.constant 224 : index
    %swap3A_514 = tpu.vector_load %arg11[%swap3A_513] {strides = array<i32>} : memref<272xi32, #tpu.memory_space<vmem>>, vector<16xi32>,
    tpu.vector_store %arg11[%swap3A_513], %sub3A_512 {strides = array<i32>} : memref<272xi32, #tpu.memory_space<vmem>>, vector<16xi32>,
    %add3A_515 = vector.broadcast %get3A_509 : i32 to vector<16xi32>
    %add3A_516 = arith.addi %add3A_515, %masked_cumsum3A_506 : vector<16xi32>
    %sub3A_517 = arith.subi %add3A_516, %get3A_503 : vector<16xi32>
    %swap3A_518 = arith.constant 224 : index
    %swap3A_519 = tpu.vector_load %arg12[%swap3A_518] {strides = array<i32>} : memref<272xi32, #tpu.memory_space<vmem>>, vector<16xi32>,
    tpu.vector_store %arg12[%swap3A_518], %sub3A_517 {strides = array<i32>} : memref<272xi32, #tpu.memory_space<vmem>>, vector<16xi32>,
    %reduce_sum3A_520 = arith.constant true
    %reduce_sum3A_521 = vector.broadcast %reduce_sum3A_520 : i1 to vector<16xi1>
    %reduce_sum3A_522 = tpu.scan <sum>, %get3A_503 masked %reduce_sum3A_521 : vector<16xi32>, vector<16xi1> -> vector<16xi32>
    %reduce_sum3A_523 = vector.extract %reduce_sum3A_522[15] : i32 from vector<16xi32>
    %add3A_524 = arith.addi %get3A_509, %reduce_sum3A_523 : i32
    %swap3A_525 = arith.constant 2 : i32
    %swap3A_526 = arith.index_cast %swap3A_525 : i32 to index
    %swap3A_527 = memref.load %arg16[%swap3A_526] : memref<4xi32, #tpu.memory_space<smem>>
    memref.store %add3A_524, %arg16[%swap3A_526] : memref<4xi32, #tpu.memory_space<smem>>
    %get3A_528 = arith.constant 240 : index
    %get3A_529 = tpu.vector_load %arg10[%get3A_528] {strides = array<i32>} : memref<272xi32, #tpu.memory_space<vmem>>, vector<16xi32>,
    %broadcast_in_dim3A_530 = arith.constant true
    %broadcast_in_dim3A_531 = vector.broadcast %broadcast_in_dim3A_530 : i1 to vector<16xi1>
    %masked_cumsum3A_532 = tpu.scan <sum>, %get3A_529 masked %broadcast_in_dim3A_531 : vector<16xi32>, vector<16xi1> -> vector<16xi32>
    %get3A_533 = arith.constant 2 : i32
    %get3A_534 = arith.index_cast %get3A_533 : i32 to index
    %get3A_535 = memref.load %arg16[%get3A_534] : memref<4xi32, #tpu.memory_space<smem>>
    %add3A_536 = vector.broadcast %get3A_535 : i32 to vector<16xi32>
    %add3A_537 = arith.addi %add3A_536, %masked_cumsum3A_532 : vector<16xi32>
    %sub3A_538 = arith.subi %add3A_537, %get3A_529 : vector<16xi32>
    %swap3A_539 = arith.constant 240 : index
    %swap3A_540 = tpu.vector_load %arg11[%swap3A_539] {strides = array<i32>} : memref<272xi32, #tpu.memory_space<vmem>>, vector<16xi32>,
    tpu.vector_store %arg11[%swap3A_539], %sub3A_538 {strides = array<i32>} : memref<272xi32, #tpu.memory_space<vmem>>, vector<16xi32>,
    %add3A_541 = vector.broadcast %get3A_535 : i32 to vector<16xi32>
    %add3A_542 = arith.addi %add3A_541, %masked_cumsum3A_532 : vector<16xi32>
    %sub3A_543 = arith.subi %add3A_542, %get3A_529 : vector<16xi32>
    %swap3A_544 = arith.constant 240 : index
    %swap3A_545 = tpu.vector_load %arg12[%swap3A_544] {strides = array<i32>} : memref<272xi32, #tpu.memory_space<vmem>>, vector<16xi32>,
    tpu.vector_store %arg12[%swap3A_544], %sub3A_543 {strides = array<i32>} : memref<272xi32, #tpu.memory_space<vmem>>, vector<16xi32>,
    %reduce_sum3A_546 = arith.constant true
    %reduce_sum3A_547 = vector.broadcast %reduce_sum3A_546 : i1 to vector<16xi1>
    %reduce_sum3A_548 = tpu.scan <sum>, %get3A_529 masked %reduce_sum3A_547 : vector<16xi32>, vector<16xi1> -> vector<16xi32>
    %reduce_sum3A_549 = vector.extract %reduce_sum3A_548[15] : i32 from vector<16xi32>
    %add3A_550 = arith.addi %get3A_535, %reduce_sum3A_549 : i32
    %swap3A_551 = arith.constant 2 : i32
    %swap3A_552 = arith.index_cast %swap3A_551 : i32 to index
    %swap3A_553 = memref.load %arg16[%swap3A_552] : memref<4xi32, #tpu.memory_space<smem>>
    memref.store %add3A_550, %arg16[%swap3A_552] : memref<4xi32, #tpu.memory_space<smem>>
    %get3A_554 = arith.constant 256 : index
    %get3A_555 = tpu.vector_load %arg10[%get3A_554] {strides = array<i32>} : memref<272xi32, #tpu.memory_space<vmem>>, vector<16xi32>,
    %broadcast_in_dim3A_556 = arith.constant true
    %broadcast_in_dim3A_557 = vector.broadcast %broadcast_in_dim3A_556 : i1 to vector<16xi1>
    %masked_cumsum3A_558 = tpu.scan <sum>, %get3A_555 masked %broadcast_in_dim3A_557 : vector<16xi32>, vector<16xi1> -> vector<16xi32>
    %get3A_559 = arith.constant 2 : i32
    %get3A_560 = arith.index_cast %get3A_559 : i32 to index
    %get3A_561 = memref.load %arg16[%get3A_560] : memref<4xi32, #tpu.memory_space<smem>>
    %add3A_562 = vector.broadcast %get3A_561 : i32 to vector<16xi32>
    %add3A_563 = arith.addi %add3A_562, %masked_cumsum3A_558 : vector<16xi32>
    %sub3A_564 = arith.subi %add3A_563, %get3A_555 : vector<16xi32>
    %swap3A_565 = arith.constant 256 : index
    %swap3A_566 = tpu.vector_load %arg11[%swap3A_565] {strides = array<i32>} : memref<272xi32, #tpu.memory_space<vmem>>, vector<16xi32>,
    tpu.vector_store %arg11[%swap3A_565], %sub3A_564 {strides = array<i32>} : memref<272xi32, #tpu.memory_space<vmem>>, vector<16xi32>,
    %add3A_567 = vector.broadcast %get3A_561 : i32 to vector<16xi32>
    %add3A_568 = arith.addi %add3A_567, %masked_cumsum3A_558 : vector<16xi32>
    %sub3A_569 = arith.subi %add3A_568, %get3A_555 : vector<16xi32>
    %swap3A_570 = arith.constant 256 : index
    %swap3A_571 = tpu.vector_load %arg12[%swap3A_570] {strides = array<i32>} : memref<272xi32, #tpu.memory_space<vmem>>, vector<16xi32>,
    tpu.vector_store %arg12[%swap3A_570], %sub3A_569 {strides = array<i32>} : memref<272xi32, #tpu.memory_space<vmem>>, vector<16xi32>,
    %reduce_sum3A_572 = arith.constant true
    %reduce_sum3A_573 = vector.broadcast %reduce_sum3A_572 : i1 to vector<16xi1>
    %reduce_sum3A_574 = tpu.scan <sum>, %get3A_555 masked %reduce_sum3A_573 : vector<16xi32>, vector<16xi1> -> vector<16xi32>
    %reduce_sum3A_575 = vector.extract %reduce_sum3A_574[15] : i32 from vector<16xi32>
    %add3A_576 = arith.addi %get3A_561, %reduce_sum3A_575 : i32
    %swap3A_577 = arith.constant 2 : i32
    %swap3A_578 = arith.index_cast %swap3A_577 : i32 to index
    %swap3A_579 = memref.load %arg16[%swap3A_578] : memref<4xi32, #tpu.memory_space<smem>>
    memref.store %add3A_576, %arg16[%swap3A_578] : memref<4xi32, #tpu.memory_space<smem>>
    %while3A_580 = arith.constant 0 : i32
    %while3A_581 = arith.constant 0 : i32
    %while3A_582 = arith.subi %get3A_19, %while3A_581 : i32
    %while3A_583 = arith.addi %while3A_581, %while3A_582 : i32
    %while3A_584 = arith.constant 1 : i32
    %while3A_585 = arith.divsi %while3A_582, %while3A_584 : i32
    %while3A_586 = arith.muli %while3A_585, %while3A_584 : i32
    %while3A_587 = arith.addi %while3A_581, %while3A_586 : i32
    %while3A_588 = arith.constant 1 : i32
    scf.for %while3A_625 = %while3A_581 to %while3A_587 step %while3A_588  : i32 {
      %get3A_626 = arith.index_cast %while3A_625 : i32 to index
      %get3A_627 = tpu.vector_load %arg7[%get3A_626] {strides = array<i32>} : memref<16400xi32, #tpu.memory_space<vmem>>, vector<16xi32>,
      %slice3A = vector.extract_strided_slice %get3A_627 {offsets = [0], sizes = [1], strides = [1]} : vector<16xi32> to vector<1xi32>
      %squeeze3A = vector.extract %slice3A[0] : i32 from vector<1xi32>
      %get3A_628 = arith.index_cast %while3A_625 : i32 to index
      %get3A_629 = tpu.vector_load %arg8[%get3A_628] {strides = array<i32>} : memref<16400xi32, #tpu.memory_space<vmem>>, vector<16xi32>,
      %slice3A_630 = vector.extract_strided_slice %get3A_629 {offsets = [0], sizes = [1], strides = [1]} : vector<16xi32> to vector<1xi32>
      %squeeze3A_631 = vector.extract %slice3A_630[0] : i32 from vector<1xi32>
      %shift_right_logical3A = arith.constant 7 : i32
      %shift_right_logical3A_632 = arith.shrui %squeeze3A, %shift_right_logical3A : i32
      %sub3A_633 = arith.subi %shift_right_logical3A_632, %mul3A_2 : i32
      %get3A_634 = arith.index_cast %sub3A_633 : i32 to index
      %get3A_635 = tpu.vector_load %arg12[%get3A_634] {strides = array<i32>} : memref<272xi32, #tpu.memory_space<vmem>>, vector<16xi32>,
      %slice3A_636 = vector.extract_strided_slice %get3A_635 {offsets = [0], sizes = [1], strides = [1]} : vector<16xi32> to vector<1xi32>
      %squeeze3A_637 = vector.extract %slice3A_636[0] : i32 from vector<1xi32>
      %mul3A_638 = arith.constant 0 : i32
      %mul3A_639 = vector.broadcast %mul3A_638 : i32 to vector<16xi32>
      %mul3A_640 = arith.muli %iota3A, %mul3A_639 : vector<16xi32>
      %add3A_641 = vector.broadcast %squeeze3A_637 : i32 to vector<16xi32>
      %add3A_642 = arith.addi %add3A_641, %mul3A_640 : vector<16xi32>
      %mul3A_643 = arith.constant 0 : i32
      %mul3A_644 = vector.broadcast %mul3A_643 : i32 to vector<16xi32>
      %mul3A_645 = arith.muli %iota3A, %mul3A_644 : vector<16xi32>
      %add3A_646 = vector.broadcast %squeeze3A : i32 to vector<16xi32>
      %add3A_647 = arith.addi %add3A_646, %mul3A_645 : vector<16xi32>
      tpu.vector_store_idx %arg6[%add3A_642], %add3A_647 : memref<16400xi32, #tpu.memory_space<vmem>>[vector<16xi32>], vector<16xi32>,
      %mul3A_648 = arith.constant 0 : i32
      %mul3A_649 = vector.broadcast %mul3A_648 : i32 to vector<16xi32>
      %mul3A_650 = arith.muli %iota3A, %mul3A_649 : vector<16xi32>
      %add3A_651 = vector.broadcast %squeeze3A_637 : i32 to vector<16xi32>
      %add3A_652 = arith.addi %add3A_651, %mul3A_650 : vector<16xi32>
      %mul3A_653 = arith.constant 0 : i32
      %mul3A_654 = vector.broadcast %mul3A_653 : i32 to vector<16xi32>
      %mul3A_655 = arith.muli %iota3A, %mul3A_654 : vector<16xi32>
      %add3A_656 = vector.broadcast %squeeze3A_631 : i32 to vector<16xi32>
      %add3A_657 = arith.addi %add3A_656, %mul3A_655 : vector<16xi32>
      tpu.vector_store_idx %arg9[%add3A_652], %add3A_657 : memref<16400xi32, #tpu.memory_space<vmem>>[vector<16xi32>], vector<16xi32>,
      %mul3A_658 = arith.constant 0 : i32
      %mul3A_659 = vector.broadcast %mul3A_658 : i32 to vector<16xi32>
      %mul3A_660 = arith.muli %iota3A, %mul3A_659 : vector<16xi32>
      %add3A_661 = vector.broadcast %sub3A_633 : i32 to vector<16xi32>
      %add3A_662 = arith.addi %add3A_661, %mul3A_660 : vector<16xi32>
      %add3A_663 = arith.constant 1 : i32
      %add3A_664 = arith.addi %squeeze3A_637, %add3A_663 : i32
      %mul3A_665 = arith.constant 0 : i32
      %mul3A_666 = vector.broadcast %mul3A_665 : i32 to vector<16xi32>
      %mul3A_667 = arith.muli %iota3A, %mul3A_666 : vector<16xi32>
      %add3A_668 = vector.broadcast %add3A_664 : i32 to vector<16xi32>
      %add3A_669 = arith.addi %add3A_668, %mul3A_667 : vector<16xi32>
      tpu.vector_store_idx %arg12[%add3A_662], %add3A_669 : memref<272xi32, #tpu.memory_space<vmem>>[vector<16xi32>], vector<16xi32>,
    }
    %while3A_589 = arith.constant 1 : i32
    scf.for %while3A_625 = %while3A_587 to %while3A_583 step %while3A_589  : i32 {
      %get3A_626 = arith.index_cast %while3A_625 : i32 to index
      %get3A_627 = tpu.vector_load %arg7[%get3A_626] {strides = array<i32>} : memref<16400xi32, #tpu.memory_space<vmem>>, vector<16xi32>,
      %slice3A = vector.extract_strided_slice %get3A_627 {offsets = [0], sizes = [1], strides = [1]} : vector<16xi32> to vector<1xi32>
      %squeeze3A = vector.extract %slice3A[0] : i32 from vector<1xi32>
      %get3A_628 = arith.index_cast %while3A_625 : i32 to index
      %get3A_629 = tpu.vector_load %arg8[%get3A_628] {strides = array<i32>} : memref<16400xi32, #tpu.memory_space<vmem>>, vector<16xi32>,
      %slice3A_630 = vector.extract_strided_slice %get3A_629 {offsets = [0], sizes = [1], strides = [1]} : vector<16xi32> to vector<1xi32>
      %squeeze3A_631 = vector.extract %slice3A_630[0] : i32 from vector<1xi32>
      %shift_right_logical3A = arith.constant 7 : i32
      %shift_right_logical3A_632 = arith.shrui %squeeze3A, %shift_right_logical3A : i32
      %sub3A_633 = arith.subi %shift_right_logical3A_632, %mul3A_2 : i32
      %get3A_634 = arith.index_cast %sub3A_633 : i32 to index
      %get3A_635 = tpu.vector_load %arg12[%get3A_634] {strides = array<i32>} : memref<272xi32, #tpu.memory_space<vmem>>, vector<16xi32>,
      %slice3A_636 = vector.extract_strided_slice %get3A_635 {offsets = [0], sizes = [1], strides = [1]} : vector<16xi32> to vector<1xi32>
      %squeeze3A_637 = vector.extract %slice3A_636[0] : i32 from vector<1xi32>
      %mul3A_638 = arith.constant 0 : i32
      %mul3A_639 = vector.broadcast %mul3A_638 : i32 to vector<16xi32>
      %mul3A_640 = arith.muli %iota3A, %mul3A_639 : vector<16xi32>
      %add3A_641 = vector.broadcast %squeeze3A_637 : i32 to vector<16xi32>
      %add3A_642 = arith.addi %add3A_641, %mul3A_640 : vector<16xi32>
      %mul3A_643 = arith.constant 0 : i32
      %mul3A_644 = vector.broadcast %mul3A_643 : i32 to vector<16xi32>
      %mul3A_645 = arith.muli %iota3A, %mul3A_644 : vector<16xi32>
      %add3A_646 = vector.broadcast %squeeze3A : i32 to vector<16xi32>
      %add3A_647 = arith.addi %add3A_646, %mul3A_645 : vector<16xi32>
      tpu.vector_store_idx %arg6[%add3A_642], %add3A_647 : memref<16400xi32, #tpu.memory_space<vmem>>[vector<16xi32>], vector<16xi32>,
      %mul3A_648 = arith.constant 0 : i32
      %mul3A_649 = vector.broadcast %mul3A_648 : i32 to vector<16xi32>
      %mul3A_650 = arith.muli %iota3A, %mul3A_649 : vector<16xi32>
      %add3A_651 = vector.broadcast %squeeze3A_637 : i32 to vector<16xi32>
      %add3A_652 = arith.addi %add3A_651, %mul3A_650 : vector<16xi32>
      %mul3A_653 = arith.constant 0 : i32
      %mul3A_654 = vector.broadcast %mul3A_653 : i32 to vector<16xi32>
      %mul3A_655 = arith.muli %iota3A, %mul3A_654 : vector<16xi32>
      %add3A_656 = vector.broadcast %squeeze3A_631 : i32 to vector<16xi32>
      %add3A_657 = arith.addi %add3A_656, %mul3A_655 : vector<16xi32>
      tpu.vector_store_idx %arg9[%add3A_652], %add3A_657 : memref<16400xi32, #tpu.memory_space<vmem>>[vector<16xi32>], vector<16xi32>,
      %mul3A_658 = arith.constant 0 : i32
      %mul3A_659 = vector.broadcast %mul3A_658 : i32 to vector<16xi32>
      %mul3A_660 = arith.muli %iota3A, %mul3A_659 : vector<16xi32>
      %add3A_661 = vector.broadcast %sub3A_633 : i32 to vector<16xi32>
      %add3A_662 = arith.addi %add3A_661, %mul3A_660 : vector<16xi32>
      %add3A_663 = arith.constant 1 : i32
      %add3A_664 = arith.addi %squeeze3A_637, %add3A_663 : i32
      %mul3A_665 = arith.constant 0 : i32
      %mul3A_666 = vector.broadcast %mul3A_665 : i32 to vector<16xi32>
      %mul3A_667 = arith.muli %iota3A, %mul3A_666 : vector<16xi32>
      %add3A_668 = vector.broadcast %add3A_664 : i32 to vector<16xi32>
      %add3A_669 = arith.addi %add3A_668, %mul3A_667 : vector<16xi32>
      tpu.vector_store_idx %arg12[%add3A_662], %add3A_669 : memref<272xi32, #tpu.memory_space<vmem>>[vector<16xi32>], vector<16xi32>,
    }
    %barrier3A_590 = arith.constant 0 : index
    tpu.barrier barrier_id(%barrier3A_590)
    %add3A_591 = arith.constant 0 : i32
    %add3A_592 = arith.addi %mul3A_2, %add3A_591 : i32
    %lt3A = arith.cmpi slt, %add3A_592, %min3A_5 : i32
    %convert_element_type3A = arith.extui %lt3A : i1 to i32
    %cond3A = arith.constant 0 : i32
    %cond3A_593 = arith.cmpi ne, %convert_element_type3A, %cond3A : i32
    scf.if %cond3A_593 {
      %eq3A = arith.constant 7812 : i32
      %eq3A_625 = arith.cmpi eq, %add3A_592, %eq3A : i32
      %convert_element_type3A_626 = arith.extui %eq3A_625 : i1 to i32
      %cond3A_627 = arith.constant 0 : i32
      %cond3A_628 = arith.cmpi ne, %convert_element_type3A_626, %cond3A_627 : i32
      scf.if %cond3A_628 {
        %dma_start3A = arith.constant 0 : i32
        %dma_start3A_634 = arith.constant 0 : i32
        %dma_start3A_635 = arith.constant 0 : i32
        %dma_start3A_636 = tpu.memref_slice %arg13[%dma_start3A, %dma_start3A_634, %dma_start3A_635] : memref<4x64x128xf32, #tpu.memory_space<vmem>> -> memref<1x64x128xf32, #tpu.memory_space<vmem>>
        %dma_start3A_637 = tpu.memref_squeeze %dma_start3A_636 : memref<1x64x128xf32, #tpu.memory_space<vmem>> -> memref<64x128xf32, #tpu.memory_space<vmem>>
        %dma_start3A_638 = arith.constant 0 : i32
        %dma_start3A_639 = arith.constant 0 : i32
        %dma_start3A_640 = tpu.memref_slice %arg13[%dma_start3A, %dma_start3A_638, %dma_start3A_639] : memref<4x64x128xf32, #tpu.memory_space<vmem>> -> memref<1x64x128xf32, #tpu.memory_space<vmem>>
        %dma_start3A_641 = tpu.memref_squeeze %dma_start3A_640 : memref<1x64x128xf32, #tpu.memory_space<vmem>> -> memref<64x128xf32, #tpu.memory_space<vmem>>
        tpu.enqueue_dma source(%arg4 : memref<64x128xf32, #tpu.memory_space<hbm>>) target(%dma_start3A_641 : memref<64x128xf32, #tpu.memory_space<vmem>>) target_semaphore(%arg18 : memref<!tpu.dma_semaphore, #tpu.memory_space<semaphore_mem>>)
      } else {
      }
      %ne3A_629 = arith.constant 7812 : i32
      %ne3A_630 = arith.cmpi ne, %add3A_592, %ne3A_629 : i32
      %convert_element_type3A_631 = arith.extui %ne3A_630 : i1 to i32
      %cond3A_632 = arith.constant 0 : i32
      %cond3A_633 = arith.cmpi ne, %convert_element_type3A_631, %cond3A_632 : i32
      scf.if %cond3A_633 {
        %mul3A_634 = arith.constant 128 : i32
        %mul3A_635 = arith.muli %add3A_592, %mul3A_634 : i32
        %multiple_of3A = tpu.assume_multiple %mul3A_635, 128 : i32
        %dma_start3A = arith.constant 0 : i32
        %dma_start3A_636 = arith.constant 0 : i32
        %dma_start3A_637 = arith.constant 0 : i32
        %dma_start3A_638 = tpu.memref_slice %arg13[%dma_start3A, %dma_start3A_636, %dma_start3A_637] : memref<4x64x128xf32, #tpu.memory_space<vmem>> -> memref<1x64x128xf32, #tpu.memory_space<vmem>>
        %dma_start3A_639 = tpu.memref_squeeze %dma_start3A_638 : memref<1x64x128xf32, #tpu.memory_space<vmem>> -> memref<64x128xf32, #tpu.memory_space<vmem>>
        %dma_start3A_640 = arith.constant 0 : i32
        %dma_start3A_641 = tpu.memref_slice %arg3[%dma_start3A_640, %multiple_of3A] : memref<64x1000001xf32, #tpu.memory_space<hbm>> -> memref<64x128xf32, #tpu.memory_space<hbm>>
        %dma_start3A_642 = arith.constant 0 : i32
        %dma_start3A_643 = arith.constant 0 : i32
        %dma_start3A_644 = tpu.memref_slice %arg13[%dma_start3A, %dma_start3A_642, %dma_start3A_643] : memref<4x64x128xf32, #tpu.memory_space<vmem>> -> memref<1x64x128xf32, #tpu.memory_space<vmem>>
        %dma_start3A_645 = tpu.memref_squeeze %dma_start3A_644 : memref<1x64x128xf32, #tpu.memory_space<vmem>> -> memref<64x128xf32, #tpu.memory_space<vmem>>
        %dma_start3A_646 = arith.constant 0 : i32
        %dma_start3A_647 = tpu.memref_slice %arg3[%dma_start3A_646, %multiple_of3A] : memref<64x1000001xf32, #tpu.memory_space<hbm>> -> memref<64x128xf32, #tpu.memory_space<hbm>>
        tpu.enqueue_dma source(%dma_start3A_647 : memref<64x128xf32, #tpu.memory_space<hbm>>) target(%dma_start3A_645 : memref<64x128xf32, #tpu.memory_space<vmem>>) target_semaphore(%arg18 : memref<!tpu.dma_semaphore, #tpu.memory_space<semaphore_mem>>)
      } else {
      }
    } else {
    }
    %add3A_594 = arith.constant 1 : i32
    %add3A_595 = arith.addi %mul3A_2, %add3A_594 : i32
    %lt3A_596 = arith.cmpi slt, %add3A_595, %min3A_5 : i32
    %convert_element_type3A_597 = arith.extui %lt3A_596 : i1 to i32
    %cond3A_598 = arith.constant 0 : i32
    %cond3A_599 = arith.cmpi ne, %convert_element_type3A_597, %cond3A_598 : i32
    scf.if %cond3A_599 {
      %eq3A = arith.constant 7812 : i32
      %eq3A_625 = arith.cmpi eq, %add3A_595, %eq3A : i32
      %convert_element_type3A_626 = arith.extui %eq3A_625 : i1 to i32
      %cond3A_627 = arith.constant 0 : i32
      %cond3A_628 = arith.cmpi ne, %convert_element_type3A_626, %cond3A_627 : i32
      scf.if %cond3A_628 {
        %dma_start3A = arith.constant 1 : i32
        %dma_start3A_634 = arith.constant 0 : i32
        %dma_start3A_635 = arith.constant 0 : i32
        %dma_start3A_636 = tpu.memref_slice %arg13[%dma_start3A, %dma_start3A_634, %dma_start3A_635] : memref<4x64x128xf32, #tpu.memory_space<vmem>> -> memref<1x64x128xf32, #tpu.memory_space<vmem>>
        %dma_start3A_637 = tpu.memref_squeeze %dma_start3A_636 : memref<1x64x128xf32, #tpu.memory_space<vmem>> -> memref<64x128xf32, #tpu.memory_space<vmem>>
        %dma_start3A_638 = arith.constant 0 : i32
        %dma_start3A_639 = arith.constant 0 : i32
        %dma_start3A_640 = tpu.memref_slice %arg13[%dma_start3A, %dma_start3A_638, %dma_start3A_639] : memref<4x64x128xf32, #tpu.memory_space<vmem>> -> memref<1x64x128xf32, #tpu.memory_space<vmem>>
        %dma_start3A_641 = tpu.memref_squeeze %dma_start3A_640 : memref<1x64x128xf32, #tpu.memory_space<vmem>> -> memref<64x128xf32, #tpu.memory_space<vmem>>
        tpu.enqueue_dma source(%arg4 : memref<64x128xf32, #tpu.memory_space<hbm>>) target(%dma_start3A_641 : memref<64x128xf32, #tpu.memory_space<vmem>>) target_semaphore(%arg19 : memref<!tpu.dma_semaphore, #tpu.memory_space<semaphore_mem>>)
      } else {
      }
      %ne3A_629 = arith.constant 7812 : i32
      %ne3A_630 = arith.cmpi ne, %add3A_595, %ne3A_629 : i32
      %convert_element_type3A_631 = arith.extui %ne3A_630 : i1 to i32
      %cond3A_632 = arith.constant 0 : i32
      %cond3A_633 = arith.cmpi ne, %convert_element_type3A_631, %cond3A_632 : i32
      scf.if %cond3A_633 {
        %mul3A_634 = arith.constant 128 : i32
        %mul3A_635 = arith.muli %add3A_595, %mul3A_634 : i32
        %multiple_of3A = tpu.assume_multiple %mul3A_635, 128 : i32
        %dma_start3A = arith.constant 1 : i32
        %dma_start3A_636 = arith.constant 0 : i32
        %dma_start3A_637 = arith.constant 0 : i32
        %dma_start3A_638 = tpu.memref_slice %arg13[%dma_start3A, %dma_start3A_636, %dma_start3A_637] : memref<4x64x128xf32, #tpu.memory_space<vmem>> -> memref<1x64x128xf32, #tpu.memory_space<vmem>>
        %dma_start3A_639 = tpu.memref_squeeze %dma_start3A_638 : memref<1x64x128xf32, #tpu.memory_space<vmem>> -> memref<64x128xf32, #tpu.memory_space<vmem>>
        %dma_start3A_640 = arith.constant 0 : i32
        %dma_start3A_641 = tpu.memref_slice %arg3[%dma_start3A_640, %multiple_of3A] : memref<64x1000001xf32, #tpu.memory_space<hbm>> -> memref<64x128xf32, #tpu.memory_space<hbm>>
        %dma_start3A_642 = arith.constant 0 : i32
        %dma_start3A_643 = arith.constant 0 : i32
        %dma_start3A_644 = tpu.memref_slice %arg13[%dma_start3A, %dma_start3A_642, %dma_start3A_643] : memref<4x64x128xf32, #tpu.memory_space<vmem>> -> memref<1x64x128xf32, #tpu.memory_space<vmem>>
        %dma_start3A_645 = tpu.memref_squeeze %dma_start3A_644 : memref<1x64x128xf32, #tpu.memory_space<vmem>> -> memref<64x128xf32, #tpu.memory_space<vmem>>
        %dma_start3A_646 = arith.constant 0 : i32
        %dma_start3A_647 = tpu.memref_slice %arg3[%dma_start3A_646, %multiple_of3A] : memref<64x1000001xf32, #tpu.memory_space<hbm>> -> memref<64x128xf32, #tpu.memory_space<hbm>>
        tpu.enqueue_dma source(%dma_start3A_647 : memref<64x128xf32, #tpu.memory_space<hbm>>) target(%dma_start3A_645 : memref<64x128xf32, #tpu.memory_space<vmem>>) target_semaphore(%arg19 : memref<!tpu.dma_semaphore, #tpu.memory_space<semaphore_mem>>)
      } else {
      }
    } else {
    }
    %add3A_600 = arith.constant 2 : i32
    %add3A_601 = arith.addi %mul3A_2, %add3A_600 : i32
    %lt3A_602 = arith.cmpi slt, %add3A_601, %min3A_5 : i32
    %convert_element_type3A_603 = arith.extui %lt3A_602 : i1 to i32
    %cond3A_604 = arith.constant 0 : i32
    %cond3A_605 = arith.cmpi ne, %convert_element_type3A_603, %cond3A_604 : i32
    scf.if %cond3A_605 {
      %eq3A = arith.constant 7812 : i32
      %eq3A_625 = arith.cmpi eq, %add3A_601, %eq3A : i32
      %convert_element_type3A_626 = arith.extui %eq3A_625 : i1 to i32
      %cond3A_627 = arith.constant 0 : i32
      %cond3A_628 = arith.cmpi ne, %convert_element_type3A_626, %cond3A_627 : i32
      scf.if %cond3A_628 {
        %dma_start3A = arith.constant 2 : i32
        %dma_start3A_634 = arith.constant 0 : i32
        %dma_start3A_635 = arith.constant 0 : i32
        %dma_start3A_636 = tpu.memref_slice %arg13[%dma_start3A, %dma_start3A_634, %dma_start3A_635] : memref<4x64x128xf32, #tpu.memory_space<vmem>> -> memref<1x64x128xf32, #tpu.memory_space<vmem>>
        %dma_start3A_637 = tpu.memref_squeeze %dma_start3A_636 : memref<1x64x128xf32, #tpu.memory_space<vmem>> -> memref<64x128xf32, #tpu.memory_space<vmem>>
        %dma_start3A_638 = arith.constant 0 : i32
        %dma_start3A_639 = arith.constant 0 : i32
        %dma_start3A_640 = tpu.memref_slice %arg13[%dma_start3A, %dma_start3A_638, %dma_start3A_639] : memref<4x64x128xf32, #tpu.memory_space<vmem>> -> memref<1x64x128xf32, #tpu.memory_space<vmem>>
        %dma_start3A_641 = tpu.memref_squeeze %dma_start3A_640 : memref<1x64x128xf32, #tpu.memory_space<vmem>> -> memref<64x128xf32, #tpu.memory_space<vmem>>
        tpu.enqueue_dma source(%arg4 : memref<64x128xf32, #tpu.memory_space<hbm>>) target(%dma_start3A_641 : memref<64x128xf32, #tpu.memory_space<vmem>>) target_semaphore(%arg20 : memref<!tpu.dma_semaphore, #tpu.memory_space<semaphore_mem>>)
      } else {
      }
      %ne3A_629 = arith.constant 7812 : i32
      %ne3A_630 = arith.cmpi ne, %add3A_601, %ne3A_629 : i32
      %convert_element_type3A_631 = arith.extui %ne3A_630 : i1 to i32
      %cond3A_632 = arith.constant 0 : i32
      %cond3A_633 = arith.cmpi ne, %convert_element_type3A_631, %cond3A_632 : i32
      scf.if %cond3A_633 {
        %mul3A_634 = arith.constant 128 : i32
        %mul3A_635 = arith.muli %add3A_601, %mul3A_634 : i32
        %multiple_of3A = tpu.assume_multiple %mul3A_635, 128 : i32
        %dma_start3A = arith.constant 2 : i32
        %dma_start3A_636 = arith.constant 0 : i32
        %dma_start3A_637 = arith.constant 0 : i32
        %dma_start3A_638 = tpu.memref_slice %arg13[%dma_start3A, %dma_start3A_636, %dma_start3A_637] : memref<4x64x128xf32, #tpu.memory_space<vmem>> -> memref<1x64x128xf32, #tpu.memory_space<vmem>>
        %dma_start3A_639 = tpu.memref_squeeze %dma_start3A_638 : memref<1x64x128xf32, #tpu.memory_space<vmem>> -> memref<64x128xf32, #tpu.memory_space<vmem>>
        %dma_start3A_640 = arith.constant 0 : i32
        %dma_start3A_641 = tpu.memref_slice %arg3[%dma_start3A_640, %multiple_of3A] : memref<64x1000001xf32, #tpu.memory_space<hbm>> -> memref<64x128xf32, #tpu.memory_space<hbm>>
        %dma_start3A_642 = arith.constant 0 : i32
        %dma_start3A_643 = arith.constant 0 : i32
        %dma_start3A_644 = tpu.memref_slice %arg13[%dma_start3A, %dma_start3A_642, %dma_start3A_643] : memref<4x64x128xf32, #tpu.memory_space<vmem>> -> memref<1x64x128xf32, #tpu.memory_space<vmem>>
        %dma_start3A_645 = tpu.memref_squeeze %dma_start3A_644 : memref<1x64x128xf32, #tpu.memory_space<vmem>> -> memref<64x128xf32, #tpu.memory_space<vmem>>
        %dma_start3A_646 = arith.constant 0 : i32
        %dma_start3A_647 = tpu.memref_slice %arg3[%dma_start3A_646, %multiple_of3A] : memref<64x1000001xf32, #tpu.memory_space<hbm>> -> memref<64x128xf32, #tpu.memory_space<hbm>>
        tpu.enqueue_dma source(%dma_start3A_647 : memref<64x128xf32, #tpu.memory_space<hbm>>) target(%dma_start3A_645 : memref<64x128xf32, #tpu.memory_space<vmem>>) target_semaphore(%arg20 : memref<!tpu.dma_semaphore, #tpu.memory_space<semaphore_mem>>)
      } else {
      }
    } else {
    }
    %add3A_606 = arith.constant 3 : i32
    %add3A_607 = arith.addi %mul3A_2, %add3A_606 : i32
    %lt3A_608 = arith.cmpi slt, %add3A_607, %min3A_5 : i32
    %convert_element_type3A_609 = arith.extui %lt3A_608 : i1 to i32
    %cond3A_610 = arith.constant 0 : i32
    %cond3A_611 = arith.cmpi ne, %convert_element_type3A_609, %cond3A_610 : i32
    scf.if %cond3A_611 {
      %eq3A = arith.constant 7812 : i32
      %eq3A_625 = arith.cmpi eq, %add3A_607, %eq3A : i32
      %convert_element_type3A_626 = arith.extui %eq3A_625 : i1 to i32
      %cond3A_627 = arith.constant 0 : i32
      %cond3A_628 = arith.cmpi ne, %convert_element_type3A_626, %cond3A_627 : i32
      scf.if %cond3A_628 {
        %dma_start3A = arith.constant 3 : i32
        %dma_start3A_634 = arith.constant 0 : i32
        %dma_start3A_635 = arith.constant 0 : i32
        %dma_start3A_636 = tpu.memref_slice %arg13[%dma_start3A, %dma_start3A_634, %dma_start3A_635] : memref<4x64x128xf32, #tpu.memory_space<vmem>> -> memref<1x64x128xf32, #tpu.memory_space<vmem>>
        %dma_start3A_637 = tpu.memref_squeeze %dma_start3A_636 : memref<1x64x128xf32, #tpu.memory_space<vmem>> -> memref<64x128xf32, #tpu.memory_space<vmem>>
        %dma_start3A_638 = arith.constant 0 : i32
        %dma_start3A_639 = arith.constant 0 : i32
        %dma_start3A_640 = tpu.memref_slice %arg13[%dma_start3A, %dma_start3A_638, %dma_start3A_639] : memref<4x64x128xf32, #tpu.memory_space<vmem>> -> memref<1x64x128xf32, #tpu.memory_space<vmem>>
        %dma_start3A_641 = tpu.memref_squeeze %dma_start3A_640 : memref<1x64x128xf32, #tpu.memory_space<vmem>> -> memref<64x128xf32, #tpu.memory_space<vmem>>
        tpu.enqueue_dma source(%arg4 : memref<64x128xf32, #tpu.memory_space<hbm>>) target(%dma_start3A_641 : memref<64x128xf32, #tpu.memory_space<vmem>>) target_semaphore(%arg21 : memref<!tpu.dma_semaphore, #tpu.memory_space<semaphore_mem>>)
      } else {
      }
      %ne3A_629 = arith.constant 7812 : i32
      %ne3A_630 = arith.cmpi ne, %add3A_607, %ne3A_629 : i32
      %convert_element_type3A_631 = arith.extui %ne3A_630 : i1 to i32
      %cond3A_632 = arith.constant 0 : i32
      %cond3A_633 = arith.cmpi ne, %convert_element_type3A_631, %cond3A_632 : i32
      scf.if %cond3A_633 {
        %mul3A_634 = arith.constant 128 : i32
        %mul3A_635 = arith.muli %add3A_607, %mul3A_634 : i32
        %multiple_of3A = tpu.assume_multiple %mul3A_635, 128 : i32
        %dma_start3A = arith.constant 3 : i32
        %dma_start3A_636 = arith.constant 0 : i32
        %dma_start3A_637 = arith.constant 0 : i32
        %dma_start3A_638 = tpu.memref_slice %arg13[%dma_start3A, %dma_start3A_636, %dma_start3A_637] : memref<4x64x128xf32, #tpu.memory_space<vmem>> -> memref<1x64x128xf32, #tpu.memory_space<vmem>>
        %dma_start3A_639 = tpu.memref_squeeze %dma_start3A_638 : memref<1x64x128xf32, #tpu.memory_space<vmem>> -> memref<64x128xf32, #tpu.memory_space<vmem>>
        %dma_start3A_640 = arith.constant 0 : i32
        %dma_start3A_641 = tpu.memref_slice %arg3[%dma_start3A_640, %multiple_of3A] : memref<64x1000001xf32, #tpu.memory_space<hbm>> -> memref<64x128xf32, #tpu.memory_space<hbm>>
        %dma_start3A_642 = arith.constant 0 : i32
        %dma_start3A_643 = arith.constant 0 : i32
        %dma_start3A_644 = tpu.memref_slice %arg13[%dma_start3A, %dma_start3A_642, %dma_start3A_643] : memref<4x64x128xf32, #tpu.memory_space<vmem>> -> memref<1x64x128xf32, #tpu.memory_space<vmem>>
        %dma_start3A_645 = tpu.memref_squeeze %dma_start3A_644 : memref<1x64x128xf32, #tpu.memory_space<vmem>> -> memref<64x128xf32, #tpu.memory_space<vmem>>
        %dma_start3A_646 = arith.constant 0 : i32
        %dma_start3A_647 = tpu.memref_slice %arg3[%dma_start3A_646, %multiple_of3A] : memref<64x1000001xf32, #tpu.memory_space<hbm>> -> memref<64x128xf32, #tpu.memory_space<hbm>>
        tpu.enqueue_dma source(%dma_start3A_647 : memref<64x128xf32, #tpu.memory_space<hbm>>) target(%dma_start3A_645 : memref<64x128xf32, #tpu.memory_space<vmem>>) target_semaphore(%arg21 : memref<!tpu.dma_semaphore, #tpu.memory_space<semaphore_mem>>)
      } else {
      }
    } else {
    }
    %scan3A_612 = arith.constant 0 : i32
    %scan3A_613 = arith.constant 0 : i32
    %scan3A_614 = arith.constant 62 : i32
    %scan3A_615 = arith.addi %scan3A_613, %scan3A_614 : i32
    %scan3A_616 = arith.constant 1 : i32
    scf.for %scan3A_625 = %scan3A_613 to %scan3A_615 step %scan3A_616  : i32 {
      %mul3A_626 = arith.constant 4 : i32
      %mul3A_627 = arith.muli %scan3A_625, %mul3A_626 : i32
      %add3A_628 = arith.addi %mul3A_2, %mul3A_627 : i32
      %add3A_629 = arith.constant 0 : i32
      %add3A_630 = arith.addi %add3A_628, %add3A_629 : i32
      %lt3A_631 = arith.cmpi slt, %add3A_630, %min3A_5 : i32
      %convert_element_type3A_632 = arith.extui %lt3A_631 : i1 to i32
      %cond3A_633 = arith.constant 0 : i32
      %cond3A_634 = arith.cmpi ne, %convert_element_type3A_632, %cond3A_633 : i32
      scf.if %cond3A_634 {
        %dma_wait3A = arith.constant 0 : i32
        %dma_wait3A_662 = arith.constant 0 : i32
        %dma_wait3A_663 = arith.constant 0 : i32
        %dma_wait3A_664 = tpu.memref_slice %arg13[%dma_wait3A, %dma_wait3A_662, %dma_wait3A_663] : memref<4x64x128xf32, #tpu.memory_space<vmem>> -> memref<1x64x128xf32, #tpu.memory_space<vmem>>
        %dma_wait3A_665 = tpu.memref_squeeze %dma_wait3A_664 : memref<1x64x128xf32, #tpu.memory_space<vmem>> -> memref<64x128xf32, #tpu.memory_space<vmem>>
        %dma_wait3A_666 = arith.constant 0 : i32
        %dma_wait3A_667 = arith.constant 0 : i32
        %dma_wait3A_668 = tpu.memref_slice %arg13[%dma_wait3A, %dma_wait3A_666, %dma_wait3A_667] : memref<4x64x128xf32, #tpu.memory_space<vmem>> -> memref<1x64x128xf32, #tpu.memory_space<vmem>>
        %dma_wait3A_669 = tpu.memref_squeeze %dma_wait3A_668 : memref<1x64x128xf32, #tpu.memory_space<vmem>> -> memref<64x128xf32, #tpu.memory_space<vmem>>
        tpu.wait_dma2 semaphore(%arg18 : memref<!tpu.dma_semaphore, #tpu.memory_space<semaphore_mem>>) src(%arg4 : memref<64x128xf32, #tpu.memory_space<hbm>>) dst(%dma_wait3A_669 : memref<64x128xf32, #tpu.memory_space<vmem>>)
        %sub3A_670 = arith.subi %add3A_630, %mul3A_2 : i32
        %get3A_671 = arith.index_cast %sub3A_670 : i32 to index
        %get3A_672 = tpu.vector_load %arg11[%get3A_671] {strides = array<i32>} : memref<272xi32, #tpu.memory_space<vmem>>, vector<16xi32>,
        %slice3A = vector.extract_strided_slice %get3A_672 {offsets = [0], sizes = [1], strides = [1]} : vector<16xi32> to vector<1xi32>
        %squeeze3A = vector.extract %slice3A[0] : i32 from vector<1xi32>
        %add3A_673 = arith.constant 1 : i32
        %add3A_674 = arith.addi %sub3A_670, %add3A_673 : i32
        %get3A_675 = arith.index_cast %add3A_674 : i32 to index
        %get3A_676 = tpu.vector_load %arg11[%get3A_675] {strides = array<i32>} : memref<272xi32, #tpu.memory_space<vmem>>, vector<16xi32>,
        %slice3A_677 = vector.extract_strided_slice %get3A_676 {offsets = [0], sizes = [1], strides = [1]} : vector<16xi32> to vector<1xi32>
        %squeeze3A_678 = vector.extract %slice3A_677[0] : i32 from vector<1xi32>
        %while3A_679 = arith.constant 0 : i32
        %while3A_680 = arith.subi %squeeze3A_678, %squeeze3A : i32
        %while3A_681 = arith.addi %squeeze3A, %while3A_680 : i32
        %while3A_682 = arith.constant 1 : i32
        %while3A_683 = arith.divsi %while3A_680, %while3A_682 : i32
        %while3A_684 = arith.muli %while3A_683, %while3A_682 : i32
        %while3A_685 = arith.addi %squeeze3A, %while3A_684 : i32
        %while3A_686 = arith.constant 1 : i32
        scf.for %while3A_694 = %squeeze3A to %while3A_685 step %while3A_686  : i32 {
          %get3A_695 = arith.index_cast %while3A_694 : i32 to index
          %get3A_696 = tpu.vector_load %arg6[%get3A_695] {strides = array<i32>} : memref<16400xi32, #tpu.memory_space<vmem>>, vector<16xi32>,
          %slice3A_697 = vector.extract_strided_slice %get3A_696 {offsets = [0], sizes = [1], strides = [1]} : vector<16xi32> to vector<1xi32>
          %squeeze3A_698 = vector.extract %slice3A_697[0] : i32 from vector<1xi32>
          %get3A_699 = arith.index_cast %while3A_694 : i32 to index
          %get3A_700 = tpu.vector_load %arg9[%get3A_699] {strides = array<i32>} : memref<16400xi32, #tpu.memory_space<vmem>>, vector<16xi32>,
          %slice3A_701 = vector.extract_strided_slice %get3A_700 {offsets = [0], sizes = [1], strides = [1]} : vector<16xi32> to vector<1xi32>
          %squeeze3A_702 = vector.extract %slice3A_701[0] : i32 from vector<1xi32>
          %and3A_703 = arith.constant 127 : i32
          %and3A_704 = arith.andi %squeeze3A_698, %and3A_703 : i32
          %mul3A_705 = arith.constant 0 : i32
          %mul3A_706 = vector.broadcast %mul3A_705 : i32 to vector<16xi32>
          %mul3A_707 = arith.muli %iota3A, %mul3A_706 : vector<16xi32>
          %add3A_708 = vector.broadcast %and3A_704 : i32 to vector<16xi32>
          %add3A_709 = arith.addi %add3A_708, %mul3A_707 : vector<16xi32>
          %get3A_710 = arith.constant 1 : i32
          %get3A_711 = arith.index_cast %get3A_710 : i32 to index
          %get3A_712 = memref.load %arg16[%get3A_711] : memref<4xi32, #tpu.memory_space<smem>>
          %add3A_713 = arith.constant 0 : i32
          %add3A_714 = vector.broadcast %add3A_713 : i32 to vector<16xi32>
          %add3A_715 = arith.addi %iota3A, %add3A_714 : vector<16xi32>
          %gather3A = arith.constant 0 : i32
          %gather3A_716 = arith.constant 0 : i32
          %gather3A_717 = arith.constant 0 : i32
          %gather3A_718 = tpu.memref_slice %arg13[%gather3A, %gather3A_716, %gather3A_717] : memref<4x64x128xf32, #tpu.memory_space<vmem>> -> memref<1x64x128xf32, #tpu.memory_space<vmem>>
          %gather3A_719 = tpu.memref_squeeze %gather3A_718 : memref<1x64x128xf32, #tpu.memory_space<vmem>> -> memref<64x128xf32, #tpu.memory_space<vmem>>
          %gather3A_720 = tpu.vector_load_idx %gather3A_719[%add3A_715, %add3A_709] : memref<64x128xf32, #tpu.memory_space<vmem>>[vector<16xi32>, vector<16xi32>], vector<16xf32>,
          %swap3A_721 = arith.index_cast %get3A_712 : i32 to index
          %swap3A_722 = arith.constant 0 : index
          %swap3A_723 = tpu.vector_load %arg14[%swap3A_721, %swap3A_722] {strides = array<i32>} : memref<128x128xf32, #tpu.memory_space<vmem>>, vector<16xf32>,
          tpu.vector_store %arg14[%swap3A_721, %swap3A_722], %gather3A_720 {strides = array<i32>} : memref<128x128xf32, #tpu.memory_space<vmem>>, vector<16xf32>,
          %add3A_724 = arith.constant 16 : i32
          %add3A_725 = vector.broadcast %add3A_724 : i32 to vector<16xi32>
          %add3A_726 = arith.addi %iota3A, %add3A_725 : vector<16xi32>
          %gather3A_727 = arith.constant 0 : i32
          %gather3A_728 = arith.constant 0 : i32
          %gather3A_729 = arith.constant 0 : i32
          %gather3A_730 = tpu.memref_slice %arg13[%gather3A_727, %gather3A_728, %gather3A_729] : memref<4x64x128xf32, #tpu.memory_space<vmem>> -> memref<1x64x128xf32, #tpu.memory_space<vmem>>
          %gather3A_731 = tpu.memref_squeeze %gather3A_730 : memref<1x64x128xf32, #tpu.memory_space<vmem>> -> memref<64x128xf32, #tpu.memory_space<vmem>>
          %gather3A_732 = tpu.vector_load_idx %gather3A_731[%add3A_726, %add3A_709] : memref<64x128xf32, #tpu.memory_space<vmem>>[vector<16xi32>, vector<16xi32>], vector<16xf32>,
          %swap3A_733 = arith.index_cast %get3A_712 : i32 to index
          %swap3A_734 = arith.constant 16 : index
          %swap3A_735 = tpu.vector_load %arg14[%swap3A_733, %swap3A_734] {strides = array<i32>} : memref<128x128xf32, #tpu.memory_space<vmem>>, vector<16xf32>,
          tpu.vector_store %arg14[%swap3A_733, %swap3A_734], %gather3A_732 {strides = array<i32>} : memref<128x128xf32, #tpu.memory_space<vmem>>, vector<16xf32>,
          %add3A_736 = arith.constant 32 : i32
          %add3A_737 = vector.broadcast %add3A_736 : i32 to vector<16xi32>
          %add3A_738 = arith.addi %iota3A, %add3A_737 : vector<16xi32>
          %gather3A_739 = arith.constant 0 : i32
          %gather3A_740 = arith.constant 0 : i32
          %gather3A_741 = arith.constant 0 : i32
          %gather3A_742 = tpu.memref_slice %arg13[%gather3A_739, %gather3A_740, %gather3A_741] : memref<4x64x128xf32, #tpu.memory_space<vmem>> -> memref<1x64x128xf32, #tpu.memory_space<vmem>>
          %gather3A_743 = tpu.memref_squeeze %gather3A_742 : memref<1x64x128xf32, #tpu.memory_space<vmem>> -> memref<64x128xf32, #tpu.memory_space<vmem>>
          %gather3A_744 = tpu.vector_load_idx %gather3A_743[%add3A_738, %add3A_709] : memref<64x128xf32, #tpu.memory_space<vmem>>[vector<16xi32>, vector<16xi32>], vector<16xf32>,
          %swap3A_745 = arith.index_cast %get3A_712 : i32 to index
          %swap3A_746 = arith.constant 32 : index
          %swap3A_747 = tpu.vector_load %arg14[%swap3A_745, %swap3A_746] {strides = array<i32>} : memref<128x128xf32, #tpu.memory_space<vmem>>, vector<16xf32>,
          tpu.vector_store %arg14[%swap3A_745, %swap3A_746], %gather3A_744 {strides = array<i32>} : memref<128x128xf32, #tpu.memory_space<vmem>>, vector<16xf32>,
          %add3A_748 = arith.constant 48 : i32
          %add3A_749 = vector.broadcast %add3A_748 : i32 to vector<16xi32>
          %add3A_750 = arith.addi %iota3A, %add3A_749 : vector<16xi32>
          %gather3A_751 = arith.constant 0 : i32
          %gather3A_752 = arith.constant 0 : i32
          %gather3A_753 = arith.constant 0 : i32
          %gather3A_754 = tpu.memref_slice %arg13[%gather3A_751, %gather3A_752, %gather3A_753] : memref<4x64x128xf32, #tpu.memory_space<vmem>> -> memref<1x64x128xf32, #tpu.memory_space<vmem>>
          %gather3A_755 = tpu.memref_squeeze %gather3A_754 : memref<1x64x128xf32, #tpu.memory_space<vmem>> -> memref<64x128xf32, #tpu.memory_space<vmem>>
          %gather3A_756 = tpu.vector_load_idx %gather3A_755[%add3A_750, %add3A_709] : memref<64x128xf32, #tpu.memory_space<vmem>>[vector<16xi32>, vector<16xi32>], vector<16xf32>,
          %swap3A_757 = arith.index_cast %get3A_712 : i32 to index
          %swap3A_758 = arith.constant 48 : index
          %swap3A_759 = tpu.vector_load %arg14[%swap3A_757, %swap3A_758] {strides = array<i32>} : memref<128x128xf32, #tpu.memory_space<vmem>>, vector<16xf32>,
          tpu.vector_store %arg14[%swap3A_757, %swap3A_758], %gather3A_756 {strides = array<i32>} : memref<128x128xf32, #tpu.memory_space<vmem>>, vector<16xf32>,
          %mul3A_760 = arith.constant 0 : i32
          %mul3A_761 = vector.broadcast %mul3A_760 : i32 to vector<16xi32>
          %mul3A_762 = arith.muli %iota3A, %mul3A_761 : vector<16xi32>
          %add3A_763 = vector.broadcast %get3A_712 : i32 to vector<16xi32>
          %add3A_764 = arith.addi %add3A_763, %mul3A_762 : vector<16xi32>
          %mul3A_765 = arith.constant 0 : i32
          %mul3A_766 = vector.broadcast %mul3A_765 : i32 to vector<16xi32>
          %mul3A_767 = arith.muli %iota3A, %mul3A_766 : vector<16xi32>
          %add3A_768 = vector.broadcast %squeeze3A_702 : i32 to vector<16xi32>
          %add3A_769 = arith.addi %add3A_768, %mul3A_767 : vector<16xi32>
          tpu.vector_store_idx %arg15[%add3A_764], %add3A_769 : memref<128xi32, #tpu.memory_space<vmem>>[vector<16xi32>], vector<16xi32>,
          %add3A_770 = arith.constant 1 : i32
          %add3A_771 = arith.addi %get3A_712, %add3A_770 : i32
          %swap3A_772 = arith.constant 1 : i32
          %swap3A_773 = arith.index_cast %swap3A_772 : i32 to index
          %swap3A_774 = memref.load %arg16[%swap3A_773] : memref<4xi32, #tpu.memory_space<smem>>
          memref.store %add3A_771, %arg16[%swap3A_773] : memref<4xi32, #tpu.memory_space<smem>>
          %add3A_775 = arith.constant 1 : i32
          %add3A_776 = arith.addi %get3A_712, %add3A_775 : i32
          %eq3A = arith.constant 128 : i32
          %eq3A_777 = arith.cmpi eq, %add3A_776, %eq3A : i32
          %convert_element_type3A_778 = arith.extui %eq3A_777 : i1 to i32
          %cond3A_779 = arith.constant 0 : i32
          %cond3A_780 = arith.cmpi ne, %convert_element_type3A_778, %cond3A_779 : i32
          scf.if %cond3A_780 {
            %dma_start3A = arith.constant 0 : i32
            %dma_start3A_781 = arith.constant 0 : i32
            %dma_start3A_782 = tpu.memref_slice %arg5[%dma_start3A, %dma_start3A_781] : memref<16384x128xf32, #tpu.memory_space<hbm>> -> memref<16384x128xf32, #tpu.memory_space<hbm>>
            tpu.enqueue_indirect_dma source(%arg14 : memref<128x128xf32, #tpu.memory_space<vmem>>) target(%dma_start3A_782 : memref<16384x128xf32, #tpu.memory_space<hbm>>) offsets(%arg15 : memref<128xi32, #tpu.memory_space<vmem>>) semaphore(%arg17 : memref<!tpu.dma_semaphore, #tpu.memory_space<semaphore_mem>>)
            %dma_wait3A_783 = arith.constant 0 : i32
            %dma_wait3A_784 = arith.constant 0 : i32
            %dma_wait3A_785 = tpu.memref_slice %arg5[%dma_wait3A_783, %dma_wait3A_784] : memref<16384x128xf32, #tpu.memory_space<hbm>> -> memref<16384x128xf32, #tpu.memory_space<hbm>>
            tpu.wait_indirect_dma semaphore(%arg17 : memref<!tpu.dma_semaphore, #tpu.memory_space<semaphore_mem>>) src(%arg14 : memref<128x128xf32, #tpu.memory_space<vmem>>) dst(%dma_wait3A_785 : memref<16384x128xf32, #tpu.memory_space<hbm>>)
            %swap3A_786 = arith.constant 0 : i32
            %swap3A_787 = arith.constant 1 : i32
            %swap3A_788 = arith.index_cast %swap3A_787 : i32 to index
            %swap3A_789 = memref.load %arg16[%swap3A_788] : memref<4xi32, #tpu.memory_space<smem>>
            memref.store %swap3A_786, %arg16[%swap3A_788] : memref<4xi32, #tpu.memory_space<smem>>
          } else {
          }
        }
        %while3A_687 = arith.constant 1 : i32
        scf.for %while3A_694 = %while3A_685 to %while3A_681 step %while3A_687  : i32 {
          %get3A_695 = arith.index_cast %while3A_694 : i32 to index
          %get3A_696 = tpu.vector_load %arg6[%get3A_695] {strides = array<i32>} : memref<16400xi32, #tpu.memory_space<vmem>>, vector<16xi32>,
          %slice3A_697 = vector.extract_strided_slice %get3A_696 {offsets = [0], sizes = [1], strides = [1]} : vector<16xi32> to vector<1xi32>
          %squeeze3A_698 = vector.extract %slice3A_697[0] : i32 from vector<1xi32>
          %get3A_699 = arith.index_cast %while3A_694 : i32 to index
          %get3A_700 = tpu.vector_load %arg9[%get3A_699] {strides = array<i32>} : memref<16400xi32, #tpu.memory_space<vmem>>, vector<16xi32>,
          %slice3A_701 = vector.extract_strided_slice %get3A_700 {offsets = [0], sizes = [1], strides = [1]} : vector<16xi32> to vector<1xi32>
          %squeeze3A_702 = vector.extract %slice3A_701[0] : i32 from vector<1xi32>
          %and3A_703 = arith.constant 127 : i32
          %and3A_704 = arith.andi %squeeze3A_698, %and3A_703 : i32
          %mul3A_705 = arith.constant 0 : i32
          %mul3A_706 = vector.broadcast %mul3A_705 : i32 to vector<16xi32>
          %mul3A_707 = arith.muli %iota3A, %mul3A_706 : vector<16xi32>
          %add3A_708 = vector.broadcast %and3A_704 : i32 to vector<16xi32>
          %add3A_709 = arith.addi %add3A_708, %mul3A_707 : vector<16xi32>
          %get3A_710 = arith.constant 1 : i32
          %get3A_711 = arith.index_cast %get3A_710 : i32 to index
          %get3A_712 = memref.load %arg16[%get3A_711] : memref<4xi32, #tpu.memory_space<smem>>
          %add3A_713 = arith.constant 0 : i32
          %add3A_714 = vector.broadcast %add3A_713 : i32 to vector<16xi32>
          %add3A_715 = arith.addi %iota3A, %add3A_714 : vector<16xi32>
          %gather3A = arith.constant 0 : i32
          %gather3A_716 = arith.constant 0 : i32
          %gather3A_717 = arith.constant 0 : i32
          %gather3A_718 = tpu.memref_slice %arg13[%gather3A, %gather3A_716, %gather3A_717] : memref<4x64x128xf32, #tpu.memory_space<vmem>> -> memref<1x64x128xf32, #tpu.memory_space<vmem>>
          %gather3A_719 = tpu.memref_squeeze %gather3A_718 : memref<1x64x128xf32, #tpu.memory_space<vmem>> -> memref<64x128xf32, #tpu.memory_space<vmem>>
          %gather3A_720 = tpu.vector_load_idx %gather3A_719[%add3A_715, %add3A_709] : memref<64x128xf32, #tpu.memory_space<vmem>>[vector<16xi32>, vector<16xi32>], vector<16xf32>,
          %swap3A_721 = arith.index_cast %get3A_712 : i32 to index
          %swap3A_722 = arith.constant 0 : index
          %swap3A_723 = tpu.vector_load %arg14[%swap3A_721, %swap3A_722] {strides = array<i32>} : memref<128x128xf32, #tpu.memory_space<vmem>>, vector<16xf32>,
          tpu.vector_store %arg14[%swap3A_721, %swap3A_722], %gather3A_720 {strides = array<i32>} : memref<128x128xf32, #tpu.memory_space<vmem>>, vector<16xf32>,
          %add3A_724 = arith.constant 16 : i32
          %add3A_725 = vector.broadcast %add3A_724 : i32 to vector<16xi32>
          %add3A_726 = arith.addi %iota3A, %add3A_725 : vector<16xi32>
          %gather3A_727 = arith.constant 0 : i32
          %gather3A_728 = arith.constant 0 : i32
          %gather3A_729 = arith.constant 0 : i32
          %gather3A_730 = tpu.memref_slice %arg13[%gather3A_727, %gather3A_728, %gather3A_729] : memref<4x64x128xf32, #tpu.memory_space<vmem>> -> memref<1x64x128xf32, #tpu.memory_space<vmem>>
          %gather3A_731 = tpu.memref_squeeze %gather3A_730 : memref<1x64x128xf32, #tpu.memory_space<vmem>> -> memref<64x128xf32, #tpu.memory_space<vmem>>
          %gather3A_732 = tpu.vector_load_idx %gather3A_731[%add3A_726, %add3A_709] : memref<64x128xf32, #tpu.memory_space<vmem>>[vector<16xi32>, vector<16xi32>], vector<16xf32>,
          %swap3A_733 = arith.index_cast %get3A_712 : i32 to index
          %swap3A_734 = arith.constant 16 : index
          %swap3A_735 = tpu.vector_load %arg14[%swap3A_733, %swap3A_734] {strides = array<i32>} : memref<128x128xf32, #tpu.memory_space<vmem>>, vector<16xf32>,
          tpu.vector_store %arg14[%swap3A_733, %swap3A_734], %gather3A_732 {strides = array<i32>} : memref<128x128xf32, #tpu.memory_space<vmem>>, vector<16xf32>,
          %add3A_736 = arith.constant 32 : i32
          %add3A_737 = vector.broadcast %add3A_736 : i32 to vector<16xi32>
          %add3A_738 = arith.addi %iota3A, %add3A_737 : vector<16xi32>
          %gather3A_739 = arith.constant 0 : i32
          %gather3A_740 = arith.constant 0 : i32
          %gather3A_741 = arith.constant 0 : i32
          %gather3A_742 = tpu.memref_slice %arg13[%gather3A_739, %gather3A_740, %gather3A_741] : memref<4x64x128xf32, #tpu.memory_space<vmem>> -> memref<1x64x128xf32, #tpu.memory_space<vmem>>
          %gather3A_743 = tpu.memref_squeeze %gather3A_742 : memref<1x64x128xf32, #tpu.memory_space<vmem>> -> memref<64x128xf32, #tpu.memory_space<vmem>>
          %gather3A_744 = tpu.vector_load_idx %gather3A_743[%add3A_738, %add3A_709] : memref<64x128xf32, #tpu.memory_space<vmem>>[vector<16xi32>, vector<16xi32>], vector<16xf32>,
          %swap3A_745 = arith.index_cast %get3A_712 : i32 to index
          %swap3A_746 = arith.constant 32 : index
          %swap3A_747 = tpu.vector_load %arg14[%swap3A_745, %swap3A_746] {strides = array<i32>} : memref<128x128xf32, #tpu.memory_space<vmem>>, vector<16xf32>,
          tpu.vector_store %arg14[%swap3A_745, %swap3A_746], %gather3A_744 {strides = array<i32>} : memref<128x128xf32, #tpu.memory_space<vmem>>, vector<16xf32>,
          %add3A_748 = arith.constant 48 : i32
          %add3A_749 = vector.broadcast %add3A_748 : i32 to vector<16xi32>
          %add3A_750 = arith.addi %iota3A, %add3A_749 : vector<16xi32>
          %gather3A_751 = arith.constant 0 : i32
          %gather3A_752 = arith.constant 0 : i32
          %gather3A_753 = arith.constant 0 : i32
          %gather3A_754 = tpu.memref_slice %arg13[%gather3A_751, %gather3A_752, %gather3A_753] : memref<4x64x128xf32, #tpu.memory_space<vmem>> -> memref<1x64x128xf32, #tpu.memory_space<vmem>>
          %gather3A_755 = tpu.memref_squeeze %gather3A_754 : memref<1x64x128xf32, #tpu.memory_space<vmem>> -> memref<64x128xf32, #tpu.memory_space<vmem>>
          %gather3A_756 = tpu.vector_load_idx %gather3A_755[%add3A_750, %add3A_709] : memref<64x128xf32, #tpu.memory_space<vmem>>[vector<16xi32>, vector<16xi32>], vector<16xf32>,
          %swap3A_757 = arith.index_cast %get3A_712 : i32 to index
          %swap3A_758 = arith.constant 48 : index
          %swap3A_759 = tpu.vector_load %arg14[%swap3A_757, %swap3A_758] {strides = array<i32>} : memref<128x128xf32, #tpu.memory_space<vmem>>, vector<16xf32>,
          tpu.vector_store %arg14[%swap3A_757, %swap3A_758], %gather3A_756 {strides = array<i32>} : memref<128x128xf32, #tpu.memory_space<vmem>>, vector<16xf32>,
          %mul3A_760 = arith.constant 0 : i32
          %mul3A_761 = vector.broadcast %mul3A_760 : i32 to vector<16xi32>
          %mul3A_762 = arith.muli %iota3A, %mul3A_761 : vector<16xi32>
          %add3A_763 = vector.broadcast %get3A_712 : i32 to vector<16xi32>
          %add3A_764 = arith.addi %add3A_763, %mul3A_762 : vector<16xi32>
          %mul3A_765 = arith.constant 0 : i32
          %mul3A_766 = vector.broadcast %mul3A_765 : i32 to vector<16xi32>
          %mul3A_767 = arith.muli %iota3A, %mul3A_766 : vector<16xi32>
          %add3A_768 = vector.broadcast %squeeze3A_702 : i32 to vector<16xi32>
          %add3A_769 = arith.addi %add3A_768, %mul3A_767 : vector<16xi32>
          tpu.vector_store_idx %arg15[%add3A_764], %add3A_769 : memref<128xi32, #tpu.memory_space<vmem>>[vector<16xi32>], vector<16xi32>,
          %add3A_770 = arith.constant 1 : i32
          %add3A_771 = arith.addi %get3A_712, %add3A_770 : i32
          %swap3A_772 = arith.constant 1 : i32
          %swap3A_773 = arith.index_cast %swap3A_772 : i32 to index
          %swap3A_774 = memref.load %arg16[%swap3A_773] : memref<4xi32, #tpu.memory_space<smem>>
          memref.store %add3A_771, %arg16[%swap3A_773] : memref<4xi32, #tpu.memory_space<smem>>
          %add3A_775 = arith.constant 1 : i32
          %add3A_776 = arith.addi %get3A_712, %add3A_775 : i32
          %eq3A = arith.constant 128 : i32
          %eq3A_777 = arith.cmpi eq, %add3A_776, %eq3A : i32
          %convert_element_type3A_778 = arith.extui %eq3A_777 : i1 to i32
          %cond3A_779 = arith.constant 0 : i32
          %cond3A_780 = arith.cmpi ne, %convert_element_type3A_778, %cond3A_779 : i32
          scf.if %cond3A_780 {
            %dma_start3A = arith.constant 0 : i32
            %dma_start3A_781 = arith.constant 0 : i32
            %dma_start3A_782 = tpu.memref_slice %arg5[%dma_start3A, %dma_start3A_781] : memref<16384x128xf32, #tpu.memory_space<hbm>> -> memref<16384x128xf32, #tpu.memory_space<hbm>>
            tpu.enqueue_indirect_dma source(%arg14 : memref<128x128xf32, #tpu.memory_space<vmem>>) target(%dma_start3A_782 : memref<16384x128xf32, #tpu.memory_space<hbm>>) offsets(%arg15 : memref<128xi32, #tpu.memory_space<vmem>>) semaphore(%arg17 : memref<!tpu.dma_semaphore, #tpu.memory_space<semaphore_mem>>)
            %dma_wait3A_783 = arith.constant 0 : i32
            %dma_wait3A_784 = arith.constant 0 : i32
            %dma_wait3A_785 = tpu.memref_slice %arg5[%dma_wait3A_783, %dma_wait3A_784] : memref<16384x128xf32, #tpu.memory_space<hbm>> -> memref<16384x128xf32, #tpu.memory_space<hbm>>
            tpu.wait_indirect_dma semaphore(%arg17 : memref<!tpu.dma_semaphore, #tpu.memory_space<semaphore_mem>>) src(%arg14 : memref<128x128xf32, #tpu.memory_space<vmem>>) dst(%dma_wait3A_785 : memref<16384x128xf32, #tpu.memory_space<hbm>>)
            %swap3A_786 = arith.constant 0 : i32
            %swap3A_787 = arith.constant 1 : i32
            %swap3A_788 = arith.index_cast %swap3A_787 : i32 to index
            %swap3A_789 = memref.load %arg16[%swap3A_788] : memref<4xi32, #tpu.memory_space<smem>>
            memref.store %swap3A_786, %arg16[%swap3A_788] : memref<4xi32, #tpu.memory_space<smem>>
          } else {
          }
        }
        %add3A_688 = arith.constant 4 : i32
        %add3A_689 = arith.addi %add3A_630, %add3A_688 : i32
        %lt3A_690 = arith.cmpi slt, %add3A_689, %min3A_5 : i32
        %convert_element_type3A_691 = arith.extui %lt3A_690 : i1 to i32
        %cond3A_692 = arith.constant 0 : i32
        %cond3A_693 = arith.cmpi ne, %convert_element_type3A_691, %cond3A_692 : i32
        scf.if %cond3A_693 {
          %eq3A = arith.constant 7812 : i32
          %eq3A_694 = arith.cmpi eq, %add3A_689, %eq3A : i32
          %convert_element_type3A_695 = arith.extui %eq3A_694 : i1 to i32
          %cond3A_696 = arith.constant 0 : i32
          %cond3A_697 = arith.cmpi ne, %convert_element_type3A_695, %cond3A_696 : i32
          scf.if %cond3A_697 {
            %dma_start3A = arith.constant 0 : i32
            %dma_start3A_703 = arith.constant 0 : i32
            %dma_start3A_704 = arith.constant 0 : i32
            %dma_start3A_705 = tpu.memref_slice %arg13[%dma_start3A, %dma_start3A_703, %dma_start3A_704] : memref<4x64x128xf32, #tpu.memory_space<vmem>> -> memref<1x64x128xf32, #tpu.memory_space<vmem>>
            %dma_start3A_706 = tpu.memref_squeeze %dma_start3A_705 : memref<1x64x128xf32, #tpu.memory_space<vmem>> -> memref<64x128xf32, #tpu.memory_space<vmem>>
            %dma_start3A_707 = arith.constant 0 : i32
            %dma_start3A_708 = arith.constant 0 : i32
            %dma_start3A_709 = tpu.memref_slice %arg13[%dma_start3A, %dma_start3A_707, %dma_start3A_708] : memref<4x64x128xf32, #tpu.memory_space<vmem>> -> memref<1x64x128xf32, #tpu.memory_space<vmem>>
            %dma_start3A_710 = tpu.memref_squeeze %dma_start3A_709 : memref<1x64x128xf32, #tpu.memory_space<vmem>> -> memref<64x128xf32, #tpu.memory_space<vmem>>
            tpu.enqueue_dma source(%arg4 : memref<64x128xf32, #tpu.memory_space<hbm>>) target(%dma_start3A_710 : memref<64x128xf32, #tpu.memory_space<vmem>>) target_semaphore(%arg18 : memref<!tpu.dma_semaphore, #tpu.memory_space<semaphore_mem>>)
          } else {
          }
          %ne3A_698 = arith.constant 7812 : i32
          %ne3A_699 = arith.cmpi ne, %add3A_689, %ne3A_698 : i32
          %convert_element_type3A_700 = arith.extui %ne3A_699 : i1 to i32
          %cond3A_701 = arith.constant 0 : i32
          %cond3A_702 = arith.cmpi ne, %convert_element_type3A_700, %cond3A_701 : i32
          scf.if %cond3A_702 {
            %mul3A_703 = arith.constant 128 : i32
            %mul3A_704 = arith.muli %add3A_689, %mul3A_703 : i32
            %multiple_of3A = tpu.assume_multiple %mul3A_704, 128 : i32
            %dma_start3A = arith.constant 0 : i32
            %dma_start3A_705 = arith.constant 0 : i32
            %dma_start3A_706 = arith.constant 0 : i32
            %dma_start3A_707 = tpu.memref_slice %arg13[%dma_start3A, %dma_start3A_705, %dma_start3A_706] : memref<4x64x128xf32, #tpu.memory_space<vmem>> -> memref<1x64x128xf32, #tpu.memory_space<vmem>>
            %dma_start3A_708 = tpu.memref_squeeze %dma_start3A_707 : memref<1x64x128xf32, #tpu.memory_space<vmem>> -> memref<64x128xf32, #tpu.memory_space<vmem>>
            %dma_start3A_709 = arith.constant 0 : i32
            %dma_start3A_710 = tpu.memref_slice %arg3[%dma_start3A_709, %multiple_of3A] : memref<64x1000001xf32, #tpu.memory_space<hbm>> -> memref<64x128xf32, #tpu.memory_space<hbm>>
            %dma_start3A_711 = arith.constant 0 : i32
            %dma_start3A_712 = arith.constant 0 : i32
            %dma_start3A_713 = tpu.memref_slice %arg13[%dma_start3A, %dma_start3A_711, %dma_start3A_712] : memref<4x64x128xf32, #tpu.memory_space<vmem>> -> memref<1x64x128xf32, #tpu.memory_space<vmem>>
            %dma_start3A_714 = tpu.memref_squeeze %dma_start3A_713 : memref<1x64x128xf32, #tpu.memory_space<vmem>> -> memref<64x128xf32, #tpu.memory_space<vmem>>
            %dma_start3A_715 = arith.constant 0 : i32
            %dma_start3A_716 = tpu.memref_slice %arg3[%dma_start3A_715, %multiple_of3A] : memref<64x1000001xf32, #tpu.memory_space<hbm>> -> memref<64x128xf32, #tpu.memory_space<hbm>>
            tpu.enqueue_dma source(%dma_start3A_716 : memref<64x128xf32, #tpu.memory_space<hbm>>) target(%dma_start3A_714 : memref<64x128xf32, #tpu.memory_space<vmem>>) target_semaphore(%arg18 : memref<!tpu.dma_semaphore, #tpu.memory_space<semaphore_mem>>)
          } else {
          }
        } else {
        }
      } else {
      }
      %mul3A_635 = arith.constant 4 : i32
      %mul3A_636 = arith.muli %scan3A_625, %mul3A_635 : i32
      %add3A_637 = arith.addi %mul3A_2, %mul3A_636 : i32
      %add3A_638 = arith.constant 1 : i32
      %add3A_639 = arith.addi %add3A_637, %add3A_638 : i32
      %lt3A_640 = arith.cmpi slt, %add3A_639, %min3A_5 : i32
      %convert_element_type3A_641 = arith.extui %lt3A_640 : i1 to i32
      %cond3A_642 = arith.constant 0 : i32
      %cond3A_643 = arith.cmpi ne, %convert_element_type3A_641, %cond3A_642 : i32
      scf.if %cond3A_643 {
        %dma_wait3A = arith.constant 1 : i32
        %dma_wait3A_662 = arith.constant 0 : i32
        %dma_wait3A_663 = arith.constant 0 : i32
        %dma_wait3A_664 = tpu.memref_slice %arg13[%dma_wait3A, %dma_wait3A_662, %dma_wait3A_663] : memref<4x64x128xf32, #tpu.memory_space<vmem>> -> memref<1x64x128xf32, #tpu.memory_space<vmem>>
        %dma_wait3A_665 = tpu.memref_squeeze %dma_wait3A_664 : memref<1x64x128xf32, #tpu.memory_space<vmem>> -> memref<64x128xf32, #tpu.memory_space<vmem>>
        %dma_wait3A_666 = arith.constant 0 : i32
        %dma_wait3A_667 = arith.constant 0 : i32
        %dma_wait3A_668 = tpu.memref_slice %arg13[%dma_wait3A, %dma_wait3A_666, %dma_wait3A_667] : memref<4x64x128xf32, #tpu.memory_space<vmem>> -> memref<1x64x128xf32, #tpu.memory_space<vmem>>
        %dma_wait3A_669 = tpu.memref_squeeze %dma_wait3A_668 : memref<1x64x128xf32, #tpu.memory_space<vmem>> -> memref<64x128xf32, #tpu.memory_space<vmem>>
        tpu.wait_dma2 semaphore(%arg19 : memref<!tpu.dma_semaphore, #tpu.memory_space<semaphore_mem>>) src(%arg4 : memref<64x128xf32, #tpu.memory_space<hbm>>) dst(%dma_wait3A_669 : memref<64x128xf32, #tpu.memory_space<vmem>>)
        %sub3A_670 = arith.subi %add3A_639, %mul3A_2 : i32
        %get3A_671 = arith.index_cast %sub3A_670 : i32 to index
        %get3A_672 = tpu.vector_load %arg11[%get3A_671] {strides = array<i32>} : memref<272xi32, #tpu.memory_space<vmem>>, vector<16xi32>,
        %slice3A = vector.extract_strided_slice %get3A_672 {offsets = [0], sizes = [1], strides = [1]} : vector<16xi32> to vector<1xi32>
        %squeeze3A = vector.extract %slice3A[0] : i32 from vector<1xi32>
        %add3A_673 = arith.constant 1 : i32
        %add3A_674 = arith.addi %sub3A_670, %add3A_673 : i32
        %get3A_675 = arith.index_cast %add3A_674 : i32 to index
        %get3A_676 = tpu.vector_load %arg11[%get3A_675] {strides = array<i32>} : memref<272xi32, #tpu.memory_space<vmem>>, vector<16xi32>,
        %slice3A_677 = vector.extract_strided_slice %get3A_676 {offsets = [0], sizes = [1], strides = [1]} : vector<16xi32> to vector<1xi32>
        %squeeze3A_678 = vector.extract %slice3A_677[0] : i32 from vector<1xi32>
        %while3A_679 = arith.constant 0 : i32
        %while3A_680 = arith.subi %squeeze3A_678, %squeeze3A : i32
        %while3A_681 = arith.addi %squeeze3A, %while3A_680 : i32
        %while3A_682 = arith.constant 1 : i32
        %while3A_683 = arith.divsi %while3A_680, %while3A_682 : i32
        %while3A_684 = arith.muli %while3A_683, %while3A_682 : i32
        %while3A_685 = arith.addi %squeeze3A, %while3A_684 : i32
        %while3A_686 = arith.constant 1 : i32
        scf.for %while3A_694 = %squeeze3A to %while3A_685 step %while3A_686  : i32 {
          %get3A_695 = arith.index_cast %while3A_694 : i32 to index
          %get3A_696 = tpu.vector_load %arg6[%get3A_695] {strides = array<i32>} : memref<16400xi32, #tpu.memory_space<vmem>>, vector<16xi32>,
          %slice3A_697 = vector.extract_strided_slice %get3A_696 {offsets = [0], sizes = [1], strides = [1]} : vector<16xi32> to vector<1xi32>
          %squeeze3A_698 = vector.extract %slice3A_697[0] : i32 from vector<1xi32>
          %get3A_699 = arith.index_cast %while3A_694 : i32 to index
          %get3A_700 = tpu.vector_load %arg9[%get3A_699] {strides = array<i32>} : memref<16400xi32, #tpu.memory_space<vmem>>, vector<16xi32>,
          %slice3A_701 = vector.extract_strided_slice %get3A_700 {offsets = [0], sizes = [1], strides = [1]} : vector<16xi32> to vector<1xi32>
          %squeeze3A_702 = vector.extract %slice3A_701[0] : i32 from vector<1xi32>
          %and3A_703 = arith.constant 127 : i32
          %and3A_704 = arith.andi %squeeze3A_698, %and3A_703 : i32
          %mul3A_705 = arith.constant 0 : i32
          %mul3A_706 = vector.broadcast %mul3A_705 : i32 to vector<16xi32>
          %mul3A_707 = arith.muli %iota3A, %mul3A_706 : vector<16xi32>
          %add3A_708 = vector.broadcast %and3A_704 : i32 to vector<16xi32>
          %add3A_709 = arith.addi %add3A_708, %mul3A_707 : vector<16xi32>
          %get3A_710 = arith.constant 1 : i32
          %get3A_711 = arith.index_cast %get3A_710 : i32 to index
          %get3A_712 = memref.load %arg16[%get3A_711] : memref<4xi32, #tpu.memory_space<smem>>
          %add3A_713 = arith.constant 0 : i32
          %add3A_714 = vector.broadcast %add3A_713 : i32 to vector<16xi32>
          %add3A_715 = arith.addi %iota3A, %add3A_714 : vector<16xi32>
          %gather3A = arith.constant 1 : i32
          %gather3A_716 = arith.constant 0 : i32
          %gather3A_717 = arith.constant 0 : i32
          %gather3A_718 = tpu.memref_slice %arg13[%gather3A, %gather3A_716, %gather3A_717] : memref<4x64x128xf32, #tpu.memory_space<vmem>> -> memref<1x64x128xf32, #tpu.memory_space<vmem>>
          %gather3A_719 = tpu.memref_squeeze %gather3A_718 : memref<1x64x128xf32, #tpu.memory_space<vmem>> -> memref<64x128xf32, #tpu.memory_space<vmem>>
          %gather3A_720 = tpu.vector_load_idx %gather3A_719[%add3A_715, %add3A_709] : memref<64x128xf32, #tpu.memory_space<vmem>>[vector<16xi32>, vector<16xi32>], vector<16xf32>,
          %swap3A_721 = arith.index_cast %get3A_712 : i32 to index
          %swap3A_722 = arith.constant 0 : index
          %swap3A_723 = tpu.vector_load %arg14[%swap3A_721, %swap3A_722] {strides = array<i32>} : memref<128x128xf32, #tpu.memory_space<vmem>>, vector<16xf32>,
          tpu.vector_store %arg14[%swap3A_721, %swap3A_722], %gather3A_720 {strides = array<i32>} : memref<128x128xf32, #tpu.memory_space<vmem>>, vector<16xf32>,
          %add3A_724 = arith.constant 16 : i32
          %add3A_725 = vector.broadcast %add3A_724 : i32 to vector<16xi32>
          %add3A_726 = arith.addi %iota3A, %add3A_725 : vector<16xi32>
          %gather3A_727 = arith.constant 1 : i32
          %gather3A_728 = arith.constant 0 : i32
          %gather3A_729 = arith.constant 0 : i32
          %gather3A_730 = tpu.memref_slice %arg13[%gather3A_727, %gather3A_728, %gather3A_729] : memref<4x64x128xf32, #tpu.memory_space<vmem>> -> memref<1x64x128xf32, #tpu.memory_space<vmem>>
          %gather3A_731 = tpu.memref_squeeze %gather3A_730 : memref<1x64x128xf32, #tpu.memory_space<vmem>> -> memref<64x128xf32, #tpu.memory_space<vmem>>
          %gather3A_732 = tpu.vector_load_idx %gather3A_731[%add3A_726, %add3A_709] : memref<64x128xf32, #tpu.memory_space<vmem>>[vector<16xi32>, vector<16xi32>], vector<16xf32>,
          %swap3A_733 = arith.index_cast %get3A_712 : i32 to index
          %swap3A_734 = arith.constant 16 : index
          %swap3A_735 = tpu.vector_load %arg14[%swap3A_733, %swap3A_734] {strides = array<i32>} : memref<128x128xf32, #tpu.memory_space<vmem>>, vector<16xf32>,
          tpu.vector_store %arg14[%swap3A_733, %swap3A_734], %gather3A_732 {strides = array<i32>} : memref<128x128xf32, #tpu.memory_space<vmem>>, vector<16xf32>,
          %add3A_736 = arith.constant 32 : i32
          %add3A_737 = vector.broadcast %add3A_736 : i32 to vector<16xi32>
          %add3A_738 = arith.addi %iota3A, %add3A_737 : vector<16xi32>
          %gather3A_739 = arith.constant 1 : i32
          %gather3A_740 = arith.constant 0 : i32
          %gather3A_741 = arith.constant 0 : i32
          %gather3A_742 = tpu.memref_slice %arg13[%gather3A_739, %gather3A_740, %gather3A_741] : memref<4x64x128xf32, #tpu.memory_space<vmem>> -> memref<1x64x128xf32, #tpu.memory_space<vmem>>
          %gather3A_743 = tpu.memref_squeeze %gather3A_742 : memref<1x64x128xf32, #tpu.memory_space<vmem>> -> memref<64x128xf32, #tpu.memory_space<vmem>>
          %gather3A_744 = tpu.vector_load_idx %gather3A_743[%add3A_738, %add3A_709] : memref<64x128xf32, #tpu.memory_space<vmem>>[vector<16xi32>, vector<16xi32>], vector<16xf32>,
          %swap3A_745 = arith.index_cast %get3A_712 : i32 to index
          %swap3A_746 = arith.constant 32 : index
          %swap3A_747 = tpu.vector_load %arg14[%swap3A_745, %swap3A_746] {strides = array<i32>} : memref<128x128xf32, #tpu.memory_space<vmem>>, vector<16xf32>,
          tpu.vector_store %arg14[%swap3A_745, %swap3A_746], %gather3A_744 {strides = array<i32>} : memref<128x128xf32, #tpu.memory_space<vmem>>, vector<16xf32>,
          %add3A_748 = arith.constant 48 : i32
          %add3A_749 = vector.broadcast %add3A_748 : i32 to vector<16xi32>
          %add3A_750 = arith.addi %iota3A, %add3A_749 : vector<16xi32>
          %gather3A_751 = arith.constant 1 : i32
          %gather3A_752 = arith.constant 0 : i32
          %gather3A_753 = arith.constant 0 : i32
          %gather3A_754 = tpu.memref_slice %arg13[%gather3A_751, %gather3A_752, %gather3A_753] : memref<4x64x128xf32, #tpu.memory_space<vmem>> -> memref<1x64x128xf32, #tpu.memory_space<vmem>>
          %gather3A_755 = tpu.memref_squeeze %gather3A_754 : memref<1x64x128xf32, #tpu.memory_space<vmem>> -> memref<64x128xf32, #tpu.memory_space<vmem>>
          %gather3A_756 = tpu.vector_load_idx %gather3A_755[%add3A_750, %add3A_709] : memref<64x128xf32, #tpu.memory_space<vmem>>[vector<16xi32>, vector<16xi32>], vector<16xf32>,
          %swap3A_757 = arith.index_cast %get3A_712 : i32 to index
          %swap3A_758 = arith.constant 48 : index
          %swap3A_759 = tpu.vector_load %arg14[%swap3A_757, %swap3A_758] {strides = array<i32>} : memref<128x128xf32, #tpu.memory_space<vmem>>, vector<16xf32>,
          tpu.vector_store %arg14[%swap3A_757, %swap3A_758], %gather3A_756 {strides = array<i32>} : memref<128x128xf32, #tpu.memory_space<vmem>>, vector<16xf32>,
          %mul3A_760 = arith.constant 0 : i32
          %mul3A_761 = vector.broadcast %mul3A_760 : i32 to vector<16xi32>
          %mul3A_762 = arith.muli %iota3A, %mul3A_761 : vector<16xi32>
          %add3A_763 = vector.broadcast %get3A_712 : i32 to vector<16xi32>
          %add3A_764 = arith.addi %add3A_763, %mul3A_762 : vector<16xi32>
          %mul3A_765 = arith.constant 0 : i32
          %mul3A_766 = vector.broadcast %mul3A_765 : i32 to vector<16xi32>
          %mul3A_767 = arith.muli %iota3A, %mul3A_766 : vector<16xi32>
          %add3A_768 = vector.broadcast %squeeze3A_702 : i32 to vector<16xi32>
          %add3A_769 = arith.addi %add3A_768, %mul3A_767 : vector<16xi32>
          tpu.vector_store_idx %arg15[%add3A_764], %add3A_769 : memref<128xi32, #tpu.memory_space<vmem>>[vector<16xi32>], vector<16xi32>,
          %add3A_770 = arith.constant 1 : i32
          %add3A_771 = arith.addi %get3A_712, %add3A_770 : i32
          %swap3A_772 = arith.constant 1 : i32
          %swap3A_773 = arith.index_cast %swap3A_772 : i32 to index
          %swap3A_774 = memref.load %arg16[%swap3A_773] : memref<4xi32, #tpu.memory_space<smem>>
          memref.store %add3A_771, %arg16[%swap3A_773] : memref<4xi32, #tpu.memory_space<smem>>
          %add3A_775 = arith.constant 1 : i32
          %add3A_776 = arith.addi %get3A_712, %add3A_775 : i32
          %eq3A = arith.constant 128 : i32
          %eq3A_777 = arith.cmpi eq, %add3A_776, %eq3A : i32
          %convert_element_type3A_778 = arith.extui %eq3A_777 : i1 to i32
          %cond3A_779 = arith.constant 0 : i32
          %cond3A_780 = arith.cmpi ne, %convert_element_type3A_778, %cond3A_779 : i32
          scf.if %cond3A_780 {
            %dma_start3A = arith.constant 0 : i32
            %dma_start3A_781 = arith.constant 0 : i32
            %dma_start3A_782 = tpu.memref_slice %arg5[%dma_start3A, %dma_start3A_781] : memref<16384x128xf32, #tpu.memory_space<hbm>> -> memref<16384x128xf32, #tpu.memory_space<hbm>>
            tpu.enqueue_indirect_dma source(%arg14 : memref<128x128xf32, #tpu.memory_space<vmem>>) target(%dma_start3A_782 : memref<16384x128xf32, #tpu.memory_space<hbm>>) offsets(%arg15 : memref<128xi32, #tpu.memory_space<vmem>>) semaphore(%arg17 : memref<!tpu.dma_semaphore, #tpu.memory_space<semaphore_mem>>)
            %dma_wait3A_783 = arith.constant 0 : i32
            %dma_wait3A_784 = arith.constant 0 : i32
            %dma_wait3A_785 = tpu.memref_slice %arg5[%dma_wait3A_783, %dma_wait3A_784] : memref<16384x128xf32, #tpu.memory_space<hbm>> -> memref<16384x128xf32, #tpu.memory_space<hbm>>
            tpu.wait_indirect_dma semaphore(%arg17 : memref<!tpu.dma_semaphore, #tpu.memory_space<semaphore_mem>>) src(%arg14 : memref<128x128xf32, #tpu.memory_space<vmem>>) dst(%dma_wait3A_785 : memref<16384x128xf32, #tpu.memory_space<hbm>>)
            %swap3A_786 = arith.constant 0 : i32
            %swap3A_787 = arith.constant 1 : i32
            %swap3A_788 = arith.index_cast %swap3A_787 : i32 to index
            %swap3A_789 = memref.load %arg16[%swap3A_788] : memref<4xi32, #tpu.memory_space<smem>>
            memref.store %swap3A_786, %arg16[%swap3A_788] : memref<4xi32, #tpu.memory_space<smem>>
          } else {
          }
        }
        %while3A_687 = arith.constant 1 : i32
        scf.for %while3A_694 = %while3A_685 to %while3A_681 step %while3A_687  : i32 {
          %get3A_695 = arith.index_cast %while3A_694 : i32 to index
          %get3A_696 = tpu.vector_load %arg6[%get3A_695] {strides = array<i32>} : memref<16400xi32, #tpu.memory_space<vmem>>, vector<16xi32>,
          %slice3A_697 = vector.extract_strided_slice %get3A_696 {offsets = [0], sizes = [1], strides = [1]} : vector<16xi32> to vector<1xi32>
          %squeeze3A_698 = vector.extract %slice3A_697[0] : i32 from vector<1xi32>
          %get3A_699 = arith.index_cast %while3A_694 : i32 to index
          %get3A_700 = tpu.vector_load %arg9[%get3A_699] {strides = array<i32>} : memref<16400xi32, #tpu.memory_space<vmem>>, vector<16xi32>,
          %slice3A_701 = vector.extract_strided_slice %get3A_700 {offsets = [0], sizes = [1], strides = [1]} : vector<16xi32> to vector<1xi32>
          %squeeze3A_702 = vector.extract %slice3A_701[0] : i32 from vector<1xi32>
          %and3A_703 = arith.constant 127 : i32
          %and3A_704 = arith.andi %squeeze3A_698, %and3A_703 : i32
          %mul3A_705 = arith.constant 0 : i32
          %mul3A_706 = vector.broadcast %mul3A_705 : i32 to vector<16xi32>
          %mul3A_707 = arith.muli %iota3A, %mul3A_706 : vector<16xi32>
          %add3A_708 = vector.broadcast %and3A_704 : i32 to vector<16xi32>
          %add3A_709 = arith.addi %add3A_708, %mul3A_707 : vector<16xi32>
          %get3A_710 = arith.constant 1 : i32
          %get3A_711 = arith.index_cast %get3A_710 : i32 to index
          %get3A_712 = memref.load %arg16[%get3A_711] : memref<4xi32, #tpu.memory_space<smem>>
          %add3A_713 = arith.constant 0 : i32
          %add3A_714 = vector.broadcast %add3A_713 : i32 to vector<16xi32>
          %add3A_715 = arith.addi %iota3A, %add3A_714 : vector<16xi32>
          %gather3A = arith.constant 1 : i32
          %gather3A_716 = arith.constant 0 : i32
          %gather3A_717 = arith.constant 0 : i32
          %gather3A_718 = tpu.memref_slice %arg13[%gather3A, %gather3A_716, %gather3A_717] : memref<4x64x128xf32, #tpu.memory_space<vmem>> -> memref<1x64x128xf32, #tpu.memory_space<vmem>>
          %gather3A_719 = tpu.memref_squeeze %gather3A_718 : memref<1x64x128xf32, #tpu.memory_space<vmem>> -> memref<64x128xf32, #tpu.memory_space<vmem>>
          %gather3A_720 = tpu.vector_load_idx %gather3A_719[%add3A_715, %add3A_709] : memref<64x128xf32, #tpu.memory_space<vmem>>[vector<16xi32>, vector<16xi32>], vector<16xf32>,
          %swap3A_721 = arith.index_cast %get3A_712 : i32 to index
          %swap3A_722 = arith.constant 0 : index
          %swap3A_723 = tpu.vector_load %arg14[%swap3A_721, %swap3A_722] {strides = array<i32>} : memref<128x128xf32, #tpu.memory_space<vmem>>, vector<16xf32>,
          tpu.vector_store %arg14[%swap3A_721, %swap3A_722], %gather3A_720 {strides = array<i32>} : memref<128x128xf32, #tpu.memory_space<vmem>>, vector<16xf32>,
          %add3A_724 = arith.constant 16 : i32
          %add3A_725 = vector.broadcast %add3A_724 : i32 to vector<16xi32>
          %add3A_726 = arith.addi %iota3A, %add3A_725 : vector<16xi32>
          %gather3A_727 = arith.constant 1 : i32
          %gather3A_728 = arith.constant 0 : i32
          %gather3A_729 = arith.constant 0 : i32
          %gather3A_730 = tpu.memref_slice %arg13[%gather3A_727, %gather3A_728, %gather3A_729] : memref<4x64x128xf32, #tpu.memory_space<vmem>> -> memref<1x64x128xf32, #tpu.memory_space<vmem>>
          %gather3A_731 = tpu.memref_squeeze %gather3A_730 : memref<1x64x128xf32, #tpu.memory_space<vmem>> -> memref<64x128xf32, #tpu.memory_space<vmem>>
          %gather3A_732 = tpu.vector_load_idx %gather3A_731[%add3A_726, %add3A_709] : memref<64x128xf32, #tpu.memory_space<vmem>>[vector<16xi32>, vector<16xi32>], vector<16xf32>,
          %swap3A_733 = arith.index_cast %get3A_712 : i32 to index
          %swap3A_734 = arith.constant 16 : index
          %swap3A_735 = tpu.vector_load %arg14[%swap3A_733, %swap3A_734] {strides = array<i32>} : memref<128x128xf32, #tpu.memory_space<vmem>>, vector<16xf32>,
          tpu.vector_store %arg14[%swap3A_733, %swap3A_734], %gather3A_732 {strides = array<i32>} : memref<128x128xf32, #tpu.memory_space<vmem>>, vector<16xf32>,
          %add3A_736 = arith.constant 32 : i32
          %add3A_737 = vector.broadcast %add3A_736 : i32 to vector<16xi32>
          %add3A_738 = arith.addi %iota3A, %add3A_737 : vector<16xi32>
          %gather3A_739 = arith.constant 1 : i32
          %gather3A_740 = arith.constant 0 : i32
          %gather3A_741 = arith.constant 0 : i32
          %gather3A_742 = tpu.memref_slice %arg13[%gather3A_739, %gather3A_740, %gather3A_741] : memref<4x64x128xf32, #tpu.memory_space<vmem>> -> memref<1x64x128xf32, #tpu.memory_space<vmem>>
          %gather3A_743 = tpu.memref_squeeze %gather3A_742 : memref<1x64x128xf32, #tpu.memory_space<vmem>> -> memref<64x128xf32, #tpu.memory_space<vmem>>
          %gather3A_744 = tpu.vector_load_idx %gather3A_743[%add3A_738, %add3A_709] : memref<64x128xf32, #tpu.memory_space<vmem>>[vector<16xi32>, vector<16xi32>], vector<16xf32>,
          %swap3A_745 = arith.index_cast %get3A_712 : i32 to index
          %swap3A_746 = arith.constant 32 : index
          %swap3A_747 = tpu.vector_load %arg14[%swap3A_745, %swap3A_746] {strides = array<i32>} : memref<128x128xf32, #tpu.memory_space<vmem>>, vector<16xf32>,
          tpu.vector_store %arg14[%swap3A_745, %swap3A_746], %gather3A_744 {strides = array<i32>} : memref<128x128xf32, #tpu.memory_space<vmem>>, vector<16xf32>,
          %add3A_748 = arith.constant 48 : i32
          %add3A_749 = vector.broadcast %add3A_748 : i32 to vector<16xi32>
          %add3A_750 = arith.addi %iota3A, %add3A_749 : vector<16xi32>
          %gather3A_751 = arith.constant 1 : i32
          %gather3A_752 = arith.constant 0 : i32
          %gather3A_753 = arith.constant 0 : i32
          %gather3A_754 = tpu.memref_slice %arg13[%gather3A_751, %gather3A_752, %gather3A_753] : memref<4x64x128xf32, #tpu.memory_space<vmem>> -> memref<1x64x128xf32, #tpu.memory_space<vmem>>
          %gather3A_755 = tpu.memref_squeeze %gather3A_754 : memref<1x64x128xf32, #tpu.memory_space<vmem>> -> memref<64x128xf32, #tpu.memory_space<vmem>>
          %gather3A_756 = tpu.vector_load_idx %gather3A_755[%add3A_750, %add3A_709] : memref<64x128xf32, #tpu.memory_space<vmem>>[vector<16xi32>, vector<16xi32>], vector<16xf32>,
          %swap3A_757 = arith.index_cast %get3A_712 : i32 to index
          %swap3A_758 = arith.constant 48 : index
          %swap3A_759 = tpu.vector_load %arg14[%swap3A_757, %swap3A_758] {strides = array<i32>} : memref<128x128xf32, #tpu.memory_space<vmem>>, vector<16xf32>,
          tpu.vector_store %arg14[%swap3A_757, %swap3A_758], %gather3A_756 {strides = array<i32>} : memref<128x128xf32, #tpu.memory_space<vmem>>, vector<16xf32>,
          %mul3A_760 = arith.constant 0 : i32
          %mul3A_761 = vector.broadcast %mul3A_760 : i32 to vector<16xi32>
          %mul3A_762 = arith.muli %iota3A, %mul3A_761 : vector<16xi32>
          %add3A_763 = vector.broadcast %get3A_712 : i32 to vector<16xi32>
          %add3A_764 = arith.addi %add3A_763, %mul3A_762 : vector<16xi32>
          %mul3A_765 = arith.constant 0 : i32
          %mul3A_766 = vector.broadcast %mul3A_765 : i32 to vector<16xi32>
          %mul3A_767 = arith.muli %iota3A, %mul3A_766 : vector<16xi32>
          %add3A_768 = vector.broadcast %squeeze3A_702 : i32 to vector<16xi32>
          %add3A_769 = arith.addi %add3A_768, %mul3A_767 : vector<16xi32>
          tpu.vector_store_idx %arg15[%add3A_764], %add3A_769 : memref<128xi32, #tpu.memory_space<vmem>>[vector<16xi32>], vector<16xi32>,
          %add3A_770 = arith.constant 1 : i32
          %add3A_771 = arith.addi %get3A_712, %add3A_770 : i32
          %swap3A_772 = arith.constant 1 : i32
          %swap3A_773 = arith.index_cast %swap3A_772 : i32 to index
          %swap3A_774 = memref.load %arg16[%swap3A_773] : memref<4xi32, #tpu.memory_space<smem>>
          memref.store %add3A_771, %arg16[%swap3A_773] : memref<4xi32, #tpu.memory_space<smem>>
          %add3A_775 = arith.constant 1 : i32
          %add3A_776 = arith.addi %get3A_712, %add3A_775 : i32
          %eq3A = arith.constant 128 : i32
          %eq3A_777 = arith.cmpi eq, %add3A_776, %eq3A : i32
          %convert_element_type3A_778 = arith.extui %eq3A_777 : i1 to i32
          %cond3A_779 = arith.constant 0 : i32
          %cond3A_780 = arith.cmpi ne, %convert_element_type3A_778, %cond3A_779 : i32
          scf.if %cond3A_780 {
            %dma_start3A = arith.constant 0 : i32
            %dma_start3A_781 = arith.constant 0 : i32
            %dma_start3A_782 = tpu.memref_slice %arg5[%dma_start3A, %dma_start3A_781] : memref<16384x128xf32, #tpu.memory_space<hbm>> -> memref<16384x128xf32, #tpu.memory_space<hbm>>
            tpu.enqueue_indirect_dma source(%arg14 : memref<128x128xf32, #tpu.memory_space<vmem>>) target(%dma_start3A_782 : memref<16384x128xf32, #tpu.memory_space<hbm>>) offsets(%arg15 : memref<128xi32, #tpu.memory_space<vmem>>) semaphore(%arg17 : memref<!tpu.dma_semaphore, #tpu.memory_space<semaphore_mem>>)
            %dma_wait3A_783 = arith.constant 0 : i32
            %dma_wait3A_784 = arith.constant 0 : i32
            %dma_wait3A_785 = tpu.memref_slice %arg5[%dma_wait3A_783, %dma_wait3A_784] : memref<16384x128xf32, #tpu.memory_space<hbm>> -> memref<16384x128xf32, #tpu.memory_space<hbm>>
            tpu.wait_indirect_dma semaphore(%arg17 : memref<!tpu.dma_semaphore, #tpu.memory_space<semaphore_mem>>) src(%arg14 : memref<128x128xf32, #tpu.memory_space<vmem>>) dst(%dma_wait3A_785 : memref<16384x128xf32, #tpu.memory_space<hbm>>)
            %swap3A_786 = arith.constant 0 : i32
            %swap3A_787 = arith.constant 1 : i32
            %swap3A_788 = arith.index_cast %swap3A_787 : i32 to index
            %swap3A_789 = memref.load %arg16[%swap3A_788] : memref<4xi32, #tpu.memory_space<smem>>
            memref.store %swap3A_786, %arg16[%swap3A_788] : memref<4xi32, #tpu.memory_space<smem>>
          } else {
          }
        }
        %add3A_688 = arith.constant 4 : i32
        %add3A_689 = arith.addi %add3A_639, %add3A_688 : i32
        %lt3A_690 = arith.cmpi slt, %add3A_689, %min3A_5 : i32
        %convert_element_type3A_691 = arith.extui %lt3A_690 : i1 to i32
        %cond3A_692 = arith.constant 0 : i32
        %cond3A_693 = arith.cmpi ne, %convert_element_type3A_691, %cond3A_692 : i32
        scf.if %cond3A_693 {
          %eq3A = arith.constant 7812 : i32
          %eq3A_694 = arith.cmpi eq, %add3A_689, %eq3A : i32
          %convert_element_type3A_695 = arith.extui %eq3A_694 : i1 to i32
          %cond3A_696 = arith.constant 0 : i32
          %cond3A_697 = arith.cmpi ne, %convert_element_type3A_695, %cond3A_696 : i32
          scf.if %cond3A_697 {
            %dma_start3A = arith.constant 1 : i32
            %dma_start3A_703 = arith.constant 0 : i32
            %dma_start3A_704 = arith.constant 0 : i32
            %dma_start3A_705 = tpu.memref_slice %arg13[%dma_start3A, %dma_start3A_703, %dma_start3A_704] : memref<4x64x128xf32, #tpu.memory_space<vmem>> -> memref<1x64x128xf32, #tpu.memory_space<vmem>>
            %dma_start3A_706 = tpu.memref_squeeze %dma_start3A_705 : memref<1x64x128xf32, #tpu.memory_space<vmem>> -> memref<64x128xf32, #tpu.memory_space<vmem>>
            %dma_start3A_707 = arith.constant 0 : i32
            %dma_start3A_708 = arith.constant 0 : i32
            %dma_start3A_709 = tpu.memref_slice %arg13[%dma_start3A, %dma_start3A_707, %dma_start3A_708] : memref<4x64x128xf32, #tpu.memory_space<vmem>> -> memref<1x64x128xf32, #tpu.memory_space<vmem>>
            %dma_start3A_710 = tpu.memref_squeeze %dma_start3A_709 : memref<1x64x128xf32, #tpu.memory_space<vmem>> -> memref<64x128xf32, #tpu.memory_space<vmem>>
            tpu.enqueue_dma source(%arg4 : memref<64x128xf32, #tpu.memory_space<hbm>>) target(%dma_start3A_710 : memref<64x128xf32, #tpu.memory_space<vmem>>) target_semaphore(%arg19 : memref<!tpu.dma_semaphore, #tpu.memory_space<semaphore_mem>>)
          } else {
          }
          %ne3A_698 = arith.constant 7812 : i32
          %ne3A_699 = arith.cmpi ne, %add3A_689, %ne3A_698 : i32
          %convert_element_type3A_700 = arith.extui %ne3A_699 : i1 to i32
          %cond3A_701 = arith.constant 0 : i32
          %cond3A_702 = arith.cmpi ne, %convert_element_type3A_700, %cond3A_701 : i32
          scf.if %cond3A_702 {
            %mul3A_703 = arith.constant 128 : i32
            %mul3A_704 = arith.muli %add3A_689, %mul3A_703 : i32
            %multiple_of3A = tpu.assume_multiple %mul3A_704, 128 : i32
            %dma_start3A = arith.constant 1 : i32
            %dma_start3A_705 = arith.constant 0 : i32
            %dma_start3A_706 = arith.constant 0 : i32
            %dma_start3A_707 = tpu.memref_slice %arg13[%dma_start3A, %dma_start3A_705, %dma_start3A_706] : memref<4x64x128xf32, #tpu.memory_space<vmem>> -> memref<1x64x128xf32, #tpu.memory_space<vmem>>
            %dma_start3A_708 = tpu.memref_squeeze %dma_start3A_707 : memref<1x64x128xf32, #tpu.memory_space<vmem>> -> memref<64x128xf32, #tpu.memory_space<vmem>>
            %dma_start3A_709 = arith.constant 0 : i32
            %dma_start3A_710 = tpu.memref_slice %arg3[%dma_start3A_709, %multiple_of3A] : memref<64x1000001xf32, #tpu.memory_space<hbm>> -> memref<64x128xf32, #tpu.memory_space<hbm>>
            %dma_start3A_711 = arith.constant 0 : i32
            %dma_start3A_712 = arith.constant 0 : i32
            %dma_start3A_713 = tpu.memref_slice %arg13[%dma_start3A, %dma_start3A_711, %dma_start3A_712] : memref<4x64x128xf32, #tpu.memory_space<vmem>> -> memref<1x64x128xf32, #tpu.memory_space<vmem>>
            %dma_start3A_714 = tpu.memref_squeeze %dma_start3A_713 : memref<1x64x128xf32, #tpu.memory_space<vmem>> -> memref<64x128xf32, #tpu.memory_space<vmem>>
            %dma_start3A_715 = arith.constant 0 : i32
            %dma_start3A_716 = tpu.memref_slice %arg3[%dma_start3A_715, %multiple_of3A] : memref<64x1000001xf32, #tpu.memory_space<hbm>> -> memref<64x128xf32, #tpu.memory_space<hbm>>
            tpu.enqueue_dma source(%dma_start3A_716 : memref<64x128xf32, #tpu.memory_space<hbm>>) target(%dma_start3A_714 : memref<64x128xf32, #tpu.memory_space<vmem>>) target_semaphore(%arg19 : memref<!tpu.dma_semaphore, #tpu.memory_space<semaphore_mem>>)
          } else {
          }
        } else {
        }
      } else {
      }
      %mul3A_644 = arith.constant 4 : i32
      %mul3A_645 = arith.muli %scan3A_625, %mul3A_644 : i32
      %add3A_646 = arith.addi %mul3A_2, %mul3A_645 : i32
      %add3A_647 = arith.constant 2 : i32
      %add3A_648 = arith.addi %add3A_646, %add3A_647 : i32
      %lt3A_649 = arith.cmpi slt, %add3A_648, %min3A_5 : i32
      %convert_element_type3A_650 = arith.extui %lt3A_649 : i1 to i32
      %cond3A_651 = arith.constant 0 : i32
      %cond3A_652 = arith.cmpi ne, %convert_element_type3A_650, %cond3A_651 : i32
      scf.if %cond3A_652 {
        %dma_wait3A = arith.constant 2 : i32
        %dma_wait3A_662 = arith.constant 0 : i32
        %dma_wait3A_663 = arith.constant 0 : i32
        %dma_wait3A_664 = tpu.memref_slice %arg13[%dma_wait3A, %dma_wait3A_662, %dma_wait3A_663] : memref<4x64x128xf32, #tpu.memory_space<vmem>> -> memref<1x64x128xf32, #tpu.memory_space<vmem>>
        %dma_wait3A_665 = tpu.memref_squeeze %dma_wait3A_664 : memref<1x64x128xf32, #tpu.memory_space<vmem>> -> memref<64x128xf32, #tpu.memory_space<vmem>>
        %dma_wait3A_666 = arith.constant 0 : i32
        %dma_wait3A_667 = arith.constant 0 : i32
        %dma_wait3A_668 = tpu.memref_slice %arg13[%dma_wait3A, %dma_wait3A_666, %dma_wait3A_667] : memref<4x64x128xf32, #tpu.memory_space<vmem>> -> memref<1x64x128xf32, #tpu.memory_space<vmem>>
        %dma_wait3A_669 = tpu.memref_squeeze %dma_wait3A_668 : memref<1x64x128xf32, #tpu.memory_space<vmem>> -> memref<64x128xf32, #tpu.memory_space<vmem>>
        tpu.wait_dma2 semaphore(%arg20 : memref<!tpu.dma_semaphore, #tpu.memory_space<semaphore_mem>>) src(%arg4 : memref<64x128xf32, #tpu.memory_space<hbm>>) dst(%dma_wait3A_669 : memref<64x128xf32, #tpu.memory_space<vmem>>)
        %sub3A_670 = arith.subi %add3A_648, %mul3A_2 : i32
        %get3A_671 = arith.index_cast %sub3A_670 : i32 to index
        %get3A_672 = tpu.vector_load %arg11[%get3A_671] {strides = array<i32>} : memref<272xi32, #tpu.memory_space<vmem>>, vector<16xi32>,
        %slice3A = vector.extract_strided_slice %get3A_672 {offsets = [0], sizes = [1], strides = [1]} : vector<16xi32> to vector<1xi32>
        %squeeze3A = vector.extract %slice3A[0] : i32 from vector<1xi32>
        %add3A_673 = arith.constant 1 : i32
        %add3A_674 = arith.addi %sub3A_670, %add3A_673 : i32
        %get3A_675 = arith.index_cast %add3A_674 : i32 to index
        %get3A_676 = tpu.vector_load %arg11[%get3A_675] {strides = array<i32>} : memref<272xi32, #tpu.memory_space<vmem>>, vector<16xi32>,
        %slice3A_677 = vector.extract_strided_slice %get3A_676 {offsets = [0], sizes = [1], strides = [1]} : vector<16xi32> to vector<1xi32>
        %squeeze3A_678 = vector.extract %slice3A_677[0] : i32 from vector<1xi32>
        %while3A_679 = arith.constant 0 : i32
        %while3A_680 = arith.subi %squeeze3A_678, %squeeze3A : i32
        %while3A_681 = arith.addi %squeeze3A, %while3A_680 : i32
        %while3A_682 = arith.constant 1 : i32
        %while3A_683 = arith.divsi %while3A_680, %while3A_682 : i32
        %while3A_684 = arith.muli %while3A_683, %while3A_682 : i32
        %while3A_685 = arith.addi %squeeze3A, %while3A_684 : i32
        %while3A_686 = arith.constant 1 : i32
        scf.for %while3A_694 = %squeeze3A to %while3A_685 step %while3A_686  : i32 {
          %get3A_695 = arith.index_cast %while3A_694 : i32 to index
          %get3A_696 = tpu.vector_load %arg6[%get3A_695] {strides = array<i32>} : memref<16400xi32, #tpu.memory_space<vmem>>, vector<16xi32>,
          %slice3A_697 = vector.extract_strided_slice %get3A_696 {offsets = [0], sizes = [1], strides = [1]} : vector<16xi32> to vector<1xi32>
          %squeeze3A_698 = vector.extract %slice3A_697[0] : i32 from vector<1xi32>
          %get3A_699 = arith.index_cast %while3A_694 : i32 to index
          %get3A_700 = tpu.vector_load %arg9[%get3A_699] {strides = array<i32>} : memref<16400xi32, #tpu.memory_space<vmem>>, vector<16xi32>,
          %slice3A_701 = vector.extract_strided_slice %get3A_700 {offsets = [0], sizes = [1], strides = [1]} : vector<16xi32> to vector<1xi32>
          %squeeze3A_702 = vector.extract %slice3A_701[0] : i32 from vector<1xi32>
          %and3A_703 = arith.constant 127 : i32
          %and3A_704 = arith.andi %squeeze3A_698, %and3A_703 : i32
          %mul3A_705 = arith.constant 0 : i32
          %mul3A_706 = vector.broadcast %mul3A_705 : i32 to vector<16xi32>
          %mul3A_707 = arith.muli %iota3A, %mul3A_706 : vector<16xi32>
          %add3A_708 = vector.broadcast %and3A_704 : i32 to vector<16xi32>
          %add3A_709 = arith.addi %add3A_708, %mul3A_707 : vector<16xi32>
          %get3A_710 = arith.constant 1 : i32
          %get3A_711 = arith.index_cast %get3A_710 : i32 to index
          %get3A_712 = memref.load %arg16[%get3A_711] : memref<4xi32, #tpu.memory_space<smem>>
          %add3A_713 = arith.constant 0 : i32
          %add3A_714 = vector.broadcast %add3A_713 : i32 to vector<16xi32>
          %add3A_715 = arith.addi %iota3A, %add3A_714 : vector<16xi32>
          %gather3A = arith.constant 2 : i32
          %gather3A_716 = arith.constant 0 : i32
          %gather3A_717 = arith.constant 0 : i32
          %gather3A_718 = tpu.memref_slice %arg13[%gather3A, %gather3A_716, %gather3A_717] : memref<4x64x128xf32, #tpu.memory_space<vmem>> -> memref<1x64x128xf32, #tpu.memory_space<vmem>>
          %gather3A_719 = tpu.memref_squeeze %gather3A_718 : memref<1x64x128xf32, #tpu.memory_space<vmem>> -> memref<64x128xf32, #tpu.memory_space<vmem>>
          %gather3A_720 = tpu.vector_load_idx %gather3A_719[%add3A_715, %add3A_709] : memref<64x128xf32, #tpu.memory_space<vmem>>[vector<16xi32>, vector<16xi32>], vector<16xf32>,
          %swap3A_721 = arith.index_cast %get3A_712 : i32 to index
          %swap3A_722 = arith.constant 0 : index
          %swap3A_723 = tpu.vector_load %arg14[%swap3A_721, %swap3A_722] {strides = array<i32>} : memref<128x128xf32, #tpu.memory_space<vmem>>, vector<16xf32>,
          tpu.vector_store %arg14[%swap3A_721, %swap3A_722], %gather3A_720 {strides = array<i32>} : memref<128x128xf32, #tpu.memory_space<vmem>>, vector<16xf32>,
          %add3A_724 = arith.constant 16 : i32
          %add3A_725 = vector.broadcast %add3A_724 : i32 to vector<16xi32>
          %add3A_726 = arith.addi %iota3A, %add3A_725 : vector<16xi32>
          %gather3A_727 = arith.constant 2 : i32
          %gather3A_728 = arith.constant 0 : i32
          %gather3A_729 = arith.constant 0 : i32
          %gather3A_730 = tpu.memref_slice %arg13[%gather3A_727, %gather3A_728, %gather3A_729] : memref<4x64x128xf32, #tpu.memory_space<vmem>> -> memref<1x64x128xf32, #tpu.memory_space<vmem>>
          %gather3A_731 = tpu.memref_squeeze %gather3A_730 : memref<1x64x128xf32, #tpu.memory_space<vmem>> -> memref<64x128xf32, #tpu.memory_space<vmem>>
          %gather3A_732 = tpu.vector_load_idx %gather3A_731[%add3A_726, %add3A_709] : memref<64x128xf32, #tpu.memory_space<vmem>>[vector<16xi32>, vector<16xi32>], vector<16xf32>,
          %swap3A_733 = arith.index_cast %get3A_712 : i32 to index
          %swap3A_734 = arith.constant 16 : index
          %swap3A_735 = tpu.vector_load %arg14[%swap3A_733, %swap3A_734] {strides = array<i32>} : memref<128x128xf32, #tpu.memory_space<vmem>>, vector<16xf32>,
          tpu.vector_store %arg14[%swap3A_733, %swap3A_734], %gather3A_732 {strides = array<i32>} : memref<128x128xf32, #tpu.memory_space<vmem>>, vector<16xf32>,
          %add3A_736 = arith.constant 32 : i32
          %add3A_737 = vector.broadcast %add3A_736 : i32 to vector<16xi32>
          %add3A_738 = arith.addi %iota3A, %add3A_737 : vector<16xi32>
          %gather3A_739 = arith.constant 2 : i32
          %gather3A_740 = arith.constant 0 : i32
          %gather3A_741 = arith.constant 0 : i32
          %gather3A_742 = tpu.memref_slice %arg13[%gather3A_739, %gather3A_740, %gather3A_741] : memref<4x64x128xf32, #tpu.memory_space<vmem>> -> memref<1x64x128xf32, #tpu.memory_space<vmem>>
          %gather3A_743 = tpu.memref_squeeze %gather3A_742 : memref<1x64x128xf32, #tpu.memory_space<vmem>> -> memref<64x128xf32, #tpu.memory_space<vmem>>
          %gather3A_744 = tpu.vector_load_idx %gather3A_743[%add3A_738, %add3A_709] : memref<64x128xf32, #tpu.memory_space<vmem>>[vector<16xi32>, vector<16xi32>], vector<16xf32>,
          %swap3A_745 = arith.index_cast %get3A_712 : i32 to index
          %swap3A_746 = arith.constant 32 : index
          %swap3A_747 = tpu.vector_load %arg14[%swap3A_745, %swap3A_746] {strides = array<i32>} : memref<128x128xf32, #tpu.memory_space<vmem>>, vector<16xf32>,
          tpu.vector_store %arg14[%swap3A_745, %swap3A_746], %gather3A_744 {strides = array<i32>} : memref<128x128xf32, #tpu.memory_space<vmem>>, vector<16xf32>,
          %add3A_748 = arith.constant 48 : i32
          %add3A_749 = vector.broadcast %add3A_748 : i32 to vector<16xi32>
          %add3A_750 = arith.addi %iota3A, %add3A_749 : vector<16xi32>
          %gather3A_751 = arith.constant 2 : i32
          %gather3A_752 = arith.constant 0 : i32
          %gather3A_753 = arith.constant 0 : i32
          %gather3A_754 = tpu.memref_slice %arg13[%gather3A_751, %gather3A_752, %gather3A_753] : memref<4x64x128xf32, #tpu.memory_space<vmem>> -> memref<1x64x128xf32, #tpu.memory_space<vmem>>
          %gather3A_755 = tpu.memref_squeeze %gather3A_754 : memref<1x64x128xf32, #tpu.memory_space<vmem>> -> memref<64x128xf32, #tpu.memory_space<vmem>>
          %gather3A_756 = tpu.vector_load_idx %gather3A_755[%add3A_750, %add3A_709] : memref<64x128xf32, #tpu.memory_space<vmem>>[vector<16xi32>, vector<16xi32>], vector<16xf32>,
          %swap3A_757 = arith.index_cast %get3A_712 : i32 to index
          %swap3A_758 = arith.constant 48 : index
          %swap3A_759 = tpu.vector_load %arg14[%swap3A_757, %swap3A_758] {strides = array<i32>} : memref<128x128xf32, #tpu.memory_space<vmem>>, vector<16xf32>,
          tpu.vector_store %arg14[%swap3A_757, %swap3A_758], %gather3A_756 {strides = array<i32>} : memref<128x128xf32, #tpu.memory_space<vmem>>, vector<16xf32>,
          %mul3A_760 = arith.constant 0 : i32
          %mul3A_761 = vector.broadcast %mul3A_760 : i32 to vector<16xi32>
          %mul3A_762 = arith.muli %iota3A, %mul3A_761 : vector<16xi32>
          %add3A_763 = vector.broadcast %get3A_712 : i32 to vector<16xi32>
          %add3A_764 = arith.addi %add3A_763, %mul3A_762 : vector<16xi32>
          %mul3A_765 = arith.constant 0 : i32
          %mul3A_766 = vector.broadcast %mul3A_765 : i32 to vector<16xi32>
          %mul3A_767 = arith.muli %iota3A, %mul3A_766 : vector<16xi32>
          %add3A_768 = vector.broadcast %squeeze3A_702 : i32 to vector<16xi32>
          %add3A_769 = arith.addi %add3A_768, %mul3A_767 : vector<16xi32>
          tpu.vector_store_idx %arg15[%add3A_764], %add3A_769 : memref<128xi32, #tpu.memory_space<vmem>>[vector<16xi32>], vector<16xi32>,
          %add3A_770 = arith.constant 1 : i32
          %add3A_771 = arith.addi %get3A_712, %add3A_770 : i32
          %swap3A_772 = arith.constant 1 : i32
          %swap3A_773 = arith.index_cast %swap3A_772 : i32 to index
          %swap3A_774 = memref.load %arg16[%swap3A_773] : memref<4xi32, #tpu.memory_space<smem>>
          memref.store %add3A_771, %arg16[%swap3A_773] : memref<4xi32, #tpu.memory_space<smem>>
          %add3A_775 = arith.constant 1 : i32
          %add3A_776 = arith.addi %get3A_712, %add3A_775 : i32
          %eq3A = arith.constant 128 : i32
          %eq3A_777 = arith.cmpi eq, %add3A_776, %eq3A : i32
          %convert_element_type3A_778 = arith.extui %eq3A_777 : i1 to i32
          %cond3A_779 = arith.constant 0 : i32
          %cond3A_780 = arith.cmpi ne, %convert_element_type3A_778, %cond3A_779 : i32
          scf.if %cond3A_780 {
            %dma_start3A = arith.constant 0 : i32
            %dma_start3A_781 = arith.constant 0 : i32
            %dma_start3A_782 = tpu.memref_slice %arg5[%dma_start3A, %dma_start3A_781] : memref<16384x128xf32, #tpu.memory_space<hbm>> -> memref<16384x128xf32, #tpu.memory_space<hbm>>
            tpu.enqueue_indirect_dma source(%arg14 : memref<128x128xf32, #tpu.memory_space<vmem>>) target(%dma_start3A_782 : memref<16384x128xf32, #tpu.memory_space<hbm>>) offsets(%arg15 : memref<128xi32, #tpu.memory_space<vmem>>) semaphore(%arg17 : memref<!tpu.dma_semaphore, #tpu.memory_space<semaphore_mem>>)
            %dma_wait3A_783 = arith.constant 0 : i32
            %dma_wait3A_784 = arith.constant 0 : i32
            %dma_wait3A_785 = tpu.memref_slice %arg5[%dma_wait3A_783, %dma_wait3A_784] : memref<16384x128xf32, #tpu.memory_space<hbm>> -> memref<16384x128xf32, #tpu.memory_space<hbm>>
            tpu.wait_indirect_dma semaphore(%arg17 : memref<!tpu.dma_semaphore, #tpu.memory_space<semaphore_mem>>) src(%arg14 : memref<128x128xf32, #tpu.memory_space<vmem>>) dst(%dma_wait3A_785 : memref<16384x128xf32, #tpu.memory_space<hbm>>)
            %swap3A_786 = arith.constant 0 : i32
            %swap3A_787 = arith.constant 1 : i32
            %swap3A_788 = arith.index_cast %swap3A_787 : i32 to index
            %swap3A_789 = memref.load %arg16[%swap3A_788] : memref<4xi32, #tpu.memory_space<smem>>
            memref.store %swap3A_786, %arg16[%swap3A_788] : memref<4xi32, #tpu.memory_space<smem>>
          } else {
          }
        }
        %while3A_687 = arith.constant 1 : i32
        scf.for %while3A_694 = %while3A_685 to %while3A_681 step %while3A_687  : i32 {
          %get3A_695 = arith.index_cast %while3A_694 : i32 to index
          %get3A_696 = tpu.vector_load %arg6[%get3A_695] {strides = array<i32>} : memref<16400xi32, #tpu.memory_space<vmem>>, vector<16xi32>,
          %slice3A_697 = vector.extract_strided_slice %get3A_696 {offsets = [0], sizes = [1], strides = [1]} : vector<16xi32> to vector<1xi32>
          %squeeze3A_698 = vector.extract %slice3A_697[0] : i32 from vector<1xi32>
          %get3A_699 = arith.index_cast %while3A_694 : i32 to index
          %get3A_700 = tpu.vector_load %arg9[%get3A_699] {strides = array<i32>} : memref<16400xi32, #tpu.memory_space<vmem>>, vector<16xi32>,
          %slice3A_701 = vector.extract_strided_slice %get3A_700 {offsets = [0], sizes = [1], strides = [1]} : vector<16xi32> to vector<1xi32>
          %squeeze3A_702 = vector.extract %slice3A_701[0] : i32 from vector<1xi32>
          %and3A_703 = arith.constant 127 : i32
          %and3A_704 = arith.andi %squeeze3A_698, %and3A_703 : i32
          %mul3A_705 = arith.constant 0 : i32
          %mul3A_706 = vector.broadcast %mul3A_705 : i32 to vector<16xi32>
          %mul3A_707 = arith.muli %iota3A, %mul3A_706 : vector<16xi32>
          %add3A_708 = vector.broadcast %and3A_704 : i32 to vector<16xi32>
          %add3A_709 = arith.addi %add3A_708, %mul3A_707 : vector<16xi32>
          %get3A_710 = arith.constant 1 : i32
          %get3A_711 = arith.index_cast %get3A_710 : i32 to index
          %get3A_712 = memref.load %arg16[%get3A_711] : memref<4xi32, #tpu.memory_space<smem>>
          %add3A_713 = arith.constant 0 : i32
          %add3A_714 = vector.broadcast %add3A_713 : i32 to vector<16xi32>
          %add3A_715 = arith.addi %iota3A, %add3A_714 : vector<16xi32>
          %gather3A = arith.constant 2 : i32
          %gather3A_716 = arith.constant 0 : i32
          %gather3A_717 = arith.constant 0 : i32
          %gather3A_718 = tpu.memref_slice %arg13[%gather3A, %gather3A_716, %gather3A_717] : memref<4x64x128xf32, #tpu.memory_space<vmem>> -> memref<1x64x128xf32, #tpu.memory_space<vmem>>
          %gather3A_719 = tpu.memref_squeeze %gather3A_718 : memref<1x64x128xf32, #tpu.memory_space<vmem>> -> memref<64x128xf32, #tpu.memory_space<vmem>>
          %gather3A_720 = tpu.vector_load_idx %gather3A_719[%add3A_715, %add3A_709] : memref<64x128xf32, #tpu.memory_space<vmem>>[vector<16xi32>, vector<16xi32>], vector<16xf32>,
          %swap3A_721 = arith.index_cast %get3A_712 : i32 to index
          %swap3A_722 = arith.constant 0 : index
          %swap3A_723 = tpu.vector_load %arg14[%swap3A_721, %swap3A_722] {strides = array<i32>} : memref<128x128xf32, #tpu.memory_space<vmem>>, vector<16xf32>,
          tpu.vector_store %arg14[%swap3A_721, %swap3A_722], %gather3A_720 {strides = array<i32>} : memref<128x128xf32, #tpu.memory_space<vmem>>, vector<16xf32>,
          %add3A_724 = arith.constant 16 : i32
          %add3A_725 = vector.broadcast %add3A_724 : i32 to vector<16xi32>
          %add3A_726 = arith.addi %iota3A, %add3A_725 : vector<16xi32>
          %gather3A_727 = arith.constant 2 : i32
          %gather3A_728 = arith.constant 0 : i32
          %gather3A_729 = arith.constant 0 : i32
          %gather3A_730 = tpu.memref_slice %arg13[%gather3A_727, %gather3A_728, %gather3A_729] : memref<4x64x128xf32, #tpu.memory_space<vmem>> -> memref<1x64x128xf32, #tpu.memory_space<vmem>>
          %gather3A_731 = tpu.memref_squeeze %gather3A_730 : memref<1x64x128xf32, #tpu.memory_space<vmem>> -> memref<64x128xf32, #tpu.memory_space<vmem>>
          %gather3A_732 = tpu.vector_load_idx %gather3A_731[%add3A_726, %add3A_709] : memref<64x128xf32, #tpu.memory_space<vmem>>[vector<16xi32>, vector<16xi32>], vector<16xf32>,
          %swap3A_733 = arith.index_cast %get3A_712 : i32 to index
          %swap3A_734 = arith.constant 16 : index
          %swap3A_735 = tpu.vector_load %arg14[%swap3A_733, %swap3A_734] {strides = array<i32>} : memref<128x128xf32, #tpu.memory_space<vmem>>, vector<16xf32>,
          tpu.vector_store %arg14[%swap3A_733, %swap3A_734], %gather3A_732 {strides = array<i32>} : memref<128x128xf32, #tpu.memory_space<vmem>>, vector<16xf32>,
          %add3A_736 = arith.constant 32 : i32
          %add3A_737 = vector.broadcast %add3A_736 : i32 to vector<16xi32>
          %add3A_738 = arith.addi %iota3A, %add3A_737 : vector<16xi32>
          %gather3A_739 = arith.constant 2 : i32
          %gather3A_740 = arith.constant 0 : i32
          %gather3A_741 = arith.constant 0 : i32
          %gather3A_742 = tpu.memref_slice %arg13[%gather3A_739, %gather3A_740, %gather3A_741] : memref<4x64x128xf32, #tpu.memory_space<vmem>> -> memref<1x64x128xf32, #tpu.memory_space<vmem>>
          %gather3A_743 = tpu.memref_squeeze %gather3A_742 : memref<1x64x128xf32, #tpu.memory_space<vmem>> -> memref<64x128xf32, #tpu.memory_space<vmem>>
          %gather3A_744 = tpu.vector_load_idx %gather3A_743[%add3A_738, %add3A_709] : memref<64x128xf32, #tpu.memory_space<vmem>>[vector<16xi32>, vector<16xi32>], vector<16xf32>,
          %swap3A_745 = arith.index_cast %get3A_712 : i32 to index
          %swap3A_746 = arith.constant 32 : index
          %swap3A_747 = tpu.vector_load %arg14[%swap3A_745, %swap3A_746] {strides = array<i32>} : memref<128x128xf32, #tpu.memory_space<vmem>>, vector<16xf32>,
          tpu.vector_store %arg14[%swap3A_745, %swap3A_746], %gather3A_744 {strides = array<i32>} : memref<128x128xf32, #tpu.memory_space<vmem>>, vector<16xf32>,
          %add3A_748 = arith.constant 48 : i32
          %add3A_749 = vector.broadcast %add3A_748 : i32 to vector<16xi32>
          %add3A_750 = arith.addi %iota3A, %add3A_749 : vector<16xi32>
          %gather3A_751 = arith.constant 2 : i32
          %gather3A_752 = arith.constant 0 : i32
          %gather3A_753 = arith.constant 0 : i32
          %gather3A_754 = tpu.memref_slice %arg13[%gather3A_751, %gather3A_752, %gather3A_753] : memref<4x64x128xf32, #tpu.memory_space<vmem>> -> memref<1x64x128xf32, #tpu.memory_space<vmem>>
          %gather3A_755 = tpu.memref_squeeze %gather3A_754 : memref<1x64x128xf32, #tpu.memory_space<vmem>> -> memref<64x128xf32, #tpu.memory_space<vmem>>
          %gather3A_756 = tpu.vector_load_idx %gather3A_755[%add3A_750, %add3A_709] : memref<64x128xf32, #tpu.memory_space<vmem>>[vector<16xi32>, vector<16xi32>], vector<16xf32>,
          %swap3A_757 = arith.index_cast %get3A_712 : i32 to index
          %swap3A_758 = arith.constant 48 : index
          %swap3A_759 = tpu.vector_load %arg14[%swap3A_757, %swap3A_758] {strides = array<i32>} : memref<128x128xf32, #tpu.memory_space<vmem>>, vector<16xf32>,
          tpu.vector_store %arg14[%swap3A_757, %swap3A_758], %gather3A_756 {strides = array<i32>} : memref<128x128xf32, #tpu.memory_space<vmem>>, vector<16xf32>,
          %mul3A_760 = arith.constant 0 : i32
          %mul3A_761 = vector.broadcast %mul3A_760 : i32 to vector<16xi32>
          %mul3A_762 = arith.muli %iota3A, %mul3A_761 : vector<16xi32>
          %add3A_763 = vector.broadcast %get3A_712 : i32 to vector<16xi32>
          %add3A_764 = arith.addi %add3A_763, %mul3A_762 : vector<16xi32>
          %mul3A_765 = arith.constant 0 : i32
          %mul3A_766 = vector.broadcast %mul3A_765 : i32 to vector<16xi32>
          %mul3A_767 = arith.muli %iota3A, %mul3A_766 : vector<16xi32>
          %add3A_768 = vector.broadcast %squeeze3A_702 : i32 to vector<16xi32>
          %add3A_769 = arith.addi %add3A_768, %mul3A_767 : vector<16xi32>
          tpu.vector_store_idx %arg15[%add3A_764], %add3A_769 : memref<128xi32, #tpu.memory_space<vmem>>[vector<16xi32>], vector<16xi32>,
          %add3A_770 = arith.constant 1 : i32
          %add3A_771 = arith.addi %get3A_712, %add3A_770 : i32
          %swap3A_772 = arith.constant 1 : i32
          %swap3A_773 = arith.index_cast %swap3A_772 : i32 to index
          %swap3A_774 = memref.load %arg16[%swap3A_773] : memref<4xi32, #tpu.memory_space<smem>>
          memref.store %add3A_771, %arg16[%swap3A_773] : memref<4xi32, #tpu.memory_space<smem>>
          %add3A_775 = arith.constant 1 : i32
          %add3A_776 = arith.addi %get3A_712, %add3A_775 : i32
          %eq3A = arith.constant 128 : i32
          %eq3A_777 = arith.cmpi eq, %add3A_776, %eq3A : i32
          %convert_element_type3A_778 = arith.extui %eq3A_777 : i1 to i32
          %cond3A_779 = arith.constant 0 : i32
          %cond3A_780 = arith.cmpi ne, %convert_element_type3A_778, %cond3A_779 : i32
          scf.if %cond3A_780 {
            %dma_start3A = arith.constant 0 : i32
            %dma_start3A_781 = arith.constant 0 : i32
            %dma_start3A_782 = tpu.memref_slice %arg5[%dma_start3A, %dma_start3A_781] : memref<16384x128xf32, #tpu.memory_space<hbm>> -> memref<16384x128xf32, #tpu.memory_space<hbm>>
            tpu.enqueue_indirect_dma source(%arg14 : memref<128x128xf32, #tpu.memory_space<vmem>>) target(%dma_start3A_782 : memref<16384x128xf32, #tpu.memory_space<hbm>>) offsets(%arg15 : memref<128xi32, #tpu.memory_space<vmem>>) semaphore(%arg17 : memref<!tpu.dma_semaphore, #tpu.memory_space<semaphore_mem>>)
            %dma_wait3A_783 = arith.constant 0 : i32
            %dma_wait3A_784 = arith.constant 0 : i32
            %dma_wait3A_785 = tpu.memref_slice %arg5[%dma_wait3A_783, %dma_wait3A_784] : memref<16384x128xf32, #tpu.memory_space<hbm>> -> memref<16384x128xf32, #tpu.memory_space<hbm>>
            tpu.wait_indirect_dma semaphore(%arg17 : memref<!tpu.dma_semaphore, #tpu.memory_space<semaphore_mem>>) src(%arg14 : memref<128x128xf32, #tpu.memory_space<vmem>>) dst(%dma_wait3A_785 : memref<16384x128xf32, #tpu.memory_space<hbm>>)
            %swap3A_786 = arith.constant 0 : i32
            %swap3A_787 = arith.constant 1 : i32
            %swap3A_788 = arith.index_cast %swap3A_787 : i32 to index
            %swap3A_789 = memref.load %arg16[%swap3A_788] : memref<4xi32, #tpu.memory_space<smem>>
            memref.store %swap3A_786, %arg16[%swap3A_788] : memref<4xi32, #tpu.memory_space<smem>>
          } else {
          }
        }
        %add3A_688 = arith.constant 4 : i32
        %add3A_689 = arith.addi %add3A_648, %add3A_688 : i32
        %lt3A_690 = arith.cmpi slt, %add3A_689, %min3A_5 : i32
        %convert_element_type3A_691 = arith.extui %lt3A_690 : i1 to i32
        %cond3A_692 = arith.constant 0 : i32
        %cond3A_693 = arith.cmpi ne, %convert_element_type3A_691, %cond3A_692 : i32
        scf.if %cond3A_693 {
          %eq3A = arith.constant 7812 : i32
          %eq3A_694 = arith.cmpi eq, %add3A_689, %eq3A : i32
          %convert_element_type3A_695 = arith.extui %eq3A_694 : i1 to i32
          %cond3A_696 = arith.constant 0 : i32
          %cond3A_697 = arith.cmpi ne, %convert_element_type3A_695, %cond3A_696 : i32
          scf.if %cond3A_697 {
            %dma_start3A = arith.constant 2 : i32
            %dma_start3A_703 = arith.constant 0 : i32
            %dma_start3A_704 = arith.constant 0 : i32
            %dma_start3A_705 = tpu.memref_slice %arg13[%dma_start3A, %dma_start3A_703, %dma_start3A_704] : memref<4x64x128xf32, #tpu.memory_space<vmem>> -> memref<1x64x128xf32, #tpu.memory_space<vmem>>
            %dma_start3A_706 = tpu.memref_squeeze %dma_start3A_705 : memref<1x64x128xf32, #tpu.memory_space<vmem>> -> memref<64x128xf32, #tpu.memory_space<vmem>>
            %dma_start3A_707 = arith.constant 0 : i32
            %dma_start3A_708 = arith.constant 0 : i32
            %dma_start3A_709 = tpu.memref_slice %arg13[%dma_start3A, %dma_start3A_707, %dma_start3A_708] : memref<4x64x128xf32, #tpu.memory_space<vmem>> -> memref<1x64x128xf32, #tpu.memory_space<vmem>>
            %dma_start3A_710 = tpu.memref_squeeze %dma_start3A_709 : memref<1x64x128xf32, #tpu.memory_space<vmem>> -> memref<64x128xf32, #tpu.memory_space<vmem>>
            tpu.enqueue_dma source(%arg4 : memref<64x128xf32, #tpu.memory_space<hbm>>) target(%dma_start3A_710 : memref<64x128xf32, #tpu.memory_space<vmem>>) target_semaphore(%arg20 : memref<!tpu.dma_semaphore, #tpu.memory_space<semaphore_mem>>)
          } else {
          }
          %ne3A_698 = arith.constant 7812 : i32
          %ne3A_699 = arith.cmpi ne, %add3A_689, %ne3A_698 : i32
          %convert_element_type3A_700 = arith.extui %ne3A_699 : i1 to i32
          %cond3A_701 = arith.constant 0 : i32
          %cond3A_702 = arith.cmpi ne, %convert_element_type3A_700, %cond3A_701 : i32
          scf.if %cond3A_702 {
            %mul3A_703 = arith.constant 128 : i32
            %mul3A_704 = arith.muli %add3A_689, %mul3A_703 : i32
            %multiple_of3A = tpu.assume_multiple %mul3A_704, 128 : i32
            %dma_start3A = arith.constant 2 : i32
            %dma_start3A_705 = arith.constant 0 : i32
            %dma_start3A_706 = arith.constant 0 : i32
            %dma_start3A_707 = tpu.memref_slice %arg13[%dma_start3A, %dma_start3A_705, %dma_start3A_706] : memref<4x64x128xf32, #tpu.memory_space<vmem>> -> memref<1x64x128xf32, #tpu.memory_space<vmem>>
            %dma_start3A_708 = tpu.memref_squeeze %dma_start3A_707 : memref<1x64x128xf32, #tpu.memory_space<vmem>> -> memref<64x128xf32, #tpu.memory_space<vmem>>
            %dma_start3A_709 = arith.constant 0 : i32
            %dma_start3A_710 = tpu.memref_slice %arg3[%dma_start3A_709, %multiple_of3A] : memref<64x1000001xf32, #tpu.memory_space<hbm>> -> memref<64x128xf32, #tpu.memory_space<hbm>>
            %dma_start3A_711 = arith.constant 0 : i32
            %dma_start3A_712 = arith.constant 0 : i32
            %dma_start3A_713 = tpu.memref_slice %arg13[%dma_start3A, %dma_start3A_711, %dma_start3A_712] : memref<4x64x128xf32, #tpu.memory_space<vmem>> -> memref<1x64x128xf32, #tpu.memory_space<vmem>>
            %dma_start3A_714 = tpu.memref_squeeze %dma_start3A_713 : memref<1x64x128xf32, #tpu.memory_space<vmem>> -> memref<64x128xf32, #tpu.memory_space<vmem>>
            %dma_start3A_715 = arith.constant 0 : i32
            %dma_start3A_716 = tpu.memref_slice %arg3[%dma_start3A_715, %multiple_of3A] : memref<64x1000001xf32, #tpu.memory_space<hbm>> -> memref<64x128xf32, #tpu.memory_space<hbm>>
            tpu.enqueue_dma source(%dma_start3A_716 : memref<64x128xf32, #tpu.memory_space<hbm>>) target(%dma_start3A_714 : memref<64x128xf32, #tpu.memory_space<vmem>>) target_semaphore(%arg20 : memref<!tpu.dma_semaphore, #tpu.memory_space<semaphore_mem>>)
          } else {
          }
        } else {
        }
      } else {
      }
      %mul3A_653 = arith.constant 4 : i32
      %mul3A_654 = arith.muli %scan3A_625, %mul3A_653 : i32
      %add3A_655 = arith.addi %mul3A_2, %mul3A_654 : i32
      %add3A_656 = arith.constant 3 : i32
      %add3A_657 = arith.addi %add3A_655, %add3A_656 : i32
      %lt3A_658 = arith.cmpi slt, %add3A_657, %min3A_5 : i32
      %convert_element_type3A_659 = arith.extui %lt3A_658 : i1 to i32
      %cond3A_660 = arith.constant 0 : i32
      %cond3A_661 = arith.cmpi ne, %convert_element_type3A_659, %cond3A_660 : i32
      scf.if %cond3A_661 {
        %dma_wait3A = arith.constant 3 : i32
        %dma_wait3A_662 = arith.constant 0 : i32
        %dma_wait3A_663 = arith.constant 0 : i32
        %dma_wait3A_664 = tpu.memref_slice %arg13[%dma_wait3A, %dma_wait3A_662, %dma_wait3A_663] : memref<4x64x128xf32, #tpu.memory_space<vmem>> -> memref<1x64x128xf32, #tpu.memory_space<vmem>>
        %dma_wait3A_665 = tpu.memref_squeeze %dma_wait3A_664 : memref<1x64x128xf32, #tpu.memory_space<vmem>> -> memref<64x128xf32, #tpu.memory_space<vmem>>
        %dma_wait3A_666 = arith.constant 0 : i32
        %dma_wait3A_667 = arith.constant 0 : i32
        %dma_wait3A_668 = tpu.memref_slice %arg13[%dma_wait3A, %dma_wait3A_666, %dma_wait3A_667] : memref<4x64x128xf32, #tpu.memory_space<vmem>> -> memref<1x64x128xf32, #tpu.memory_space<vmem>>
        %dma_wait3A_669 = tpu.memref_squeeze %dma_wait3A_668 : memref<1x64x128xf32, #tpu.memory_space<vmem>> -> memref<64x128xf32, #tpu.memory_space<vmem>>
        tpu.wait_dma2 semaphore(%arg21 : memref<!tpu.dma_semaphore, #tpu.memory_space<semaphore_mem>>) src(%arg4 : memref<64x128xf32, #tpu.memory_space<hbm>>) dst(%dma_wait3A_669 : memref<64x128xf32, #tpu.memory_space<vmem>>)
        %sub3A_670 = arith.subi %add3A_657, %mul3A_2 : i32
        %get3A_671 = arith.index_cast %sub3A_670 : i32 to index
        %get3A_672 = tpu.vector_load %arg11[%get3A_671] {strides = array<i32>} : memref<272xi32, #tpu.memory_space<vmem>>, vector<16xi32>,
        %slice3A = vector.extract_strided_slice %get3A_672 {offsets = [0], sizes = [1], strides = [1]} : vector<16xi32> to vector<1xi32>
        %squeeze3A = vector.extract %slice3A[0] : i32 from vector<1xi32>
        %add3A_673 = arith.constant 1 : i32
        %add3A_674 = arith.addi %sub3A_670, %add3A_673 : i32
        %get3A_675 = arith.index_cast %add3A_674 : i32 to index
        %get3A_676 = tpu.vector_load %arg11[%get3A_675] {strides = array<i32>} : memref<272xi32, #tpu.memory_space<vmem>>, vector<16xi32>,
        %slice3A_677 = vector.extract_strided_slice %get3A_676 {offsets = [0], sizes = [1], strides = [1]} : vector<16xi32> to vector<1xi32>
        %squeeze3A_678 = vector.extract %slice3A_677[0] : i32 from vector<1xi32>
        %while3A_679 = arith.constant 0 : i32
        %while3A_680 = arith.subi %squeeze3A_678, %squeeze3A : i32
        %while3A_681 = arith.addi %squeeze3A, %while3A_680 : i32
        %while3A_682 = arith.constant 1 : i32
        %while3A_683 = arith.divsi %while3A_680, %while3A_682 : i32
        %while3A_684 = arith.muli %while3A_683, %while3A_682 : i32
        %while3A_685 = arith.addi %squeeze3A, %while3A_684 : i32
        %while3A_686 = arith.constant 1 : i32
        scf.for %while3A_694 = %squeeze3A to %while3A_685 step %while3A_686  : i32 {
          %get3A_695 = arith.index_cast %while3A_694 : i32 to index
          %get3A_696 = tpu.vector_load %arg6[%get3A_695] {strides = array<i32>} : memref<16400xi32, #tpu.memory_space<vmem>>, vector<16xi32>,
          %slice3A_697 = vector.extract_strided_slice %get3A_696 {offsets = [0], sizes = [1], strides = [1]} : vector<16xi32> to vector<1xi32>
          %squeeze3A_698 = vector.extract %slice3A_697[0] : i32 from vector<1xi32>
          %get3A_699 = arith.index_cast %while3A_694 : i32 to index
          %get3A_700 = tpu.vector_load %arg9[%get3A_699] {strides = array<i32>} : memref<16400xi32, #tpu.memory_space<vmem>>, vector<16xi32>,
          %slice3A_701 = vector.extract_strided_slice %get3A_700 {offsets = [0], sizes = [1], strides = [1]} : vector<16xi32> to vector<1xi32>
          %squeeze3A_702 = vector.extract %slice3A_701[0] : i32 from vector<1xi32>
          %and3A_703 = arith.constant 127 : i32
          %and3A_704 = arith.andi %squeeze3A_698, %and3A_703 : i32
          %mul3A_705 = arith.constant 0 : i32
          %mul3A_706 = vector.broadcast %mul3A_705 : i32 to vector<16xi32>
          %mul3A_707 = arith.muli %iota3A, %mul3A_706 : vector<16xi32>
          %add3A_708 = vector.broadcast %and3A_704 : i32 to vector<16xi32>
          %add3A_709 = arith.addi %add3A_708, %mul3A_707 : vector<16xi32>
          %get3A_710 = arith.constant 1 : i32
          %get3A_711 = arith.index_cast %get3A_710 : i32 to index
          %get3A_712 = memref.load %arg16[%get3A_711] : memref<4xi32, #tpu.memory_space<smem>>
          %add3A_713 = arith.constant 0 : i32
          %add3A_714 = vector.broadcast %add3A_713 : i32 to vector<16xi32>
          %add3A_715 = arith.addi %iota3A, %add3A_714 : vector<16xi32>
          %gather3A = arith.constant 3 : i32
          %gather3A_716 = arith.constant 0 : i32
          %gather3A_717 = arith.constant 0 : i32
          %gather3A_718 = tpu.memref_slice %arg13[%gather3A, %gather3A_716, %gather3A_717] : memref<4x64x128xf32, #tpu.memory_space<vmem>> -> memref<1x64x128xf32, #tpu.memory_space<vmem>>
          %gather3A_719 = tpu.memref_squeeze %gather3A_718 : memref<1x64x128xf32, #tpu.memory_space<vmem>> -> memref<64x128xf32, #tpu.memory_space<vmem>>
          %gather3A_720 = tpu.vector_load_idx %gather3A_719[%add3A_715, %add3A_709] : memref<64x128xf32, #tpu.memory_space<vmem>>[vector<16xi32>, vector<16xi32>], vector<16xf32>,
          %swap3A_721 = arith.index_cast %get3A_712 : i32 to index
          %swap3A_722 = arith.constant 0 : index
          %swap3A_723 = tpu.vector_load %arg14[%swap3A_721, %swap3A_722] {strides = array<i32>} : memref<128x128xf32, #tpu.memory_space<vmem>>, vector<16xf32>,
          tpu.vector_store %arg14[%swap3A_721, %swap3A_722], %gather3A_720 {strides = array<i32>} : memref<128x128xf32, #tpu.memory_space<vmem>>, vector<16xf32>,
          %add3A_724 = arith.constant 16 : i32
          %add3A_725 = vector.broadcast %add3A_724 : i32 to vector<16xi32>
          %add3A_726 = arith.addi %iota3A, %add3A_725 : vector<16xi32>
          %gather3A_727 = arith.constant 3 : i32
          %gather3A_728 = arith.constant 0 : i32
          %gather3A_729 = arith.constant 0 : i32
          %gather3A_730 = tpu.memref_slice %arg13[%gather3A_727, %gather3A_728, %gather3A_729] : memref<4x64x128xf32, #tpu.memory_space<vmem>> -> memref<1x64x128xf32, #tpu.memory_space<vmem>>
          %gather3A_731 = tpu.memref_squeeze %gather3A_730 : memref<1x64x128xf32, #tpu.memory_space<vmem>> -> memref<64x128xf32, #tpu.memory_space<vmem>>
          %gather3A_732 = tpu.vector_load_idx %gather3A_731[%add3A_726, %add3A_709] : memref<64x128xf32, #tpu.memory_space<vmem>>[vector<16xi32>, vector<16xi32>], vector<16xf32>,
          %swap3A_733 = arith.index_cast %get3A_712 : i32 to index
          %swap3A_734 = arith.constant 16 : index
          %swap3A_735 = tpu.vector_load %arg14[%swap3A_733, %swap3A_734] {strides = array<i32>} : memref<128x128xf32, #tpu.memory_space<vmem>>, vector<16xf32>,
          tpu.vector_store %arg14[%swap3A_733, %swap3A_734], %gather3A_732 {strides = array<i32>} : memref<128x128xf32, #tpu.memory_space<vmem>>, vector<16xf32>,
          %add3A_736 = arith.constant 32 : i32
          %add3A_737 = vector.broadcast %add3A_736 : i32 to vector<16xi32>
          %add3A_738 = arith.addi %iota3A, %add3A_737 : vector<16xi32>
          %gather3A_739 = arith.constant 3 : i32
          %gather3A_740 = arith.constant 0 : i32
          %gather3A_741 = arith.constant 0 : i32
          %gather3A_742 = tpu.memref_slice %arg13[%gather3A_739, %gather3A_740, %gather3A_741] : memref<4x64x128xf32, #tpu.memory_space<vmem>> -> memref<1x64x128xf32, #tpu.memory_space<vmem>>
          %gather3A_743 = tpu.memref_squeeze %gather3A_742 : memref<1x64x128xf32, #tpu.memory_space<vmem>> -> memref<64x128xf32, #tpu.memory_space<vmem>>
          %gather3A_744 = tpu.vector_load_idx %gather3A_743[%add3A_738, %add3A_709] : memref<64x128xf32, #tpu.memory_space<vmem>>[vector<16xi32>, vector<16xi32>], vector<16xf32>,
          %swap3A_745 = arith.index_cast %get3A_712 : i32 to index
          %swap3A_746 = arith.constant 32 : index
          %swap3A_747 = tpu.vector_load %arg14[%swap3A_745, %swap3A_746] {strides = array<i32>} : memref<128x128xf32, #tpu.memory_space<vmem>>, vector<16xf32>,
          tpu.vector_store %arg14[%swap3A_745, %swap3A_746], %gather3A_744 {strides = array<i32>} : memref<128x128xf32, #tpu.memory_space<vmem>>, vector<16xf32>,
          %add3A_748 = arith.constant 48 : i32
          %add3A_749 = vector.broadcast %add3A_748 : i32 to vector<16xi32>
          %add3A_750 = arith.addi %iota3A, %add3A_749 : vector<16xi32>
          %gather3A_751 = arith.constant 3 : i32
          %gather3A_752 = arith.constant 0 : i32
          %gather3A_753 = arith.constant 0 : i32
          %gather3A_754 = tpu.memref_slice %arg13[%gather3A_751, %gather3A_752, %gather3A_753] : memref<4x64x128xf32, #tpu.memory_space<vmem>> -> memref<1x64x128xf32, #tpu.memory_space<vmem>>
          %gather3A_755 = tpu.memref_squeeze %gather3A_754 : memref<1x64x128xf32, #tpu.memory_space<vmem>> -> memref<64x128xf32, #tpu.memory_space<vmem>>
          %gather3A_756 = tpu.vector_load_idx %gather3A_755[%add3A_750, %add3A_709] : memref<64x128xf32, #tpu.memory_space<vmem>>[vector<16xi32>, vector<16xi32>], vector<16xf32>,
          %swap3A_757 = arith.index_cast %get3A_712 : i32 to index
          %swap3A_758 = arith.constant 48 : index
          %swap3A_759 = tpu.vector_load %arg14[%swap3A_757, %swap3A_758] {strides = array<i32>} : memref<128x128xf32, #tpu.memory_space<vmem>>, vector<16xf32>,
          tpu.vector_store %arg14[%swap3A_757, %swap3A_758], %gather3A_756 {strides = array<i32>} : memref<128x128xf32, #tpu.memory_space<vmem>>, vector<16xf32>,
          %mul3A_760 = arith.constant 0 : i32
          %mul3A_761 = vector.broadcast %mul3A_760 : i32 to vector<16xi32>
          %mul3A_762 = arith.muli %iota3A, %mul3A_761 : vector<16xi32>
          %add3A_763 = vector.broadcast %get3A_712 : i32 to vector<16xi32>
          %add3A_764 = arith.addi %add3A_763, %mul3A_762 : vector<16xi32>
          %mul3A_765 = arith.constant 0 : i32
          %mul3A_766 = vector.broadcast %mul3A_765 : i32 to vector<16xi32>
          %mul3A_767 = arith.muli %iota3A, %mul3A_766 : vector<16xi32>
          %add3A_768 = vector.broadcast %squeeze3A_702 : i32 to vector<16xi32>
          %add3A_769 = arith.addi %add3A_768, %mul3A_767 : vector<16xi32>
          tpu.vector_store_idx %arg15[%add3A_764], %add3A_769 : memref<128xi32, #tpu.memory_space<vmem>>[vector<16xi32>], vector<16xi32>,
          %add3A_770 = arith.constant 1 : i32
          %add3A_771 = arith.addi %get3A_712, %add3A_770 : i32
          %swap3A_772 = arith.constant 1 : i32
          %swap3A_773 = arith.index_cast %swap3A_772 : i32 to index
          %swap3A_774 = memref.load %arg16[%swap3A_773] : memref<4xi32, #tpu.memory_space<smem>>
          memref.store %add3A_771, %arg16[%swap3A_773] : memref<4xi32, #tpu.memory_space<smem>>
          %add3A_775 = arith.constant 1 : i32
          %add3A_776 = arith.addi %get3A_712, %add3A_775 : i32
          %eq3A = arith.constant 128 : i32
          %eq3A_777 = arith.cmpi eq, %add3A_776, %eq3A : i32
          %convert_element_type3A_778 = arith.extui %eq3A_777 : i1 to i32
          %cond3A_779 = arith.constant 0 : i32
          %cond3A_780 = arith.cmpi ne, %convert_element_type3A_778, %cond3A_779 : i32
          scf.if %cond3A_780 {
            %dma_start3A = arith.constant 0 : i32
            %dma_start3A_781 = arith.constant 0 : i32
            %dma_start3A_782 = tpu.memref_slice %arg5[%dma_start3A, %dma_start3A_781] : memref<16384x128xf32, #tpu.memory_space<hbm>> -> memref<16384x128xf32, #tpu.memory_space<hbm>>
            tpu.enqueue_indirect_dma source(%arg14 : memref<128x128xf32, #tpu.memory_space<vmem>>) target(%dma_start3A_782 : memref<16384x128xf32, #tpu.memory_space<hbm>>) offsets(%arg15 : memref<128xi32, #tpu.memory_space<vmem>>) semaphore(%arg17 : memref<!tpu.dma_semaphore, #tpu.memory_space<semaphore_mem>>)
            %dma_wait3A_783 = arith.constant 0 : i32
            %dma_wait3A_784 = arith.constant 0 : i32
            %dma_wait3A_785 = tpu.memref_slice %arg5[%dma_wait3A_783, %dma_wait3A_784] : memref<16384x128xf32, #tpu.memory_space<hbm>> -> memref<16384x128xf32, #tpu.memory_space<hbm>>
            tpu.wait_indirect_dma semaphore(%arg17 : memref<!tpu.dma_semaphore, #tpu.memory_space<semaphore_mem>>) src(%arg14 : memref<128x128xf32, #tpu.memory_space<vmem>>) dst(%dma_wait3A_785 : memref<16384x128xf32, #tpu.memory_space<hbm>>)
            %swap3A_786 = arith.constant 0 : i32
            %swap3A_787 = arith.constant 1 : i32
            %swap3A_788 = arith.index_cast %swap3A_787 : i32 to index
            %swap3A_789 = memref.load %arg16[%swap3A_788] : memref<4xi32, #tpu.memory_space<smem>>
            memref.store %swap3A_786, %arg16[%swap3A_788] : memref<4xi32, #tpu.memory_space<smem>>
          } else {
          }
        }
        %while3A_687 = arith.constant 1 : i32
        scf.for %while3A_694 = %while3A_685 to %while3A_681 step %while3A_687  : i32 {
          %get3A_695 = arith.index_cast %while3A_694 : i32 to index
          %get3A_696 = tpu.vector_load %arg6[%get3A_695] {strides = array<i32>} : memref<16400xi32, #tpu.memory_space<vmem>>, vector<16xi32>,
          %slice3A_697 = vector.extract_strided_slice %get3A_696 {offsets = [0], sizes = [1], strides = [1]} : vector<16xi32> to vector<1xi32>
          %squeeze3A_698 = vector.extract %slice3A_697[0] : i32 from vector<1xi32>
          %get3A_699 = arith.index_cast %while3A_694 : i32 to index
          %get3A_700 = tpu.vector_load %arg9[%get3A_699] {strides = array<i32>} : memref<16400xi32, #tpu.memory_space<vmem>>, vector<16xi32>,
          %slice3A_701 = vector.extract_strided_slice %get3A_700 {offsets = [0], sizes = [1], strides = [1]} : vector<16xi32> to vector<1xi32>
          %squeeze3A_702 = vector.extract %slice3A_701[0] : i32 from vector<1xi32>
          %and3A_703 = arith.constant 127 : i32
          %and3A_704 = arith.andi %squeeze3A_698, %and3A_703 : i32
          %mul3A_705 = arith.constant 0 : i32
          %mul3A_706 = vector.broadcast %mul3A_705 : i32 to vector<16xi32>
          %mul3A_707 = arith.muli %iota3A, %mul3A_706 : vector<16xi32>
          %add3A_708 = vector.broadcast %and3A_704 : i32 to vector<16xi32>
          %add3A_709 = arith.addi %add3A_708, %mul3A_707 : vector<16xi32>
          %get3A_710 = arith.constant 1 : i32
          %get3A_711 = arith.index_cast %get3A_710 : i32 to index
          %get3A_712 = memref.load %arg16[%get3A_711] : memref<4xi32, #tpu.memory_space<smem>>
          %add3A_713 = arith.constant 0 : i32
          %add3A_714 = vector.broadcast %add3A_713 : i32 to vector<16xi32>
          %add3A_715 = arith.addi %iota3A, %add3A_714 : vector<16xi32>
          %gather3A = arith.constant 3 : i32
          %gather3A_716 = arith.constant 0 : i32
          %gather3A_717 = arith.constant 0 : i32
          %gather3A_718 = tpu.memref_slice %arg13[%gather3A, %gather3A_716, %gather3A_717] : memref<4x64x128xf32, #tpu.memory_space<vmem>> -> memref<1x64x128xf32, #tpu.memory_space<vmem>>
          %gather3A_719 = tpu.memref_squeeze %gather3A_718 : memref<1x64x128xf32, #tpu.memory_space<vmem>> -> memref<64x128xf32, #tpu.memory_space<vmem>>
          %gather3A_720 = tpu.vector_load_idx %gather3A_719[%add3A_715, %add3A_709] : memref<64x128xf32, #tpu.memory_space<vmem>>[vector<16xi32>, vector<16xi32>], vector<16xf32>,
          %swap3A_721 = arith.index_cast %get3A_712 : i32 to index
          %swap3A_722 = arith.constant 0 : index
          %swap3A_723 = tpu.vector_load %arg14[%swap3A_721, %swap3A_722] {strides = array<i32>} : memref<128x128xf32, #tpu.memory_space<vmem>>, vector<16xf32>,
          tpu.vector_store %arg14[%swap3A_721, %swap3A_722], %gather3A_720 {strides = array<i32>} : memref<128x128xf32, #tpu.memory_space<vmem>>, vector<16xf32>,
          %add3A_724 = arith.constant 16 : i32
          %add3A_725 = vector.broadcast %add3A_724 : i32 to vector<16xi32>
          %add3A_726 = arith.addi %iota3A, %add3A_725 : vector<16xi32>
          %gather3A_727 = arith.constant 3 : i32
          %gather3A_728 = arith.constant 0 : i32
          %gather3A_729 = arith.constant 0 : i32
          %gather3A_730 = tpu.memref_slice %arg13[%gather3A_727, %gather3A_728, %gather3A_729] : memref<4x64x128xf32, #tpu.memory_space<vmem>> -> memref<1x64x128xf32, #tpu.memory_space<vmem>>
          %gather3A_731 = tpu.memref_squeeze %gather3A_730 : memref<1x64x128xf32, #tpu.memory_space<vmem>> -> memref<64x128xf32, #tpu.memory_space<vmem>>
          %gather3A_732 = tpu.vector_load_idx %gather3A_731[%add3A_726, %add3A_709] : memref<64x128xf32, #tpu.memory_space<vmem>>[vector<16xi32>, vector<16xi32>], vector<16xf32>,
          %swap3A_733 = arith.index_cast %get3A_712 : i32 to index
          %swap3A_734 = arith.constant 16 : index
          %swap3A_735 = tpu.vector_load %arg14[%swap3A_733, %swap3A_734] {strides = array<i32>} : memref<128x128xf32, #tpu.memory_space<vmem>>, vector<16xf32>,
          tpu.vector_store %arg14[%swap3A_733, %swap3A_734], %gather3A_732 {strides = array<i32>} : memref<128x128xf32, #tpu.memory_space<vmem>>, vector<16xf32>,
          %add3A_736 = arith.constant 32 : i32
          %add3A_737 = vector.broadcast %add3A_736 : i32 to vector<16xi32>
          %add3A_738 = arith.addi %iota3A, %add3A_737 : vector<16xi32>
          %gather3A_739 = arith.constant 3 : i32
          %gather3A_740 = arith.constant 0 : i32
          %gather3A_741 = arith.constant 0 : i32
          %gather3A_742 = tpu.memref_slice %arg13[%gather3A_739, %gather3A_740, %gather3A_741] : memref<4x64x128xf32, #tpu.memory_space<vmem>> -> memref<1x64x128xf32, #tpu.memory_space<vmem>>
          %gather3A_743 = tpu.memref_squeeze %gather3A_742 : memref<1x64x128xf32, #tpu.memory_space<vmem>> -> memref<64x128xf32, #tpu.memory_space<vmem>>
          %gather3A_744 = tpu.vector_load_idx %gather3A_743[%add3A_738, %add3A_709] : memref<64x128xf32, #tpu.memory_space<vmem>>[vector<16xi32>, vector<16xi32>], vector<16xf32>,
          %swap3A_745 = arith.index_cast %get3A_712 : i32 to index
          %swap3A_746 = arith.constant 32 : index
          %swap3A_747 = tpu.vector_load %arg14[%swap3A_745, %swap3A_746] {strides = array<i32>} : memref<128x128xf32, #tpu.memory_space<vmem>>, vector<16xf32>,
          tpu.vector_store %arg14[%swap3A_745, %swap3A_746], %gather3A_744 {strides = array<i32>} : memref<128x128xf32, #tpu.memory_space<vmem>>, vector<16xf32>,
          %add3A_748 = arith.constant 48 : i32
          %add3A_749 = vector.broadcast %add3A_748 : i32 to vector<16xi32>
          %add3A_750 = arith.addi %iota3A, %add3A_749 : vector<16xi32>
          %gather3A_751 = arith.constant 3 : i32
          %gather3A_752 = arith.constant 0 : i32
          %gather3A_753 = arith.constant 0 : i32
          %gather3A_754 = tpu.memref_slice %arg13[%gather3A_751, %gather3A_752, %gather3A_753] : memref<4x64x128xf32, #tpu.memory_space<vmem>> -> memref<1x64x128xf32, #tpu.memory_space<vmem>>
          %gather3A_755 = tpu.memref_squeeze %gather3A_754 : memref<1x64x128xf32, #tpu.memory_space<vmem>> -> memref<64x128xf32, #tpu.memory_space<vmem>>
          %gather3A_756 = tpu.vector_load_idx %gather3A_755[%add3A_750, %add3A_709] : memref<64x128xf32, #tpu.memory_space<vmem>>[vector<16xi32>, vector<16xi32>], vector<16xf32>,
          %swap3A_757 = arith.index_cast %get3A_712 : i32 to index
          %swap3A_758 = arith.constant 48 : index
          %swap3A_759 = tpu.vector_load %arg14[%swap3A_757, %swap3A_758] {strides = array<i32>} : memref<128x128xf32, #tpu.memory_space<vmem>>, vector<16xf32>,
          tpu.vector_store %arg14[%swap3A_757, %swap3A_758], %gather3A_756 {strides = array<i32>} : memref<128x128xf32, #tpu.memory_space<vmem>>, vector<16xf32>,
          %mul3A_760 = arith.constant 0 : i32
          %mul3A_761 = vector.broadcast %mul3A_760 : i32 to vector<16xi32>
          %mul3A_762 = arith.muli %iota3A, %mul3A_761 : vector<16xi32>
          %add3A_763 = vector.broadcast %get3A_712 : i32 to vector<16xi32>
          %add3A_764 = arith.addi %add3A_763, %mul3A_762 : vector<16xi32>
          %mul3A_765 = arith.constant 0 : i32
          %mul3A_766 = vector.broadcast %mul3A_765 : i32 to vector<16xi32>
          %mul3A_767 = arith.muli %iota3A, %mul3A_766 : vector<16xi32>
          %add3A_768 = vector.broadcast %squeeze3A_702 : i32 to vector<16xi32>
          %add3A_769 = arith.addi %add3A_768, %mul3A_767 : vector<16xi32>
          tpu.vector_store_idx %arg15[%add3A_764], %add3A_769 : memref<128xi32, #tpu.memory_space<vmem>>[vector<16xi32>], vector<16xi32>,
          %add3A_770 = arith.constant 1 : i32
          %add3A_771 = arith.addi %get3A_712, %add3A_770 : i32
          %swap3A_772 = arith.constant 1 : i32
          %swap3A_773 = arith.index_cast %swap3A_772 : i32 to index
          %swap3A_774 = memref.load %arg16[%swap3A_773] : memref<4xi32, #tpu.memory_space<smem>>
          memref.store %add3A_771, %arg16[%swap3A_773] : memref<4xi32, #tpu.memory_space<smem>>
          %add3A_775 = arith.constant 1 : i32
          %add3A_776 = arith.addi %get3A_712, %add3A_775 : i32
          %eq3A = arith.constant 128 : i32
          %eq3A_777 = arith.cmpi eq, %add3A_776, %eq3A : i32
          %convert_element_type3A_778 = arith.extui %eq3A_777 : i1 to i32
          %cond3A_779 = arith.constant 0 : i32
          %cond3A_780 = arith.cmpi ne, %convert_element_type3A_778, %cond3A_779 : i32
          scf.if %cond3A_780 {
            %dma_start3A = arith.constant 0 : i32
            %dma_start3A_781 = arith.constant 0 : i32
            %dma_start3A_782 = tpu.memref_slice %arg5[%dma_start3A, %dma_start3A_781] : memref<16384x128xf32, #tpu.memory_space<hbm>> -> memref<16384x128xf32, #tpu.memory_space<hbm>>
            tpu.enqueue_indirect_dma source(%arg14 : memref<128x128xf32, #tpu.memory_space<vmem>>) target(%dma_start3A_782 : memref<16384x128xf32, #tpu.memory_space<hbm>>) offsets(%arg15 : memref<128xi32, #tpu.memory_space<vmem>>) semaphore(%arg17 : memref<!tpu.dma_semaphore, #tpu.memory_space<semaphore_mem>>)
            %dma_wait3A_783 = arith.constant 0 : i32
            %dma_wait3A_784 = arith.constant 0 : i32
            %dma_wait3A_785 = tpu.memref_slice %arg5[%dma_wait3A_783, %dma_wait3A_784] : memref<16384x128xf32, #tpu.memory_space<hbm>> -> memref<16384x128xf32, #tpu.memory_space<hbm>>
            tpu.wait_indirect_dma semaphore(%arg17 : memref<!tpu.dma_semaphore, #tpu.memory_space<semaphore_mem>>) src(%arg14 : memref<128x128xf32, #tpu.memory_space<vmem>>) dst(%dma_wait3A_785 : memref<16384x128xf32, #tpu.memory_space<hbm>>)
            %swap3A_786 = arith.constant 0 : i32
            %swap3A_787 = arith.constant 1 : i32
            %swap3A_788 = arith.index_cast %swap3A_787 : i32 to index
            %swap3A_789 = memref.load %arg16[%swap3A_788] : memref<4xi32, #tpu.memory_space<smem>>
            memref.store %swap3A_786, %arg16[%swap3A_788] : memref<4xi32, #tpu.memory_space<smem>>
          } else {
          }
        }
        %add3A_688 = arith.constant 4 : i32
        %add3A_689 = arith.addi %add3A_657, %add3A_688 : i32
        %lt3A_690 = arith.cmpi slt, %add3A_689, %min3A_5 : i32
        %convert_element_type3A_691 = arith.extui %lt3A_690 : i1 to i32
        %cond3A_692 = arith.constant 0 : i32
        %cond3A_693 = arith.cmpi ne, %convert_element_type3A_691, %cond3A_692 : i32
        scf.if %cond3A_693 {
          %eq3A = arith.constant 7812 : i32
          %eq3A_694 = arith.cmpi eq, %add3A_689, %eq3A : i32
          %convert_element_type3A_695 = arith.extui %eq3A_694 : i1 to i32
          %cond3A_696 = arith.constant 0 : i32
          %cond3A_697 = arith.cmpi ne, %convert_element_type3A_695, %cond3A_696 : i32
          scf.if %cond3A_697 {
            %dma_start3A = arith.constant 3 : i32
            %dma_start3A_703 = arith.constant 0 : i32
            %dma_start3A_704 = arith.constant 0 : i32
            %dma_start3A_705 = tpu.memref_slice %arg13[%dma_start3A, %dma_start3A_703, %dma_start3A_704] : memref<4x64x128xf32, #tpu.memory_space<vmem>> -> memref<1x64x128xf32, #tpu.memory_space<vmem>>
            %dma_start3A_706 = tpu.memref_squeeze %dma_start3A_705 : memref<1x64x128xf32, #tpu.memory_space<vmem>> -> memref<64x128xf32, #tpu.memory_space<vmem>>
            %dma_start3A_707 = arith.constant 0 : i32
            %dma_start3A_708 = arith.constant 0 : i32
            %dma_start3A_709 = tpu.memref_slice %arg13[%dma_start3A, %dma_start3A_707, %dma_start3A_708] : memref<4x64x128xf32, #tpu.memory_space<vmem>> -> memref<1x64x128xf32, #tpu.memory_space<vmem>>
            %dma_start3A_710 = tpu.memref_squeeze %dma_start3A_709 : memref<1x64x128xf32, #tpu.memory_space<vmem>> -> memref<64x128xf32, #tpu.memory_space<vmem>>
            tpu.enqueue_dma source(%arg4 : memref<64x128xf32, #tpu.memory_space<hbm>>) target(%dma_start3A_710 : memref<64x128xf32, #tpu.memory_space<vmem>>) target_semaphore(%arg21 : memref<!tpu.dma_semaphore, #tpu.memory_space<semaphore_mem>>)
          } else {
          }
          %ne3A_698 = arith.constant 7812 : i32
          %ne3A_699 = arith.cmpi ne, %add3A_689, %ne3A_698 : i32
          %convert_element_type3A_700 = arith.extui %ne3A_699 : i1 to i32
          %cond3A_701 = arith.constant 0 : i32
          %cond3A_702 = arith.cmpi ne, %convert_element_type3A_700, %cond3A_701 : i32
          scf.if %cond3A_702 {
            %mul3A_703 = arith.constant 128 : i32
            %mul3A_704 = arith.muli %add3A_689, %mul3A_703 : i32
            %multiple_of3A = tpu.assume_multiple %mul3A_704, 128 : i32
            %dma_start3A = arith.constant 3 : i32
            %dma_start3A_705 = arith.constant 0 : i32
            %dma_start3A_706 = arith.constant 0 : i32
            %dma_start3A_707 = tpu.memref_slice %arg13[%dma_start3A, %dma_start3A_705, %dma_start3A_706] : memref<4x64x128xf32, #tpu.memory_space<vmem>> -> memref<1x64x128xf32, #tpu.memory_space<vmem>>
            %dma_start3A_708 = tpu.memref_squeeze %dma_start3A_707 : memref<1x64x128xf32, #tpu.memory_space<vmem>> -> memref<64x128xf32, #tpu.memory_space<vmem>>
            %dma_start3A_709 = arith.constant 0 : i32
            %dma_start3A_710 = tpu.memref_slice %arg3[%dma_start3A_709, %multiple_of3A] : memref<64x1000001xf32, #tpu.memory_space<hbm>> -> memref<64x128xf32, #tpu.memory_space<hbm>>
            %dma_start3A_711 = arith.constant 0 : i32
            %dma_start3A_712 = arith.constant 0 : i32
            %dma_start3A_713 = tpu.memref_slice %arg13[%dma_start3A, %dma_start3A_711, %dma_start3A_712] : memref<4x64x128xf32, #tpu.memory_space<vmem>> -> memref<1x64x128xf32, #tpu.memory_space<vmem>>
            %dma_start3A_714 = tpu.memref_squeeze %dma_start3A_713 : memref<1x64x128xf32, #tpu.memory_space<vmem>> -> memref<64x128xf32, #tpu.memory_space<vmem>>
            %dma_start3A_715 = arith.constant 0 : i32
            %dma_start3A_716 = tpu.memref_slice %arg3[%dma_start3A_715, %multiple_of3A] : memref<64x1000001xf32, #tpu.memory_space<hbm>> -> memref<64x128xf32, #tpu.memory_space<hbm>>
            tpu.enqueue_dma source(%dma_start3A_716 : memref<64x128xf32, #tpu.memory_space<hbm>>) target(%dma_start3A_714 : memref<64x128xf32, #tpu.memory_space<vmem>>) target_semaphore(%arg21 : memref<!tpu.dma_semaphore, #tpu.memory_space<semaphore_mem>>)
          } else {
          }
        } else {
        }
      } else {
      }
    }
    %scan3A_617 = arith.constant 62 : i32
    %get3A_618 = arith.constant 1 : i32
    %get3A_619 = arith.index_cast %get3A_618 : i32 to index
    %get3A_620 = memref.load %arg16[%get3A_619] : memref<4xi32, #tpu.memory_space<smem>>
    %gt3A = arith.constant 0 : i32
    %gt3A_621 = arith.cmpi sgt, %get3A_620, %gt3A : i32
    %convert_element_type3A_622 = arith.extui %gt3A_621 : i1 to i32
    %cond3A_623 = arith.constant 0 : i32
    %cond3A_624 = arith.cmpi ne, %convert_element_type3A_622, %cond3A_623 : i32
    scf.if %cond3A_624 {
      %sub3A_625 = arith.constant 0 : i32
      %sub3A_626 = vector.broadcast %sub3A_625 : i32 to vector<16xi32>
      %sub3A_627 = arith.subi %sub3A_626, %iota3A : vector<16xi32>
      %or3A = arith.ori %iota3A, %sub3A_627 : vector<16xi32>
      %shift_right_logical3A = arith.constant 31 : i32
      %shift_right_logical3A_628 = vector.broadcast %shift_right_logical3A : i32 to vector<16xi32>
      %shift_right_logical3A_629 = arith.shrui %or3A, %shift_right_logical3A_628 : vector<16xi32>
      %sub3A_630 = arith.constant 1 : i32
      %sub3A_631 = vector.broadcast %sub3A_630 : i32 to vector<16xi32>
      %sub3A_632 = arith.subi %sub3A_631, %shift_right_logical3A_629 : vector<16xi32>
      %get3A_633 = arith.constant 0 : index
      %get3A_634 = tpu.vector_load %arg15[%get3A_633] {strides = array<i32>} : memref<128xi32, #tpu.memory_space<vmem>>, vector<16xi32>,
      %mul3A_635 = arith.muli %sub3A_632, %get3A_634 : vector<16xi32>
      %reduce_sum3A_636 = arith.constant true
      %reduce_sum3A_637 = vector.broadcast %reduce_sum3A_636 : i1 to vector<16xi1>
      %reduce_sum3A_638 = tpu.scan <sum>, %mul3A_635 masked %reduce_sum3A_637 : vector<16xi32>, vector<16xi1> -> vector<16xi32>
      %reduce_sum3A_639 = vector.extract %reduce_sum3A_638[15] : i32 from vector<16xi32>
      %add3A_640 = arith.constant 0 : i32
      %add3A_641 = vector.broadcast %add3A_640 : i32 to vector<16xi32>
      %add3A_642 = arith.addi %iota3A, %add3A_641 : vector<16xi32>
      %get3A_643 = arith.constant 0 : index
      %get3A_644 = tpu.vector_load %arg15[%get3A_643] {strides = array<i32>} : memref<128xi32, #tpu.memory_space<vmem>>, vector<16xi32>,
      %sub3A_645 = vector.broadcast %get3A_620 : i32 to vector<16xi32>
      %sub3A_646 = arith.subi %add3A_642, %sub3A_645 : vector<16xi32>
      %shift_right_logical3A_647 = arith.constant 31 : i32
      %shift_right_logical3A_648 = vector.broadcast %shift_right_logical3A_647 : i32 to vector<16xi32>
      %shift_right_logical3A_649 = arith.shrui %sub3A_646, %shift_right_logical3A_648 : vector<16xi32>
      %mul3A_650 = arith.muli %get3A_644, %shift_right_logical3A_649 : vector<16xi32>
      %sub3A_651 = arith.constant 1 : i32
      %sub3A_652 = vector.broadcast %sub3A_651 : i32 to vector<16xi32>
      %sub3A_653 = arith.subi %sub3A_652, %shift_right_logical3A_649 : vector<16xi32>
      %mul3A_654 = vector.broadcast %reduce_sum3A_639 : i32 to vector<16xi32>
      %mul3A_655 = arith.muli %mul3A_654, %sub3A_653 : vector<16xi32>
      %add3A_656 = arith.addi %mul3A_650, %mul3A_655 : vector<16xi32>
      %swap3A_657 = arith.constant 0 : index
      %swap3A_658 = tpu.vector_load %arg15[%swap3A_657] {strides = array<i32>} : memref<128xi32, #tpu.memory_space<vmem>>, vector<16xi32>,
      tpu.vector_store %arg15[%swap3A_657], %add3A_656 {strides = array<i32>} : memref<128xi32, #tpu.memory_space<vmem>>, vector<16xi32>,
      %add3A_659 = arith.constant 16 : i32
      %add3A_660 = vector.broadcast %add3A_659 : i32 to vector<16xi32>
      %add3A_661 = arith.addi %iota3A, %add3A_660 : vector<16xi32>
      %get3A_662 = arith.constant 16 : index
      %get3A_663 = tpu.vector_load %arg15[%get3A_662] {strides = array<i32>} : memref<128xi32, #tpu.memory_space<vmem>>, vector<16xi32>,
      %sub3A_664 = vector.broadcast %get3A_620 : i32 to vector<16xi32>
      %sub3A_665 = arith.subi %add3A_661, %sub3A_664 : vector<16xi32>
      %shift_right_logical3A_666 = arith.constant 31 : i32
      %shift_right_logical3A_667 = vector.broadcast %shift_right_logical3A_666 : i32 to vector<16xi32>
      %shift_right_logical3A_668 = arith.shrui %sub3A_665, %shift_right_logical3A_667 : vector<16xi32>
      %mul3A_669 = arith.muli %get3A_663, %shift_right_logical3A_668 : vector<16xi32>
      %sub3A_670 = arith.constant 1 : i32
      %sub3A_671 = vector.broadcast %sub3A_670 : i32 to vector<16xi32>
      %sub3A_672 = arith.subi %sub3A_671, %shift_right_logical3A_668 : vector<16xi32>
      %mul3A_673 = vector.broadcast %reduce_sum3A_639 : i32 to vector<16xi32>
      %mul3A_674 = arith.muli %mul3A_673, %sub3A_672 : vector<16xi32>
      %add3A_675 = arith.addi %mul3A_669, %mul3A_674 : vector<16xi32>
      %swap3A_676 = arith.constant 16 : index
      %swap3A_677 = tpu.vector_load %arg15[%swap3A_676] {strides = array<i32>} : memref<128xi32, #tpu.memory_space<vmem>>, vector<16xi32>,
      tpu.vector_store %arg15[%swap3A_676], %add3A_675 {strides = array<i32>} : memref<128xi32, #tpu.memory_space<vmem>>, vector<16xi32>,
      %add3A_678 = arith.constant 32 : i32
      %add3A_679 = vector.broadcast %add3A_678 : i32 to vector<16xi32>
      %add3A_680 = arith.addi %iota3A, %add3A_679 : vector<16xi32>
      %get3A_681 = arith.constant 32 : index
      %get3A_682 = tpu.vector_load %arg15[%get3A_681] {strides = array<i32>} : memref<128xi32, #tpu.memory_space<vmem>>, vector<16xi32>,
      %sub3A_683 = vector.broadcast %get3A_620 : i32 to vector<16xi32>
      %sub3A_684 = arith.subi %add3A_680, %sub3A_683 : vector<16xi32>
      %shift_right_logical3A_685 = arith.constant 31 : i32
      %shift_right_logical3A_686 = vector.broadcast %shift_right_logical3A_685 : i32 to vector<16xi32>
      %shift_right_logical3A_687 = arith.shrui %sub3A_684, %shift_right_logical3A_686 : vector<16xi32>
      %mul3A_688 = arith.muli %get3A_682, %shift_right_logical3A_687 : vector<16xi32>
      %sub3A_689 = arith.constant 1 : i32
      %sub3A_690 = vector.broadcast %sub3A_689 : i32 to vector<16xi32>
      %sub3A_691 = arith.subi %sub3A_690, %shift_right_logical3A_687 : vector<16xi32>
      %mul3A_692 = vector.broadcast %reduce_sum3A_639 : i32 to vector<16xi32>
      %mul3A_693 = arith.muli %mul3A_692, %sub3A_691 : vector<16xi32>
      %add3A_694 = arith.addi %mul3A_688, %mul3A_693 : vector<16xi32>
      %swap3A_695 = arith.constant 32 : index
      %swap3A_696 = tpu.vector_load %arg15[%swap3A_695] {strides = array<i32>} : memref<128xi32, #tpu.memory_space<vmem>>, vector<16xi32>,
      tpu.vector_store %arg15[%swap3A_695], %add3A_694 {strides = array<i32>} : memref<128xi32, #tpu.memory_space<vmem>>, vector<16xi32>,
      %add3A_697 = arith.constant 48 : i32
      %add3A_698 = vector.broadcast %add3A_697 : i32 to vector<16xi32>
      %add3A_699 = arith.addi %iota3A, %add3A_698 : vector<16xi32>
      %get3A_700 = arith.constant 48 : index
      %get3A_701 = tpu.vector_load %arg15[%get3A_700] {strides = array<i32>} : memref<128xi32, #tpu.memory_space<vmem>>, vector<16xi32>,
      %sub3A_702 = vector.broadcast %get3A_620 : i32 to vector<16xi32>
      %sub3A_703 = arith.subi %add3A_699, %sub3A_702 : vector<16xi32>
      %shift_right_logical3A_704 = arith.constant 31 : i32
      %shift_right_logical3A_705 = vector.broadcast %shift_right_logical3A_704 : i32 to vector<16xi32>
      %shift_right_logical3A_706 = arith.shrui %sub3A_703, %shift_right_logical3A_705 : vector<16xi32>
      %mul3A_707 = arith.muli %get3A_701, %shift_right_logical3A_706 : vector<16xi32>
      %sub3A_708 = arith.constant 1 : i32
      %sub3A_709 = vector.broadcast %sub3A_708 : i32 to vector<16xi32>
      %sub3A_710 = arith.subi %sub3A_709, %shift_right_logical3A_706 : vector<16xi32>
      %mul3A_711 = vector.broadcast %reduce_sum3A_639 : i32 to vector<16xi32>
      %mul3A_712 = arith.muli %mul3A_711, %sub3A_710 : vector<16xi32>
      %add3A_713 = arith.addi %mul3A_707, %mul3A_712 : vector<16xi32>
      %swap3A_714 = arith.constant 48 : index
      %swap3A_715 = tpu.vector_load %arg15[%swap3A_714] {strides = array<i32>} : memref<128xi32, #tpu.memory_space<vmem>>, vector<16xi32>,
      tpu.vector_store %arg15[%swap3A_714], %add3A_713 {strides = array<i32>} : memref<128xi32, #tpu.memory_space<vmem>>, vector<16xi32>,
      %add3A_716 = arith.constant 64 : i32
      %add3A_717 = vector.broadcast %add3A_716 : i32 to vector<16xi32>
      %add3A_718 = arith.addi %iota3A, %add3A_717 : vector<16xi32>
      %get3A_719 = arith.constant 64 : index
      %get3A_720 = tpu.vector_load %arg15[%get3A_719] {strides = array<i32>} : memref<128xi32, #tpu.memory_space<vmem>>, vector<16xi32>,
      %sub3A_721 = vector.broadcast %get3A_620 : i32 to vector<16xi32>
      %sub3A_722 = arith.subi %add3A_718, %sub3A_721 : vector<16xi32>
      %shift_right_logical3A_723 = arith.constant 31 : i32
      %shift_right_logical3A_724 = vector.broadcast %shift_right_logical3A_723 : i32 to vector<16xi32>
      %shift_right_logical3A_725 = arith.shrui %sub3A_722, %shift_right_logical3A_724 : vector<16xi32>
      %mul3A_726 = arith.muli %get3A_720, %shift_right_logical3A_725 : vector<16xi32>
      %sub3A_727 = arith.constant 1 : i32
      %sub3A_728 = vector.broadcast %sub3A_727 : i32 to vector<16xi32>
      %sub3A_729 = arith.subi %sub3A_728, %shift_right_logical3A_725 : vector<16xi32>
      %mul3A_730 = vector.broadcast %reduce_sum3A_639 : i32 to vector<16xi32>
      %mul3A_731 = arith.muli %mul3A_730, %sub3A_729 : vector<16xi32>
      %add3A_732 = arith.addi %mul3A_726, %mul3A_731 : vector<16xi32>
      %swap3A_733 = arith.constant 64 : index
      %swap3A_734 = tpu.vector_load %arg15[%swap3A_733] {strides = array<i32>} : memref<128xi32, #tpu.memory_space<vmem>>, vector<16xi32>,
      tpu.vector_store %arg15[%swap3A_733], %add3A_732 {strides = array<i32>} : memref<128xi32, #tpu.memory_space<vmem>>, vector<16xi32>,
      %add3A_735 = arith.constant 80 : i32
      %add3A_736 = vector.broadcast %add3A_735 : i32 to vector<16xi32>
      %add3A_737 = arith.addi %iota3A, %add3A_736 : vector<16xi32>
      %get3A_738 = arith.constant 80 : index
      %get3A_739 = tpu.vector_load %arg15[%get3A_738] {strides = array<i32>} : memref<128xi32, #tpu.memory_space<vmem>>, vector<16xi32>,
      %sub3A_740 = vector.broadcast %get3A_620 : i32 to vector<16xi32>
      %sub3A_741 = arith.subi %add3A_737, %sub3A_740 : vector<16xi32>
      %shift_right_logical3A_742 = arith.constant 31 : i32
      %shift_right_logical3A_743 = vector.broadcast %shift_right_logical3A_742 : i32 to vector<16xi32>
      %shift_right_logical3A_744 = arith.shrui %sub3A_741, %shift_right_logical3A_743 : vector<16xi32>
      %mul3A_745 = arith.muli %get3A_739, %shift_right_logical3A_744 : vector<16xi32>
      %sub3A_746 = arith.constant 1 : i32
      %sub3A_747 = vector.broadcast %sub3A_746 : i32 to vector<16xi32>
      %sub3A_748 = arith.subi %sub3A_747, %shift_right_logical3A_744 : vector<16xi32>
      %mul3A_749 = vector.broadcast %reduce_sum3A_639 : i32 to vector<16xi32>
      %mul3A_750 = arith.muli %mul3A_749, %sub3A_748 : vector<16xi32>
      %add3A_751 = arith.addi %mul3A_745, %mul3A_750 : vector<16xi32>
      %swap3A_752 = arith.constant 80 : index
      %swap3A_753 = tpu.vector_load %arg15[%swap3A_752] {strides = array<i32>} : memref<128xi32, #tpu.memory_space<vmem>>, vector<16xi32>,
      tpu.vector_store %arg15[%swap3A_752], %add3A_751 {strides = array<i32>} : memref<128xi32, #tpu.memory_space<vmem>>, vector<16xi32>,
      %add3A_754 = arith.constant 96 : i32
      %add3A_755 = vector.broadcast %add3A_754 : i32 to vector<16xi32>
      %add3A_756 = arith.addi %iota3A, %add3A_755 : vector<16xi32>
      %get3A_757 = arith.constant 96 : index
      %get3A_758 = tpu.vector_load %arg15[%get3A_757] {strides = array<i32>} : memref<128xi32, #tpu.memory_space<vmem>>, vector<16xi32>,
      %sub3A_759 = vector.broadcast %get3A_620 : i32 to vector<16xi32>
      %sub3A_760 = arith.subi %add3A_756, %sub3A_759 : vector<16xi32>
      %shift_right_logical3A_761 = arith.constant 31 : i32
      %shift_right_logical3A_762 = vector.broadcast %shift_right_logical3A_761 : i32 to vector<16xi32>
      %shift_right_logical3A_763 = arith.shrui %sub3A_760, %shift_right_logical3A_762 : vector<16xi32>
      %mul3A_764 = arith.muli %get3A_758, %shift_right_logical3A_763 : vector<16xi32>
      %sub3A_765 = arith.constant 1 : i32
      %sub3A_766 = vector.broadcast %sub3A_765 : i32 to vector<16xi32>
      %sub3A_767 = arith.subi %sub3A_766, %shift_right_logical3A_763 : vector<16xi32>
      %mul3A_768 = vector.broadcast %reduce_sum3A_639 : i32 to vector<16xi32>
      %mul3A_769 = arith.muli %mul3A_768, %sub3A_767 : vector<16xi32>
      %add3A_770 = arith.addi %mul3A_764, %mul3A_769 : vector<16xi32>
      %swap3A_771 = arith.constant 96 : index
      %swap3A_772 = tpu.vector_load %arg15[%swap3A_771] {strides = array<i32>} : memref<128xi32, #tpu.memory_space<vmem>>, vector<16xi32>,
      tpu.vector_store %arg15[%swap3A_771], %add3A_770 {strides = array<i32>} : memref<128xi32, #tpu.memory_space<vmem>>, vector<16xi32>,
      %add3A_773 = arith.constant 112 : i32
      %add3A_774 = vector.broadcast %add3A_773 : i32 to vector<16xi32>
      %add3A_775 = arith.addi %iota3A, %add3A_774 : vector<16xi32>
      %get3A_776 = arith.constant 112 : index
      %get3A_777 = tpu.vector_load %arg15[%get3A_776] {strides = array<i32>} : memref<128xi32, #tpu.memory_space<vmem>>, vector<16xi32>,
      %sub3A_778 = vector.broadcast %get3A_620 : i32 to vector<16xi32>
      %sub3A_779 = arith.subi %add3A_775, %sub3A_778 : vector<16xi32>
      %shift_right_logical3A_780 = arith.constant 31 : i32
      %shift_right_logical3A_781 = vector.broadcast %shift_right_logical3A_780 : i32 to vector<16xi32>
      %shift_right_logical3A_782 = arith.shrui %sub3A_779, %shift_right_logical3A_781 : vector<16xi32>
      %mul3A_783 = arith.muli %get3A_777, %shift_right_logical3A_782 : vector<16xi32>
      %sub3A_784 = arith.constant 1 : i32
      %sub3A_785 = vector.broadcast %sub3A_784 : i32 to vector<16xi32>
      %sub3A_786 = arith.subi %sub3A_785, %shift_right_logical3A_782 : vector<16xi32>
      %mul3A_787 = vector.broadcast %reduce_sum3A_639 : i32 to vector<16xi32>
      %mul3A_788 = arith.muli %mul3A_787, %sub3A_786 : vector<16xi32>
      %add3A_789 = arith.addi %mul3A_783, %mul3A_788 : vector<16xi32>
      %swap3A_790 = arith.constant 112 : index
      %swap3A_791 = tpu.vector_load %arg15[%swap3A_790] {strides = array<i32>} : memref<128xi32, #tpu.memory_space<vmem>>, vector<16xi32>,
      tpu.vector_store %arg15[%swap3A_790], %add3A_789 {strides = array<i32>} : memref<128xi32, #tpu.memory_space<vmem>>, vector<16xi32>,
      %get3A_792 = arith.constant 0 : i32
      %get3A_793 = arith.index_cast %get3A_792 : i32 to index
      %get3A_794 = arith.constant 0 : index
      %get3A_795 = tpu.vector_load %arg14[%get3A_793, %get3A_794] {strides = array<i32>} : memref<128x128xf32, #tpu.memory_space<vmem>>, vector<16xf32>,
      %get3A_796 = arith.constant 0 : i32
      %get3A_797 = arith.index_cast %get3A_796 : i32 to index
      %get3A_798 = arith.constant 16 : index
      %get3A_799 = tpu.vector_load %arg14[%get3A_797, %get3A_798] {strides = array<i32>} : memref<128x128xf32, #tpu.memory_space<vmem>>, vector<16xf32>,
      %get3A_800 = arith.constant 0 : i32
      %get3A_801 = arith.index_cast %get3A_800 : i32 to index
      %get3A_802 = arith.constant 32 : index
      %get3A_803 = tpu.vector_load %arg14[%get3A_801, %get3A_802] {strides = array<i32>} : memref<128x128xf32, #tpu.memory_space<vmem>>, vector<16xf32>,
      %get3A_804 = arith.constant 0 : i32
      %get3A_805 = arith.index_cast %get3A_804 : i32 to index
      %get3A_806 = arith.constant 48 : index
      %get3A_807 = tpu.vector_load %arg14[%get3A_805, %get3A_806] {strides = array<i32>} : memref<128x128xf32, #tpu.memory_space<vmem>>, vector<16xf32>,
      %scan3A_808 = arith.constant 0 : i32
      %scan3A_809 = arith.constant 0 : i32
      %scan3A_810 = arith.constant 128 : i32
      %scan3A_811 = arith.addi %scan3A_809, %scan3A_810 : i32
      %scan3A_812 = arith.constant 1 : i32
      scf.for %scan3A_822 = %scan3A_809 to %scan3A_811 step %scan3A_812  : i32 {
        %ge3A = arith.cmpi sge, %scan3A_822, %get3A_620 : i32
        %convert_element_type3A_823 = arith.extui %ge3A : i1 to i32
        %cond3A_824 = arith.constant 0 : i32
        %cond3A_825 = arith.cmpi ne, %convert_element_type3A_823, %cond3A_824 : i32
        scf.if %cond3A_825 {
          %swap3A_826 = arith.index_cast %scan3A_822 : i32 to index
          %swap3A_827 = arith.constant 0 : index
          %swap3A_828 = tpu.vector_load %arg14[%swap3A_826, %swap3A_827] {strides = array<i32>} : memref<128x128xf32, #tpu.memory_space<vmem>>, vector<16xf32>,
          tpu.vector_store %arg14[%swap3A_826, %swap3A_827], %get3A_795 {strides = array<i32>} : memref<128x128xf32, #tpu.memory_space<vmem>>, vector<16xf32>,
          %swap3A_829 = arith.index_cast %scan3A_822 : i32 to index
          %swap3A_830 = arith.constant 16 : index
          %swap3A_831 = tpu.vector_load %arg14[%swap3A_829, %swap3A_830] {strides = array<i32>} : memref<128x128xf32, #tpu.memory_space<vmem>>, vector<16xf32>,
          tpu.vector_store %arg14[%swap3A_829, %swap3A_830], %get3A_799 {strides = array<i32>} : memref<128x128xf32, #tpu.memory_space<vmem>>, vector<16xf32>,
          %swap3A_832 = arith.index_cast %scan3A_822 : i32 to index
          %swap3A_833 = arith.constant 32 : index
          %swap3A_834 = tpu.vector_load %arg14[%swap3A_832, %swap3A_833] {strides = array<i32>} : memref<128x128xf32, #tpu.memory_space<vmem>>, vector<16xf32>,
          tpu.vector_store %arg14[%swap3A_832, %swap3A_833], %get3A_803 {strides = array<i32>} : memref<128x128xf32, #tpu.memory_space<vmem>>, vector<16xf32>,
          %swap3A_835 = arith.index_cast %scan3A_822 : i32 to index
          %swap3A_836 = arith.constant 48 : index
          %swap3A_837 = tpu.vector_load %arg14[%swap3A_835, %swap3A_836] {strides = array<i32>} : memref<128x128xf32, #tpu.memory_space<vmem>>, vector<16xf32>,
          tpu.vector_store %arg14[%swap3A_835, %swap3A_836], %get3A_807 {strides = array<i32>} : memref<128x128xf32, #tpu.memory_space<vmem>>, vector<16xf32>,
        } else {
        }
      }
      %scan3A_813 = arith.constant 128 : i32
      %dma_start3A = arith.constant 0 : i32
      %dma_start3A_814 = arith.constant 0 : i32
      %dma_start3A_815 = tpu.memref_slice %arg5[%dma_start3A, %dma_start3A_814] : memref<16384x128xf32, #tpu.memory_space<hbm>> -> memref<16384x128xf32, #tpu.memory_space<hbm>>
      tpu.enqueue_indirect_dma source(%arg14 : memref<128x128xf32, #tpu.memory_space<vmem>>) target(%dma_start3A_815 : memref<16384x128xf32, #tpu.memory_space<hbm>>) offsets(%arg15 : memref<128xi32, #tpu.memory_space<vmem>>) semaphore(%arg17 : memref<!tpu.dma_semaphore, #tpu.memory_space<semaphore_mem>>)
      %dma_wait3A = arith.constant 0 : i32
      %dma_wait3A_816 = arith.constant 0 : i32
      %dma_wait3A_817 = tpu.memref_slice %arg5[%dma_wait3A, %dma_wait3A_816] : memref<16384x128xf32, #tpu.memory_space<hbm>> -> memref<16384x128xf32, #tpu.memory_space<hbm>>
      tpu.wait_indirect_dma semaphore(%arg17 : memref<!tpu.dma_semaphore, #tpu.memory_space<semaphore_mem>>) src(%arg14 : memref<128x128xf32, #tpu.memory_space<vmem>>) dst(%dma_wait3A_817 : memref<16384x128xf32, #tpu.memory_space<hbm>>)
      %swap3A_818 = arith.constant 0 : i32
      %swap3A_819 = arith.constant 1 : i32
      %swap3A_820 = arith.index_cast %swap3A_819 : i32 to index
      %swap3A_821 = memref.load %arg16[%swap3A_820] : memref<4xi32, #tpu.memory_space<smem>>
      memref.store %swap3A_818, %arg16[%swap3A_820] : memref<4xi32, #tpu.memory_space<smem>>
    } else {
    }
    return
  }
}

</mosaic_0001>

<sc_bundles>
// kernel: kernel.3.cloned.1.call-start
scs
__scs_entry_jumppad:
0x0: {  	(pc) =	sbr.rel $0x88, $3  }
0x1: {  	(tag) =	ssettag $0x0;
	lr =	simm.s32 $0x1  }
0x2: {  	[smem:$0x3F9F] =	sst lr;
	_ =	strace $0xD0000000  }
0x3: {  	_ = 	snop  }
0x4: {  	_ = 	snop  }
0x5: {  	_ = 	snop  }
0x6: {  	_ = 	snop  }
0x7: {  	_ = 	snop  }
__scs_overlays_trampoline_lowered:
0x8: {  	[smem:$0x3FAE] =	sst s0  }
0x9: {  	[smem:$0x3FAF] =	sst s1  }
0xa: {  	[smem:$0x3FB0] =	sst s2  }
0xb: {  	[smem:$0x3FB1] =	sst s3  }
0xc: {  	[smem:$0x3FB2] =	sst s4  }
0xd: {  	[smem:$0x3FB3] =	sst s5  }
0xe: {  	[smem:$0x3FB4] =	sst s6  }
0xf: {  	[smem:$0x3FB5] =	sst s7  }
0x10: {  	[smem:$0x3FB6] =	sst s8  }
0x11: {  	[smem:$0x3FB7] =	sst s9;
	s0 =	simm.s32 @!p0 $0x0  }
0x12: {  	s1 =	sld [smem:$0x3F9D];
	s0 =	simm.s32 @p0 $0x1  }
0x13: {  	[smem:$0x3FB8] =	sst s0;
	s0 =	simm.s32 @!p1 $0x0  }
0x14: {  	s2 =	sld [smem:$0x3F9C];
	s0 =	simm.s32 @p1 $0x1  }
0x15: {  	[smem:$0x3FB9] =	sst s0;
	s0 =	simm.s32 @!p2 $0x0  }
0x16: {  	s3 =	sld [smem:$0x3FDB];
	s0 =	simm.s32 @p2 $0x1  }
0x17: {  	s4 =	simm.s32 $0x1BF5;
	[smem:$0x3FBB] =	sst s0  }
0x18: {  	s0 =	sld [smem:$0x3F9E];
	_ =	swait.ge [sflag:s4], $0x0  }
0x19: {  	s7 =	sld [smem:$0x3F9F]  }
0x1a: {  	s8 =	sadd.s32 $0xFFFFE003, lr  }
0x1b: {  	s9 =	sadd.s32 $0xFFFFFEF7, lr;
	s5 =	simm.s32 $0xFFFFFFFF;
	p2 =	slt.u32 s8, $0xFFFFF086  }
0x1c: {  	p1 =	slt.u32 s9, $0xF7A;
	s5 =	simm.s32 @!p2 $0x0  }
0x1d: {  	s5 =	simm.s32 @p1 $0x1;
	p0 =	seq.s32 s7, s2  }
0x1e: {  	s7 =	smul.u32 @!p0 $0xF7A, s2;
	p2 =	seq.s32 @!p0 s5, $0x0  }
0x1f: {  	s9 =	smul.u32 $0xF7A, s1;
	s8 =	simm.s32 @!p0 $0x1BF5;
	p2 =	por !p2, p0  }
0x20: {  	[sflag:s8] =	ssyncset.s32 @!p0 $0xFFFFF086;
	s6 =	sadd.s32 @!p0 s3, s7;
	s7 =	simm.s32 @!p0 $0x108  }
0x21: {  	s3 =	sadd.s32 s3, s9;
	s6 =	sadd.s32 @!p0 $0x88, s6;
	s7 =	simm.s32 @p2 $0x1082  }
0x22: {  	[simem:s7], [sflag:s8] =	dma.local @!p0 [hbm:s6], $0xF7A  }
0x23: {  	s9 =	sor.u32 $0xD0000000, s2;
	s6 =	simm.s32 $0x108;
	_ =	swait.ge @!p0 [sflag:s8], $0x0  }
0x24: {  	s3 =	sadd.s32 $0x88, s3;
	s6 =	simm.s32 @!p1 $0x1082;
	[sflag:s4] =	ssyncset.s32 $0xFFFFF086  }
0x25: {  	[simem:s6], [sflag:s4] =	dma.local [hbm:s3], $0xF7A  }
0x26: {  	[smem:$0x3F9F] =	sst s1;
	(tag) =	ssettag s2;
	_ =	strace s9  }
0x27: {  	s1 =	sld [smem:$0x3FAF]  }
0x28: {  	s2 =	sld [smem:$0x3FB0]  }
0x29: {  	s4 =	sld [smem:$0x3FB2]  }
0x2a: {  	p0 =	seq.s32 s5, $0x0;
	s5 =	sld [smem:$0x3FB3]  }
0x2b: {  	s6 =	sld [smem:$0x3FB4]  }
0x2c: {  	s7 =	sld [smem:$0x3FB5]  }
0x2d: {  	s3 =	simm.s32 $0x108;
	s8 =	sld [smem:$0x3FB6]  }
0x2e: {  	s3 =	simm.s32 @!p0 $0x1082;
	s9 =	sld [smem:$0x3FB7]  }
0x2f: {  	lr =	sadd.s32 s0, s3;
	s0 =	sld [smem:$0x3FAE]  }
0x30: {  	s3 =	sld [smem:$0x3FB1]  }
0x31: {  	[smem:$0x3FBA] =	sst s10  }
0x32: {  	s10 =	sld [smem:$0x3FB8];
	_ =	sdelay $0x3  }
0x33: {  	p0 =	seq.s32 s10, $0x1;
	s10 =	sld [smem:$0x3FBA];
	_ =	sdelay $0x3  }
0x34: {  	[smem:$0x3FBA] =	sst s10  }
0x35: {  	s10 =	sld [smem:$0x3FB9];
	_ =	sdelay $0x3  }
0x36: {  	p1 =	seq.s32 s10, $0x1;
	s10 =	sld [smem:$0x3FBA];
	_ =	sdelay $0x3  }
0x37: {  	[smem:$0x3FBA] =	sst s10  }
0x38: {  	s10 =	sld [smem:$0x3FBB]  }
0x39: {  	_ = 	snop;
	(pc) =	sbr.ind lr, $3  }
0x3a: {  	_ = 	snop  }
0x3b: {  	_ = 	snop  }
0x3c: {  	p2 =	seq.s32 s10, $0x1;
	s10 =	sld [smem:$0x3FBA]  }
0x3d: {  	_ =	shalt  }
0x3e: {  	_ =	shalt  }
0x3f: {  	_ =	shalt  }
0x40: {  	_ =	shalt  }
0x41: {  	_ =	shalt  }
0x42: {  	_ =	shalt  }
0x43: {  	_ =	shalt  }
0x44: {  	_ =	shalt  }
0x45: {  	_ =	shalt  }
0x46: {  	_ =	shalt  }
0x47: {  	_ =	shalt  }
0x48: {  	_ =	shalt  }
0x49: {  	_ =	shalt  }
0x4a: {  	_ =	shalt  }
0x4b: {  	_ =	shalt  }
0x4c: {  	_ =	shalt  }
0x4d: {  	_ =	shalt  }
0x4e: {  	_ =	shalt  }
0x4f: {  	_ =	shalt  }
0x50: {  	_ =	shalt  }
0x51: {  	_ =	shalt  }
0x52: {  	_ =	shalt  }
0x53: {  	_ =	shalt  }
0x54: {  	_ =	shalt  }
0x55: {  	_ =	shalt  }
0x56: {  	_ =	shalt  }
0x57: {  	_ =	shalt  }
0x58: {  	_ =	shalt  }
0x59: {  	_ =	shalt  }
0x5a: {  	_ =	shalt  }
0x5b: {  	_ =	shalt  }
0x5c: {  	_ =	shalt  }
0x5d: {  	_ =	shalt  }
0x5e: {  	_ =	shalt  }
0x5f: {  	_ =	shalt  }
0x60: {  	_ =	shalt  }
0x61: {  	_ =	shalt  }
0x62: {  	_ =	shalt  }
0x63: {  	_ =	shalt  }
0x64: {  	_ =	shalt  }
0x65: {  	_ =	shalt  }
0x66: {  	_ =	shalt  }
0x67: {  	_ =	shalt  }
0x68: {  	_ =	shalt  }
0x69: {  	_ =	shalt  }
0x6a: {  	_ =	shalt  }
0x6b: {  	_ =	shalt  }
0x6c: {  	_ =	shalt  }
0x6d: {  	_ =	shalt  }
0x6e: {  	_ =	shalt  }
0x6f: {  	_ =	shalt  }
0x70: {  	_ =	shalt  }
0x71: {  	_ =	shalt  }
0x72: {  	_ =	shalt  }
0x73: {  	_ =	shalt  }
0x74: {  	_ =	shalt  }
0x75: {  	_ =	shalt  }
0x76: {  	_ =	shalt  }
0x77: {  	_ =	shalt  }
0x78: {  	_ =	shalt  }
0x79: {  	_ =	shalt  }
0x7a: {  	_ =	shalt  }
0x7b: {  	_ =	shalt  }
0x7c: {  	_ =	shalt  }
0x7d: {  	_ =	shalt  }
0x7e: {  	_ =	shalt  }
0x7f: {  	_ =	shalt  }
0x80: {  	_ =	shalt  }
0x81: {  	_ =	shalt  }
0x82: {  	_ =	shalt  }
0x83: {  	_ =	shalt  }
0x84: {  	_ =	shalt  }
0x85: {  	_ =	shalt  }
0x86: {  	_ =	shalt  }
0x87: {  	_ =	shalt  }
.Lfunc_end0:
.L_simem_size_0:
called_computation_lowered:
.L_overlay_start_0:
0x88: {  	s2 =	sld [smem:$0x3FD9]  }
0x89: {  	s3 =	sld [smem:$0x3FFE];
	_ =	sdelay $0x1  }
0x8a: {  	s1 =	srdreg.scid  }
0x8b: {  	s0 =	sand.u32 $0x1, s1  }
0x8c: {  	s17 =	sshll.u32 s0, $0xA;
	s2 =	sadd.s32 s3, s2  }
0x8d: {  	s2 =	sadd.s32 s2, s17  }
0x8e: {  	[smem:$0x3FC6] =	sst s2  }
0x8f: {  	_ = 	snop  }
0x90: {  	s2 =	sld [smem:$0x3FC9]  }
0x91: {  	s18 =	sld [smem:$0x3FC8]  }
0x92: {  	s4 =	sld [smem:$0x3FD0];
	(tm) =	ssettm $0x1  }
0x93: {  	s5 =	sld [smem:$0x3FFB];
	_ =	sdelay $0x3  }
0x94: {  	_ =	strace s5  }
0x95: {  	s5 =	sld [smem:$0x3FFC];
	_ =	sdelay $0x3  }
0x96: {  	_ =	strace s5  }
0x97: {  	s5 =	sld [smem:$0x3FFD];
	_ =	sdelay $0x3  }
0x98: {  	_ =	strace s5  }
0x99: {  	_ =	strace $0x8FFFFFFF  }
0x9a: {  	s19 =	sld [smem:$0x3FDB];
	_ =	sdelay $0x1  }
0x9b: {  	s6 =	simm.s32 $_scs_section_size  }
0x9c: {  	s7 =	simm.s32 $_size__tile_overlayer_lowered;
	s8 =	simm.s32 $_tile_overlayer_lowered  }
0x9d: {  	s22 =	simm.s32 $0x1BFF;
	s21 =	sshll.u32 s8, $0x1;
	s5 =	sadd.s32 s6, s19  }
0x9e: {  	s9 =	simm.s32 $0x0;
	s20 =	sshll.u32 s7, $0x1;
	s7 =	sadd.s32 s21, s5  }
0x9f: {  	[timem:s9], [sflag:s22] =	dma.local [hbm:s7], s20  }
0xa0: {  	_ =	swait.ge [sflag:s22], s20  }
0xa1: {  	s6 =	ssub.s32 $0x0, s20;
	[sflag:s22] =	ssyncset.done $0x0  }
0xa2: {  	[sflag:s22] =	ssyncadd.s32 s6;
	_ =	sdelay $0x1  }
0xa3: {  	s23 =	simm.s32 $0x1B8B  }
0xa4: {  	_ =	swait.ge [sflag:s23], $0x1  }
0xa5: {  	[sflag:s23] =	ssyncset.done $0x0  }
0xa6: {  	s25 =	simm.s32 $0x1B8E;
	s24 =	sld [smem:$0x3FFE];
	[sflag:s23] =	ssyncadd.s32 $0xFFFFFFFF  }
0xa7: {  	s26 =	simm.s32 $execute0_lowered;
	[smem:$0x3FD2] =	sst s25  }
0xa8: {  	s7 =	sshll.u32 s26, $0x1;
	_ =	strace $0x80000046;
	[dreg:$0x1] =	wrdreg $0xFFFFFFFF  }
0xa9: {  	s28 =	simm.s32 $_size_execute0_lowered;
	s5 =	sadd.s32 s5, s7;
	[dreg:$0x0] =	wrdreg $0x0  }
0xaa: {  	s7 =	sshll.u32 s28, $0x1;
	[dreg:$0x2] =	wrdreg s5  }
0xab: {  	[dreg:$0x3] =	wrdreg s7  }
0xac: {  	[dreg:$0x4] =	wrdreg $0xC0  }
0xad: {  	_ =	task [dreg:s9], $0x5FFFF  }
0xae: {  	[dreg:$0x1] =	wrdreg $0xFFFFFFFF  }
0xaf: {  	[dreg:$0x0] =	wrdreg $0x60  }
0xb0: {  	[dreg:$0x2] =	wrdreg s2  }
0xb1: {  	[dreg:$0x3] =	wrdreg s18  }
0xb2: {  	[dreg:$0x4] =	wrdreg s4  }
0xb3: {  	[dreg:$0x5] =	wrdreg s24  }
0xb4: {  	[dreg:$0x6] =	wrdreg $0x9  }
0xb5: {  	_ =	task.clear_ibuf [dreg:s9], $0x7FFFF;
	_ =	strace $0x90000046  }
0xb6: {  	s29 =	simm.s32 $0x9;
	_ =	strace $0x80000048  }
0xb7: {  	_ =	swait.ge [sflag:s29], $0x1  }
0xb8: {  	[sflag:s29] =	ssyncadd.s32 $0xFFFFFFFF  }
0xb9: {  	_ =	strace $0x90000048  }
0xba: {  	_ =	sfence  }
0xbb: {  	s30 =	sld [smem:$0x0];
	_ =	sdelay $0x2  }
0xbc: {  	s31 =	sshll.u32 s1, $0xD;
	s1 =	sshrl.u32 s1, $0x2  }
0xbd: {  	s3 =	sand.u32 $0x4000, s31;
	s1 =	sadd.s32 s1, s30  }
0xbe: {  	s0 =	sor.u32 s3, s0;
	s1 =	sshll.u32 s1, $0x11  }
0xbf: {  	s0 =	sor.u32 s1, s0  }
0xc0: {  	s0 =	sadd.s32 $0x8F2B, s0  }
0xc1: {  	[sflag:s0] =	ssyncadd.remote.s32 $0x1  }
0xc2: {  	_ =	sfence.sel $0xFFFF  }
0xc3: {  	[dreg:$0x0] =	wrdreg $0xFFFFFFFF;
	(pc) =	sbr.abs _section_cstart, $3  }
0xc4: {  	[dreg:$0x1] =	wrdreg $0xFFFFFFFF  }
0xc5: {  	_ =	task.clear_ibuf [dreg:s9], $0x2FFFF;
	_ =	strace $0x9FFFFFFF  }
0xc6: {  	(tm) =	ssettm $0x7FFFFFFF  }
0xc7: {  	_ =	shalt  }
tec
execute0_lowered:
.L_overlay_start_1:
0x0: {  	(tag) =	ssettag $0x1  }
0x1: {  	s2 =	rddreg [dreg:$0x1]  }
0x2: {  	s4 =	rddreg [dreg:$0x2]  }
0x3: {  	s0 =	srdreg.scid;
	s3 =	stileid.u32  }
0x4: {  	s1 =	rddreg [dreg:$0x3];
	s5 =	simm.s32 $0x0;
	s15 =	simm.s32 $0x4080  }
0x5: {  	s16 =	simm.s32 $0x8100;
	s17 =	simm.s32 $0x10200;
	s18 =	simm.s32 $0xC180  }
0x6: {  	s19 =	simm.s32 $0x10500;
	s20 =	simm.s32 $0x2;
	s21 =	simm.s32 $0x10680  }
0x7: {  	s22 =	simm.s32 $0x1C680;
	s0 =	sand.u32 $0x1, s0;
	s3 =	sshll.u32 s3, $0x1  }
0x8: {  	s23 =	simm.s32 $0x3;
	s28 =	simm.s32 $0x5;
	s3 =	sor.u32 s0, s3  }
0x9: {  	s29 =	simm.s32 $0x16680;
	[smem:$0x7FF] =	sst s5;
	s6 =	smul.u32 $0xF5, s3  }
0xa: {  	s7 =	sadd.s32 $0x400, s1;
	s0 =	ssub.s32 $0x2, s0;
	s10 =	smul.u32 $0x7A80, s3  }
0xb: {  	_ =	strace $0x80000047;
	s8 =	sshrl.u32 s0, $0x1;
	s1 =	smul.u32 $0xFFFF8580, s3  }
0xc: {  	s0 =	ssub.s32 s0, s8;
	s9 =	smin.u32 s6, $0x1D90;
	s24 =	sadd.s32 s2, s10  }
0xd: {  	s25 =	sadd.s32 $0x1, s6;
	s26 =	sadd.s32 $0x2, s6;
	s11 =	sadd.s32 $0x3, s6  }
0xe: {  	s0 =	smax.u32 s0, $0x1;
	s8 =	sadd.s32 $0xF5, s9;
	[dreg:$0x5] =	wrdreg s24  }
0xf: {  	s12 =	sshll.u32 s25, $0x7;
	s13 =	sshll.u32 s26, $0x7;
	s14 =	sshll.u32 s11, $0x7  }
0x10: {  	[dreg:$0x9] =	wrdreg s0;
	s24 =	simm.s32 $0x12680;
	s0 =	simm.s32 $0x0  }
.Ltmp0:
0x11: {  	s3 =	sshll.u32 s8, $0x7;
	s12 =	sadd.s32 s2, s12;
	(pc) =	sbr.rel .LBB2_1-.Ltmp0, $4  }
0x12: {  	s30 =	sadd.s32 s2, s13;
	s31 =	sadd.s32 s2, s14;
	s14 =	simm.s32 $0x6  }
0x13: {  	p0 =	sge.u32 s6, s8;
	p1 =	sge.u32 s25, s8;
	[dreg:$0x6] =	wrdreg s12  }
0x14: {  	v2 =	vlaneseq.u32;
	v3 =	vimm.s32 $0x0;
	p2 =	sge.u32 s26, s8;
	p3 =	sge.u32 s11, s8;
	[dreg:$0x7] =	wrdreg s30  }
0x15: {  	vm0 =	vcmask $0x300;
	v0 =	vmov s1;
	s25 =	simm.s32 $0x4;
	s26 =	simm.s32 $0x14680;
	[dreg:$0x8] =	wrdreg s31;
	v1 =	vmov s3  }
.LBB2_41:
0x16: {  	s0 =	sadd.s32 $0x1, s0;
	s1 =	rddreg [dreg:$0x9]  }
0x17: {  	p4 =	sne.s32 s0, s1  }
.Ltmp1:
0x18: {  	_ = 	snop;
	(pc) =	sbr.rel @!p4 .LBB2_42-.Ltmp1, $1  }
0x19: {  	_ =	sdelay $0x3  }
.LBB2_1:
0x1a: {  	s1 =	rddreg [dreg:$0x0]  }
0x1b: {  	[tilespmem:s5], [sflag:$0x6] =	stream.linear.gather [hbm4b:s1+s5], $0x4000, $0x38;
	[tilespmem:$0x1C700] =	vst v63  }
0x1c: {  	_ =	swait.ge [sflag:s14], $0x4000  }
0x1d: {  	[sflag:s14] =	ssyncset.done $0x0  }
0x1e: {  	[sflag:s14] =	ssyncadd.s32 $0xFFFFC000  }
0x1f: {  	v4 =	vld [tilespmem:s5+$0x0];
	_ =	sdelay $0x4  }
0x20: {  	v5 =	vadd.s32 v0, v4;
	v6 =	vsub.s32 v4, v1  }
0x21: {  	v6 =	vshrl.u32 v6, $0x1F;
	vm1 =	vlt.s32 v5, $0x0  }
0x22: {  	v5 =	vsel vm1, $0x0, v6  }
0x23: {  	(xrf0) =	vadd.scan.msk.s32 $0xffff, v5;
	_ =	sdelay $0x2  }
0x24: {  	v62 =	vmov s5  }
0x25: {  	v6 =	vadd.s32 $0xFFFFFFFF, v62  }
0x26: {  	v6 =	vbroadcast v6, $0x0  }
0x27: {  	v7, _, _ =	vpop (xrf0)  }
0x28: {  	v6 =	vadd.s32 v7, v6;
	(v2sf) =	vpush v7, $0xF  }
0x29: {  	v8 =	vshll.u32 v5, $0xE;
	v5 =	vmul.u32 v5, v6  }
0x2a: {  	v63 =	vxor.u32 $0x4000, v8  }
0x2b: {  	v5 =	vadd.s32 v63, v5;
	_ =	sdelay $0x4  }
0x2c: {  	[tilespmem:v5+s15+$0x0] =	vst.idx.msk $0xffff, v4;
	v4 =	vor.u32 s5, v2  }
0x2d: {  	s3 =	simm.s32 $0x10;
	s9 =	simm.s32 $0x10;
	s1 =	simm.s32 $0x0;
	[tilespmem:v5+s16+$0x0] =	vst.idx.msk $0xffff, v4  }
.LBB2_2:
0x2e: {  	v4 =	vld [tilespmem:s3+$0x0];
	p4 =	sne.s32 s9, $0x3FF0;
	_ =	sdelay $0x4  }
0x2f: {  	v5 =	vadd.s32 v0, v4;
	v6 =	vsub.s32 v4, v1;
	s10 =	spop (v2sf)  }
0x30: {  	v6 =	vshrl.u32 v6, $0x1F;
	vm1 =	vlt.s32 v5, $0x0;
	s1 =	sadd.s32 s1, s10  }
0x31: {  	v5 =	vsel vm1, $0x0, v6;
	v6 =	vmov s1;
	[smem:$0x0] =	sst s1  }
0x32: {  	v6 =	vadd.s32 $0xFFFFFFFF, v6;
	v7 =	vshll.u32 v5, $0xE;
	(xrf0) =	vadd.scan.msk.s32 $0xffff, v5  }
0x33: {  	v6 =	vbroadcast v6, $0x0;
	_ =	sdelay $0x4  }
0x34: {  	v8, _, _ =	vpop (xrf0)  }
0x35: {  	v6 =	vadd.s32 v8, v6;
	(v2sf) =	vpush v8, $0xF  }
0x36: {  	v5 =	vmul.u32 v5, v6  }
0x37: {  	v6 =	vxor.u32 $0x4000, v7  }
0x38: {  	v5 =	vadd.s32 v6, v5;
	_ =	sdelay $0x1  }
.Ltmp2:
0x39: {  	(pc) =	sbr.rel @p4 .LBB2_2-.Ltmp2, $3  }
0x3a: {  	_ =	sdelay $0x1  }
0x3b: {  	[tilespmem:v5+s15+$0x0] =	vst.idx.msk $0xffff, v4;
	v4 =	vor.u32 s9, v2  }
0x3c: {  	s3 =	sadd.s32 $0x10, s3;
	s9 =	sadd.s32 $0x10, s9;
	[tilespmem:v5+s16+$0x0] =	vst.idx.msk $0xffff, v4  }
0x3d: {  	_ =	sdelay $0x4  }
0x3e: {  	s3 =	spop (v2sf)  }
0x3f: {  	s1 =	sadd.s32 s1, s3  }
0x40: {  	[smem:$0x0] =	sst s1  }
0x41: {  	[bflag:$0x0] =	sbarrier.arrive $0xFFFF  }
0x42: {  	[tilespmem:$0x10200] =	vst v3  }
0x43: {  	[tilespmem:$0x10210] =	vst v3  }
0x44: {  	[tilespmem:$0x10220] =	vst v3  }
0x45: {  	[tilespmem:$0x10230] =	vst v3  }
0x46: {  	[tilespmem:$0x10240] =	vst v3  }
0x47: {  	[tilespmem:$0x10250] =	vst v3  }
0x48: {  	[tilespmem:$0x10260] =	vst v3  }
0x49: {  	[tilespmem:$0x10270] =	vst v3  }
0x4a: {  	[tilespmem:$0x10280] =	vst v3;
	s30 =	sld [smem:$0x0]  }
0x4b: {  	[tilespmem:$0x10290] =	vst v3  }
0x4c: {  	[tilespmem:$0x102A0] =	vst v3  }
0x4d: {  	[tilespmem:$0x102B0] =	vst v3;
	p4 =	slt.s32 s30, $0x1  }
.Ltmp3:
0x4e: {  	[tilespmem:$0x102C0] =	vst v3;
	(pc) =	sbr.rel @p4 .LBB2_7-.Ltmp3, $4  }
0x4f: {  	[tilespmem:$0x102D0] =	vst v3  }
0x50: {  	[tilespmem:$0x102E0] =	vst v3  }
0x51: {  	[tilespmem:$0x102F0] =	vst v3  }
0x52: {  	s1 =	simm.s32 $0x4080;
	[smem:$0x1] =	sst s5;
	[tilespmem:$0x10300] =	vst v3  }
0x53: {  	p5 =	sne.s32 s30, $0x1  }
.Ltmp4:
0x54: {  	_ = 	snop;
	(pc) =	sbr.rel @!p5 .LBB2_6-.Ltmp4, $2  }
0x55: {  	_ =	sdelay $0x2  }
0x56: {  	v4 =	vld [tilespmem:s1+$0x0];
	s3 =	sadd.s32 $0xFFFFFFFF, s30  }
.LBB2_5:
0x57: {  	p5 =	sne.s32 s3, $0x1;
	_ =	sdelay $0x3  }
0x58: {  	(v2sf) =	vpush v4, $0x0;
	_ =	sdelay $0xe  }
0x59: {  	s9 =	spop (v2sf)  }
0x5a: {  	s9 =	sshrl.u32 s9, $0x7  }
0x5b: {  	s9 =	ssub.s32 s9, s6  }
0x5c: {  	v4 =	vld [tilespmem:s9+$0x10200];
	_ =	sdelay $0x4  }
0x5d: {  	(v2sf) =	vpush v4, $0x0;
	_ =	sdelay $0xc  }
0x5e: {  	v4 =	vmov s9;
	_ =	sdelay $0x1  }
.Ltmp5:
0x5f: {  	s9 =	spop (v2sf);
	(pc) =	sbr.rel @p5 .LBB2_5-.Ltmp5, $4  }
0x60: {  	s9 =	sadd.s32 $0x1, s9  }
0x61: {  	v5 =	vmov s9  }
0x62: {  	s1 =	sadd.s32 $0x1, s1;
	[tilespmem:v4+s17+$0x0] =	vst.idx.msk $0xffff, v5  }
0x63: {  	s3 =	sadd.s32 $0xFFFFFFFF, s3;
	v4 =	vld [tilespmem:s1+$0x0]  }
.LBB2_6:
0x64: {  	_ =	sdelay $0x3  }
0x65: {  	(v2sf) =	vpush v4, $0x0;
	_ =	sdelay $0xe  }
0x66: {  	s1 =	spop (v2sf)  }
0x67: {  	s1 =	sshrl.u32 s1, $0x7  }
0x68: {  	s1 =	ssub.s32 s1, s6  }
0x69: {  	v4 =	vld [tilespmem:s1+$0x10200];
	_ =	sdelay $0x4  }
0x6a: {  	(v2sf) =	vpush v4, $0x0;
	_ =	sdelay $0xc  }
0x6b: {  	v4 =	vmov s1;
	_ =	sdelay $0x1  }
0x6c: {  	s31 =	spop (v2sf)  }
0x6d: {  	s1 =	sadd.s32 $0x1, s31  }
0x6e: {  	v5 =	vmov s1  }
0x6f: {  	[tilespmem:v4+s17+$0x0] =	vst.idx.msk $0xffff, v5  }
.LBB2_7:
0x70: {  	[bflag:$0x0] =	sbarrier.arrive $0xFFFF  }
0x71: {  	v4 =	vld [tilespmem:$0x10200]  }
0x72: {  	v5 =	vld [tilespmem:$0x10210];
	_ =	sdelay $0x1  }
0x73: {  	v6 =	vld [tilespmem:$0x10220];
	_ =	sdelay $0x1  }
0x74: {  	v7 =	vld [tilespmem:$0x10230];
	(xrf0) =	vadd.scan.msk.s32 $0xffff, v4  }
0x75: {  	(xrf0) =	vadd.scan.msk.s32 $0xffff, v5  }
0x76: {  	v8 =	vld [tilespmem:$0x10240]  }
0x77: {  	(xrf0) =	vadd.scan.msk.s32 $0xffff, v6  }
0x78: {  	v9 =	vld [tilespmem:$0x10250]  }
0x79: {  	(xrf0) =	vadd.scan.msk.s32 $0xffff, v7  }
0x7a: {  	v11 =	vld [tilespmem:$0x10260];
	v10, _, _ =	vpop (xrf0)  }
0x7b: {  	(xrf0) =	vadd.scan.msk.s32 $0xffff, v8;
	(v2sf) =	vpush v10, $0xF;
	v12, _, _ =	vpop (xrf0)  }
0x7c: {  	v13 =	vld [tilespmem:$0x10270];
	(v2sf) =	vpush v12, $0xF  }
0x7d: {  	(xrf0) =	vadd.scan.msk.s32 $0xffff, v9;
	v14, _, _ =	vpop (xrf0)  }
0x7e: {  	v15 =	vld [tilespmem:$0x10280];
	(v2sf) =	vpush v14, $0xF  }
0x7f: {  	(xrf0) =	vadd.scan.msk.s32 $0xffff, v11;
	v16, _, _ =	vpop (xrf0)  }
0x80: {  	v17 =	vld [tilespmem:$0x10290];
	(v2sf) =	vpush v16, $0xF  }
0x81: {  	v18, _, _ =	vpop (xrf0);
	(xrf0) =	vadd.scan.msk.s32 $0xffff, v13  }
0x82: {  	v19 =	vld [tilespmem:$0x102A0];
	(v2sf) =	vpush v18, $0xF  }
0x83: {  	v20, _, _ =	vpop (xrf0);
	(xrf0) =	vadd.scan.msk.s32 $0xffff, v15  }
0x84: {  	v21 =	vld [tilespmem:$0x102B0];
	(v2sf) =	vpush v20, $0xF  }
0x85: {  	v22, _, _ =	vpop (xrf0);
	(xrf0) =	vadd.scan.msk.s32 $0xffff, v17  }
0x86: {  	v23 =	vld [tilespmem:$0x102C0];
	v25 =	vbroadcast v10, $0xF;
	(v2sf) =	vpush v22, $0xF  }
0x87: {  	v24, _, _ =	vpop (xrf0);
	(xrf0) =	vadd.scan.msk.s32 $0xffff, v19  }
0x88: {  	v26 =	vld [tilespmem:$0x102D0];
	v5 =	vsub.s32 v25, v5;
	(v2sf) =	vpush v24, $0xF  }
0x89: {  	v4 =	vsub.s32 v10, v4;
	v52, _, _ =	vpop (xrf0);
	(xrf0) =	vadd.scan.msk.s32 $0xffff, v21  }
0x8a: {  	v53 =	vld [tilespmem:$0x102E0];
	[tilespmem:$0x10380] =	vst v4;
	s1 =	spop (v2sf);
	(v2sf) =	vpush v52, $0xF  }
0x8b: {  	[tilespmem:$0x10500] =	vst v4;
	v4 =	vadd.s32 v12, v5;
	v5, _, _ =	vpop (xrf0);
	(xrf0) =	vadd.scan.msk.s32 $0xffff, v23;
	s3 =	spop (v2sf)  }
0x8c: {  	v54 =	vld [tilespmem:$0x102F0];
	v6 =	vsub.s32 v14, v6;
	[tilespmem:$0x10390] =	vst v4;
	(v2sf) =	vpush v5, $0xF;
	s1 =	sadd.s32 s1, s3  }
0x8d: {  	[tilespmem:$0x10510] =	vst v4;
	s12 =	spop (v2sf);
	v55, _, _ =	vpop (xrf0);
	(xrf0) =	vadd.scan.msk.s32 $0xffff, v26;
	v4 =	vadd.s32 s1, v6  }
0x8e: {  	v56 =	vld [tilespmem:$0x10300];
	v7 =	vsub.s32 v16, v7;
	s1 =	sadd.s32 s1, s12;
	(v2sf) =	vpush v55, $0xF;
	[tilespmem:$0x103A0] =	vst v4  }
0x8f: {  	s13 =	spop (v2sf);
	v57, _, _ =	vpop (xrf0);
	(xrf0) =	vadd.scan.msk.s32 $0xffff, v53;
	[tilespmem:$0x10520] =	vst v4;
	v4 =	vadd.s32 s1, v7  }
0x90: {  	v8 =	vsub.s32 v18, v8;
	s1 =	sadd.s32 s1, s13;
	(v2sf) =	vpush v57, $0xF;
	[tilespmem:$0x103B0] =	vst v4  }
0x91: {  	v58, _, _ =	vpop (xrf0);
	(xrf0) =	vadd.scan.msk.s32 $0xffff, v54;
	[tilespmem:$0x10530] =	vst v4;
	v4 =	vadd.s32 s1, v8;
	s31 =	spop (v2sf)  }
0x92: {  	v9 =	vsub.s32 v20, v9;
	[tilespmem:$0x103C0] =	vst v4;
	(v2sf) =	vpush v58, $0xF;
	s1 =	sadd.s32 s1, s31  }
0x93: {  	[tilespmem:$0x10540] =	vst v4;
	s9 =	spop (v2sf);
	v4 =	vadd.s32 s1, v9;
	v59, _, _ =	vpop (xrf0);
	(xrf0) =	vadd.scan.msk.s32 $0xffff, v56  }
0x94: {  	v11 =	vsub.s32 v22, v11;
	s1 =	sadd.s32 s1, s9;
	[tilespmem:$0x103D0] =	vst v4;
	(v2sf) =	vpush v59, $0xF  }
0x95: {  	s10 =	spop (v2sf);
	v60, _, _ =	vpop (xrf0);
	[tilespmem:$0x10550] =	vst v4;
	v4 =	vadd.s32 s1, v11  }
0x96: {  	v61 =	vsub.s32 v24, v13;
	s1 =	sadd.s32 s1, s10;
	[tilespmem:$0x103E0] =	vst v4;
	(v2sf) =	vpush v60, $0xF  }
0x97: {  	v62, _, _ =	vpop (xrf0);
	[tilespmem:$0x10560] =	vst v4;
	v4 =	vadd.s32 s1, v61;
	s11 =	spop (v2sf)  }
0x98: {  	v10 =	vsub.s32 v52, v15;
	[tilespmem:$0x103F0] =	vst v4;
	(v2sf) =	vpush v62, $0xF;
	s1 =	sadd.s32 s1, s11  }
0x99: {  	[tilespmem:$0x10570] =	vst v4;
	v4 =	vadd.s32 s1, v10;
	v63, _, _ =	vpop (xrf0);
	s12 =	spop (v2sf)  }
0x9a: {  	v5 =	vsub.s32 v5, v17;
	[tilespmem:$0x10400] =	vst v4;
	(v2sf) =	vpush v63, $0xF;
	s1 =	sadd.s32 s1, s12  }
0x9b: {  	[tilespmem:$0x10580] =	vst v4;
	s13 =	spop (v2sf);
	v4 =	vadd.s32 s1, v5  }
0x9c: {  	v5 =	vsub.s32 v55, v19;
	s1 =	sadd.s32 s1, s13;
	[tilespmem:$0x10410] =	vst v4  }
0x9d: {  	[tilespmem:$0x10590] =	vst v4;
	s31 =	spop (v2sf);
	v4 =	vadd.s32 s1, v5  }
0x9e: {  	v5 =	vsub.s32 v57, v21;
	[tilespmem:$0x10420] =	vst v4;
	s1 =	sadd.s32 s1, s31  }
0x9f: {  	[tilespmem:$0x105A0] =	vst v4;
	s9 =	spop (v2sf);
	v4 =	vadd.s32 s1, v5  }
0xa0: {  	v5 =	vsub.s32 v58, v23;
	s1 =	sadd.s32 s1, s9;
	[tilespmem:$0x10430] =	vst v4  }
0xa1: {  	[tilespmem:$0x105B0] =	vst v4;
	s10 =	spop (v2sf);
	v4 =	vadd.s32 s1, v5  }
0xa2: {  	v5 =	vsub.s32 v59, v26;
	[tilespmem:$0x10440] =	vst v4;
	s1 =	sadd.s32 s1, s10  }
0xa3: {  	[tilespmem:$0x105C0] =	vst v4;
	v4 =	vadd.s32 s1, v5;
	s11 =	spop (v2sf)  }
0xa4: {  	v5 =	vsub.s32 v60, v53;
	[tilespmem:$0x10450] =	vst v4;
	s1 =	sadd.s32 s1, s11  }
0xa5: {  	[tilespmem:$0x105D0] =	vst v4;
	s12 =	spop (v2sf);
	v4 =	vadd.s32 s1, v5  }
0xa6: {  	v5 =	vsub.s32 v62, v54;
	s1 =	sadd.s32 s1, s12;
	[tilespmem:$0x10460] =	vst v4  }
.Ltmp6:
0xa7: {  	[tilespmem:$0x105E0] =	vst v4;
	s13 =	spop (v2sf);
	v4 =	vadd.s32 s1, v5;
	(pc) =	sbr.rel @p4 .LBB2_11-.Ltmp6, $4  }
0xa8: {  	v5 =	vsub.s32 v63, v56;
	[tilespmem:$0x10470] =	vst v4;
	s1 =	sadd.s32 s1, s13  }
0xa9: {  	[tilespmem:$0x105F0] =	vst v4;
	v4 =	vadd.s32 s1, v5;
	s31 =	spop (v2sf)  }
0xaa: {  	[tilespmem:$0x10480] =	vst v4;
	s1 =	sadd.s32 s1, s31  }
0xab: {  	[tilespmem:$0x10600] =	vst v4;
	[smem:$0x2] =	sst s1  }
0xac: {  	s1 =	simm.s32 $0x4080  }
0xad: {  	v4 =	vld [tilespmem:s1+$0x0];
	_ =	sdelay $0x4  }
0xae: {  	(v2sf) =	vpush v4, $0x0;
	_ =	sdelay $0xe  }
0xaf: {  	s3 =	spop (v2sf)  }
0xb0: {  	s3 =	sshrl.u32 s3, $0x7  }
0xb1: {  	s9 =	ssub.s32 s3, s6  }
0xb2: {  	v5 =	vld [tilespmem:s9+$0x10500];
	_ =	sdelay $0x4  }
0xb3: {  	(v2sf) =	vpush v5, $0x0;
	_ =	sdelay $0x6  }
0xb4: {  	v5 =	vbroadcast v5, $0x0;
	_ =	sdelay $0x3  }
0xb5: {  	v4 =	vbroadcast v4, $0x0;
	s3 =	simm.s32 $0x8100  }
0xb6: {  	p4 =	sne.s32 s30, $0x1;
	v6 =	vld.msk [tilespmem:s3+$0x0 ss:$0x0], $0xffff  }
.Ltmp7:
0xb7: {  	[tilespmem:v5+s5+$0x0] =	vst.idx.msk $0xffff, v4;
	v4 =	vmov s9;
	(pc) =	sbr.rel @!p4 .LBB2_10-.Ltmp7, $4  }
0xb8: {  	_ = 	snop  }
0xb9: {  	s10 =	spop (v2sf)  }
0xba: {  	s10 =	sadd.s32 $0x1, s10  }
0xbb: {  	s9 =	sadd.s32 $0xFFFFFFFF, s30;
	[tilespmem:v5+s18+$0x0] =	vst.idx.msk $0xffff, v6;
	v5 =	vmov s10  }
.LBB2_9:
0xbc: {  	p4 =	sne.s32 s9, $0x1;
	[tilespmem:v4+s19+$0x0] =	vst.idx.msk $0xffff, v5;
	s3 =	sadd.s32 $0x1, s3;
	s1 =	sadd.s32 $0x1, s1  }
0xbd: {  	s9 =	sadd.s32 $0xFFFFFFFF, s9;
	v4 =	vld [tilespmem:s1+$0x0];
	_ =	sdelay $0x4  }
0xbe: {  	(v2sf) =	vpush v4, $0x0;
	_ =	sdelay $0xe  }
0xbf: {  	s10 =	spop (v2sf)  }
0xc0: {  	s10 =	sshrl.u32 s10, $0x7  }
0xc1: {  	s10 =	ssub.s32 s10, s6  }
0xc2: {  	v5 =	vld [tilespmem:s10+$0x10500];
	_ =	sdelay $0x4  }
0xc3: {  	v6 =	vbroadcast v5, $0x0;
	(v2sf) =	vpush v5, $0x0  }
0xc4: {  	v5 =	vld.msk [tilespmem:s3+$0x0 ss:$0x0], $0xffff;
	_ =	sdelay $0x2  }
0xc5: {  	v4 =	vbroadcast v4, $0x0;
	_ =	sdelay $0x1  }
0xc6: {  	[tilespmem:v6+s5+$0x0] =	vst.idx.msk $0xffff, v4  }
0xc7: {  	[tilespmem:v6+s18+$0x0] =	vst.idx.msk $0xffff, v5;
	_ =	sdelay $0x5  }
.Ltmp8:
0xc8: {  	v4 =	vmov s10;
	(pc) =	sbr.rel @p4 .LBB2_9-.Ltmp8, $4  }
0xc9: {  	_ = 	snop  }
0xca: {  	s10 =	spop (v2sf)  }
0xcb: {  	s10 =	sadd.s32 $0x1, s10  }
0xcc: {  	v5 =	vmov s10  }
.LBB2_10:
0xcd: {  	_ =	sdelay $0x3  }
0xce: {  	[tilespmem:v4+s19+$0x0] =	vst.idx.msk $0xffff, v5  }
.LBB2_11:
0xcf: {  	[bflag:$0x0] =	sbarrier.arrive $0xFFFF;
	s1 =	simm.s32 @!p0 $0x400  }
0xd0: {  	s3 =	simm.s32 @!p0 $0x7A1400;
	s9 =	simm.s32 @!p0 $0x10680;
	s10 =	rddreg [dreg:$0x5]  }
0xd1: {  	[tilespmem:s9], [sflag:$0x2] =	stream.strided.gather @!p0 [hbm4b:s10+s1], $0x2000, s3, s1, $0x38;
	[tilespmem:$0x1C700] =	vst v63  }
0xd2: {  	s1 =	simm.s32 @!p1 $0x400  }
0xd3: {  	s3 =	simm.s32 @!p1 $0x7A1400;
	s9 =	simm.s32 @!p1 $0x12680;
	s10 =	rddreg [dreg:$0x6]  }
0xd4: {  	[tilespmem:s9], [sflag:$0x3] =	stream.strided.gather @!p1 [hbm4b:s10+s1], $0x2000, s3, s1, $0x38;
	[tilespmem:$0x1C700] =	vst v63  }
0xd5: {  	s1 =	simm.s32 @!p2 $0x400;
	s3 =	simm.s32 @!p2 $0x7A1400  }
.Ltmp9:
0xd6: {  	s9 =	simm.s32 @!p2 $0x14680;
	s10 =	rddreg [dreg:$0x7];
	(pc) =	sbr.rel .LBB2_12-.Ltmp9, $4  }
0xd7: {  	[tilespmem:s9], [sflag:$0x4] =	stream.strided.gather @!p2 [hbm4b:s10+s1], $0x2000, s3, s1, $0x38;
	[tilespmem:$0x1C700] =	vst v63  }
0xd8: {  	s30 =	simm.s32 $0x0;
	s1 =	simm.s32 @!p3 $0x400  }
0xd9: {  	s3 =	simm.s32 @!p3 $0x7A1400;
	s9 =	simm.s32 @!p3 $0x16680;
	s10 =	rddreg [dreg:$0x8]  }
0xda: {  	[tilespmem:s9], [sflag:$0x5] =	stream.strided.gather @!p3 [hbm4b:s10+s1], $0x2000, s3, s1, $0x38;
	[tilespmem:$0x1C700] =	vst v63  }
.LBB2_34:
0xdb: {  	[sflag:s11] =	ssyncadd.s32 @!p5 $0xFFFFC000  }
0xdc: {  	[smem:$0x1] =	sst @!p5 s12  }
.LBB2_35:
0xdd: {  	s1 =	sadd.s32 $0x7, s31  }
0xde: {  	p4 =	sge.u32 s1, s8  }
0xdf: {  	p5 =	sne.s32 @!p4 s1, $0x1E84  }
0xe0: {  	p6 =	por !p5, p4  }
0xe1: {  	s1 =	sshll.u32 @!p6 s1, $0x7  }
0xe2: {  	p4 =	por p5, p4;
	s3 =	simm.s32 @!p6 $0x400;
	s1 =	sand.u32 @!p6 $0x1FFFFF80, s1  }
0xe3: {  	s9 =	simm.s32 @!p6 $0x7A1400;
	s10 =	simm.s32 @!p6 $0x16680;
	s1 =	sadd.s32 @!p6 s2, s1  }
0xe4: {  	[tilespmem:s10], [sflag:$0x5] =	stream.strided.gather @!p6 [hbm4b:s1+s3], $0x2000, s9, s3, $0x38;
	[tilespmem:$0x1C700] =	vst v63  }
0xe5: {  	s1 =	simm.s32 @!p4 $0x0;
	s3 =	simm.s32 @!p4 $0x16680  }
0xe6: {  	[tilespmem:s3], [sflag:$0x5] =	stream.linear.gather @!p4 [hbm4b:s4+s1], $0x2000, $0x38;
	[tilespmem:$0x1C700] =	vst v63  }
.LBB2_36:
0xe7: {  	s30 =	sadd.s32 $0x1, s30  }
0xe8: {  	p4 =	sne.s32 s30, $0x3E  }
.Ltmp10:
0xe9: {  	_ = 	snop;
	(pc) =	sbr.rel @!p4 .LBB2_37-.Ltmp10, $1  }
0xea: {  	_ =	sdelay $0x3  }
.LBB2_12:
0xeb: {  	s1 =	sshll.u32 s30, $0x2  }
0xec: {  	s31 =	sadd.s32 s6, s1  }
0xed: {  	p4 =	sge.u32 s31, s8  }
.Ltmp11:
0xee: {  	_ = 	snop;
	(pc) =	sbr.rel @p4 .LBB2_18-.Ltmp11, $1  }
0xef: {  	_ =	sdelay $0x3  }
0xf0: {  	_ =	swait.ge [sflag:s20], $0x2000  }
0xf1: {  	[sflag:s20] =	ssyncset.done $0x0  }
0xf2: {  	[sflag:s20] =	ssyncadd.s32 $0xFFFFE000  }
0xf3: {  	v4 =	vld [tilespmem:s1+$0x10380]  }
0xf4: {  	v5 =	vld [tilespmem:s1+$0x10381];
	_ =	sdelay $0x3  }
0xf5: {  	(v2sf) =	vpush v4, $0x0  }
0xf6: {  	(v2sf) =	vpush v5, $0x0;
	_ =	sdelay $0xd  }
0xf7: {  	s9 =	spop (v2sf)  }
0xf8: {  	s10 =	spop (v2sf)  }
0xf9: {  	p4 =	sle.s32 s10, s9  }
.Ltmp12:
0xfa: {  	_ = 	snop;
	(pc) =	sbr.rel @p4 .LBB2_17-.Ltmp12, $1  }
0xfb: {  	_ =	sdelay $0x3  }
0xfc: {  	s1 =	sshll.u32 s9, $0x2  }
0xfd: {  	s13 =	sshra.s32 s1, $0x2  }
0xfe: {  	v4 =	vld [tilespmem:s13+$0x0];
	_ =	sdelay $0x4  }
0xff: {  	(v2sf) =	vpush v4, $0x0;
	_ =	sdelay $0xe  }
0x100: {  	v4 =	vmul.u32 $0x80, v2;
	s12 =	spop (v2sf)  }
0x101: {  	s3 =	sand.u32 $0x7F, s12  }
0x102: {  	v5 =	vor.u32 s3, v4;
	_ =	sdelay $0x4  }
0x103: {  	s11 =	sld [smem:$0x1];
	v6 =	vld.idx.msk [tilespmem:v5+s21+$0x0], $0xffff;
	v5 =	vor.u32 $0x800, v4  }
0x104: {  	v7 =	vor.u32 s3, v5;
	_ =	sdelay $0x1  }
0x105: {  	s12 =	sshll.u32 s11, $0x9  }
0x106: {  	s1 =	sadd.s32 $0xC180, s13;
	s12 =	sshra.s32 s12, $0x2  }
0x107: {  	v8 =	vld.msk [tilespmem:s1+$0x0 ss:$0x0], $0xffff;
	[tilespmem:s12+$0x18680] =	vst v6  }
0x108: {  	v6 =	vor.u32 $0x1000, v4;
	v7 =	vld.idx.msk [tilespmem:v7+s21+$0x0], $0xffff  }
0x109: {  	v9 =	vor.u32 s3, v6;
	_ =	sdelay $0x3  }
0x10a: {  	[tilespmem:s12+$0x18690] =	vst v7  }
0x10b: {  	v7 =	vor.u32 $0x1800, v4;
	v9 =	vld.idx.msk [tilespmem:v9+s21+$0x0], $0xffff  }
0x10c: {  	v10 =	vor.u32 s3, v7;
	_ =	sdelay $0x3  }
0x10d: {  	[tilespmem:s12+$0x186A0] =	vst v9  }
0x10e: {  	v9 =	vld.idx.msk [tilespmem:v10+s21+$0x0], $0xffff  }
0x10f: {  	v63 =	vmov s11;
	_ =	sdelay $0x1  }
0x110: {  	s9 =	ssub.s32 s10, s9;
	s3 =	sadd.s32 $0x1, s11  }
0x111: {  	s9 =	sadd.s32 $0xFFFFFFFF, s9;
	p5 =	sne.s32 s3, $0x80  }
0x112: {  	p4 =	sne.s32 s9, $0x0;
	s10 =	simm.s32 @!p5 $0x80;
	[tilespmem:s12+$0x186B0] =	vst v9  }
.Ltmp13:
0x113: {  	s11 =	simm.s32 @!p5 $0x1C680;
	s12 =	simm.s32 @!p5 $0x18680;
	[tilespmem:v63+s22+$0x0] =	vst.idx.msk $0xffff, v8;
	(pc) =	sbr.rel @!p4 .LBB2_16-.Ltmp13, $4  }
0x114: {  	[hbm4b:s7+s10] =	stream.indirect.scatter @!p5 [tilespmem:s12], [sflag:$0x1], $0x80, s11, s10, $0xb8;
	[tilespmem:$0x1C700] =	vst v63  }
0x115: {  	[smem:$0x1] =	sst s3;
	s11 =	simm.s32 @!p5 $0x1  }
0x116: {  	s3 =	simm.s32 @!p5 $0x0;
	_ =	swait.ge @!p5 [sflag:s11], $0x4000  }
0x117: {  	s12 =	simm.s32 @!p5 $0x0;
	s10 =	sadd.s32 $0x1, s13;
	[sflag:s11] =	ssyncset.done @!p5 $0x0  }
.LBB2_15:
0x118: {  	s9 =	sadd.s32 $0xFFFFFFFF, s9;
	[sflag:s11] =	ssyncadd.s32 @!p5 $0xFFFFC000;
	s1 =	sadd.s32 $0x1, s1  }
0x119: {  	v8 =	vld [tilespmem:s10+$0x0];
	p4 =	sne.s32 s9, $0x0;
	[smem:$0x1] =	sst @!p5 s12;
	_ =	sdelay $0x4  }
0x11a: {  	(v2sf) =	vpush v8, $0x0;
	_ =	sdelay $0xe  }
0x11b: {  	s11 =	spop (v2sf)  }
0x11c: {  	s11 =	sand.u32 $0x7F, s11  }
0x11d: {  	v8 =	vor.u32 s11, v4;
	_ =	sdelay $0x4  }
0x11e: {  	v8 =	vld.idx.msk [tilespmem:v8+s21+$0x0], $0xffff;
	_ =	sdelay $0x1  }
0x11f: {  	v9 =	vor.u32 s11, v5;
	_ =	sdelay $0x1  }
0x120: {  	s12 =	sshll.u32 s3, $0x9  }
0x121: {  	s12 =	sshra.s32 s12, $0x2;
	v10 =	vld.msk [tilespmem:s1+$0x0 ss:$0x0], $0xffff  }
0x122: {  	[tilespmem:s12+$0x18680] =	vst v8  }
0x123: {  	v8 =	vld.idx.msk [tilespmem:v9+s21+$0x0], $0xffff;
	_ =	sdelay $0x1  }
0x124: {  	v9 =	vor.u32 s11, v6;
	_ =	sdelay $0x3  }
0x125: {  	[tilespmem:s12+$0x18690] =	vst v8  }
0x126: {  	v8 =	vld.idx.msk [tilespmem:v9+s21+$0x0], $0xffff;
	_ =	sdelay $0x1  }
0x127: {  	v9 =	vor.u32 s11, v7;
	_ =	sdelay $0x3  }
0x128: {  	[tilespmem:s12+$0x186A0] =	vst v8  }
0x129: {  	v8 =	vld.idx.msk [tilespmem:v9+s21+$0x0], $0xffff;
	_ =	sdelay $0x1  }
0x12a: {  	v9 =	vmov s3;
	_ =	sdelay $0x1  }
0x12b: {  	s3 =	sadd.s32 $0x1, s3  }
0x12c: {  	p5 =	sne.s32 s3, $0x80  }
0x12d: {  	s11 =	simm.s32 @!p5 $0x80;
	[tilespmem:s12+$0x186B0] =	vst v8;
	[smem:$0x1] =	sst s3  }
.Ltmp14:
0x12e: {  	s13 =	simm.s32 @!p5 $0x18680;
	s12 =	simm.s32 @!p5 $0x1C680;
	[tilespmem:v9+s22+$0x0] =	vst.idx.msk $0xffff, v10;
	(pc) =	sbr.rel @p4 .LBB2_15-.Ltmp14, $4  }
0x12f: {  	[hbm4b:s7+s11] =	stream.indirect.scatter @!p5 [tilespmem:s13], [sflag:$0x1], $0x80, s12, s11, $0xb8;
	[tilespmem:$0x1C700] =	vst v63  }
0x130: {  	s3 =	simm.s32 @!p5 $0x0;
	s11 =	simm.s32 @!p5 $0x1  }
0x131: {  	_ =	swait.ge @!p5 [sflag:s11], $0x4000  }
0x132: {  	s10 =	sadd.s32 $0x1, s10;
	s12 =	simm.s32 @!p5 $0x0;
	[sflag:s11] =	ssyncset.done @!p5 $0x0  }
.LBB2_16:
0x133: {  	[sflag:s11] =	ssyncadd.s32 @!p5 $0xFFFFC000  }
0x134: {  	[smem:$0x1] =	sst @!p5 s12  }
.LBB2_17:
0x135: {  	s1 =	sadd.s32 $0x4, s31  }
0x136: {  	p4 =	sge.u32 s1, s8  }
0x137: {  	p5 =	sne.s32 @!p4 s1, $0x1E84  }
0x138: {  	p6 =	por !p5, p4  }
0x139: {  	s1 =	sshll.u32 @!p6 s1, $0x7  }
0x13a: {  	p4 =	por p5, p4;
	s3 =	simm.s32 @!p6 $0x400;
	s1 =	sand.u32 @!p6 $0x1FFFFF80, s1  }
0x13b: {  	s9 =	simm.s32 @!p6 $0x7A1400;
	s10 =	simm.s32 @!p6 $0x10680;
	s1 =	sadd.s32 @!p6 s2, s1  }
0x13c: {  	[tilespmem:s10], [sflag:$0x2] =	stream.strided.gather @!p6 [hbm4b:s1+s3], $0x2000, s9, s3, $0x38;
	[tilespmem:$0x1C700] =	vst v63  }
0x13d: {  	s1 =	simm.s32 @!p4 $0x0;
	s3 =	simm.s32 @!p4 $0x10680  }
0x13e: {  	[tilespmem:s3], [sflag:$0x2] =	stream.linear.gather @!p4 [hbm4b:s4+s1], $0x2000, $0x38;
	[tilespmem:$0x1C700] =	vst v63  }
.LBB2_18:
0x13f: {  	s1 =	sadd.s32 $0x1, s31  }
0x140: {  	p4 =	sge.u32 s1, s8  }
.Ltmp15:
0x141: {  	_ = 	snop;
	(pc) =	sbr.rel @p4 .LBB2_24-.Ltmp15, $1  }
0x142: {  	_ =	sdelay $0x3  }
0x143: {  	_ =	swait.ge [sflag:s23], $0x2000  }
0x144: {  	[sflag:s23] =	ssyncset.done $0x0  }
0x145: {  	s1 =	ssub.s32 s1, s6;
	[sflag:s23] =	ssyncadd.s32 $0xFFFFE000  }
0x146: {  	v4 =	vld [tilespmem:s1+$0x10380]  }
0x147: {  	v5 =	vld [tilespmem:s1+$0x10381];
	_ =	sdelay $0x3  }
0x148: {  	(v2sf) =	vpush v4, $0x0  }
0x149: {  	(v2sf) =	vpush v5, $0x0;
	_ =	sdelay $0xd  }
0x14a: {  	s9 =	spop (v2sf)  }
0x14b: {  	s10 =	spop (v2sf)  }
0x14c: {  	p4 =	sle.s32 s10, s9  }
.Ltmp16:
0x14d: {  	_ = 	snop;
	(pc) =	sbr.rel @p4 .LBB2_23-.Ltmp16, $1  }
0x14e: {  	_ =	sdelay $0x3  }
0x14f: {  	s1 =	sshll.u32 s9, $0x2  }
0x150: {  	s13 =	sshra.s32 s1, $0x2  }
0x151: {  	v4 =	vld [tilespmem:s13+$0x0];
	_ =	sdelay $0x4  }
0x152: {  	(v2sf) =	vpush v4, $0x0;
	_ =	sdelay $0xe  }
0x153: {  	v4 =	vmul.u32 $0x80, v2;
	s12 =	spop (v2sf)  }
0x154: {  	s3 =	sand.u32 $0x7F, s12  }
0x155: {  	v5 =	vor.u32 s3, v4;
	_ =	sdelay $0x4  }
0x156: {  	s11 =	sld [smem:$0x1];
	v6 =	vld.idx.msk [tilespmem:v5+s24+$0x0], $0xffff;
	v5 =	vor.u32 $0x800, v4  }
0x157: {  	v7 =	vor.u32 s3, v5;
	_ =	sdelay $0x1  }
0x158: {  	s12 =	sshll.u32 s11, $0x9  }
0x159: {  	s1 =	sadd.s32 $0xC180, s13;
	s12 =	sshra.s32 s12, $0x2  }
0x15a: {  	v8 =	vld.msk [tilespmem:s1+$0x0 ss:$0x0], $0xffff;
	[tilespmem:s12+$0x18680] =	vst v6  }
0x15b: {  	v6 =	vor.u32 $0x1000, v4;
	v7 =	vld.idx.msk [tilespmem:v7+s24+$0x0], $0xffff  }
0x15c: {  	v9 =	vor.u32 s3, v6;
	_ =	sdelay $0x3  }
0x15d: {  	[tilespmem:s12+$0x18690] =	vst v7  }
0x15e: {  	v7 =	vor.u32 $0x1800, v4;
	v9 =	vld.idx.msk [tilespmem:v9+s24+$0x0], $0xffff  }
0x15f: {  	v10 =	vor.u32 s3, v7;
	_ =	sdelay $0x3  }
0x160: {  	[tilespmem:s12+$0x186A0] =	vst v9  }
0x161: {  	v9 =	vld.idx.msk [tilespmem:v10+s24+$0x0], $0xffff  }
0x162: {  	v63 =	vmov s11;
	_ =	sdelay $0x1  }
0x163: {  	s9 =	ssub.s32 s10, s9;
	s3 =	sadd.s32 $0x1, s11  }
0x164: {  	s9 =	sadd.s32 $0xFFFFFFFF, s9;
	p5 =	sne.s32 s3, $0x80  }
0x165: {  	p4 =	sne.s32 s9, $0x0;
	s10 =	simm.s32 @!p5 $0x80;
	[tilespmem:s12+$0x186B0] =	vst v9  }
.Ltmp17:
0x166: {  	s11 =	simm.s32 @!p5 $0x1C680;
	s12 =	simm.s32 @!p5 $0x18680;
	[tilespmem:v63+s22+$0x0] =	vst.idx.msk $0xffff, v8;
	(pc) =	sbr.rel @!p4 .LBB2_22-.Ltmp17, $4  }
0x167: {  	[hbm4b:s7+s10] =	stream.indirect.scatter @!p5 [tilespmem:s12], [sflag:$0x1], $0x80, s11, s10, $0xb8;
	[tilespmem:$0x1C700] =	vst v63  }
0x168: {  	[smem:$0x1] =	sst s3;
	s11 =	simm.s32 @!p5 $0x1  }
0x169: {  	s3 =	simm.s32 @!p5 $0x0;
	_ =	swait.ge @!p5 [sflag:s11], $0x4000  }
0x16a: {  	s12 =	simm.s32 @!p5 $0x0;
	s10 =	sadd.s32 $0x1, s13;
	[sflag:s11] =	ssyncset.done @!p5 $0x0  }
.LBB2_21:
0x16b: {  	s9 =	sadd.s32 $0xFFFFFFFF, s9;
	[sflag:s11] =	ssyncadd.s32 @!p5 $0xFFFFC000;
	s1 =	sadd.s32 $0x1, s1  }
0x16c: {  	v8 =	vld [tilespmem:s10+$0x0];
	p4 =	sne.s32 s9, $0x0;
	[smem:$0x1] =	sst @!p5 s12;
	_ =	sdelay $0x4  }
0x16d: {  	(v2sf) =	vpush v8, $0x0;
	_ =	sdelay $0xe  }
0x16e: {  	s11 =	spop (v2sf)  }
0x16f: {  	s11 =	sand.u32 $0x7F, s11  }
0x170: {  	v8 =	vor.u32 s11, v4;
	_ =	sdelay $0x4  }
0x171: {  	v8 =	vld.idx.msk [tilespmem:v8+s24+$0x0], $0xffff;
	_ =	sdelay $0x1  }
0x172: {  	v9 =	vor.u32 s11, v5;
	_ =	sdelay $0x1  }
0x173: {  	s12 =	sshll.u32 s3, $0x9  }
0x174: {  	s12 =	sshra.s32 s12, $0x2;
	v10 =	vld.msk [tilespmem:s1+$0x0 ss:$0x0], $0xffff  }
0x175: {  	[tilespmem:s12+$0x18680] =	vst v8  }
0x176: {  	v8 =	vld.idx.msk [tilespmem:v9+s24+$0x0], $0xffff;
	_ =	sdelay $0x1  }
0x177: {  	v9 =	vor.u32 s11, v6;
	_ =	sdelay $0x3  }
0x178: {  	[tilespmem:s12+$0x18690] =	vst v8  }
0x179: {  	v8 =	vld.idx.msk [tilespmem:v9+s24+$0x0], $0xffff;
	_ =	sdelay $0x1  }
0x17a: {  	v9 =	vor.u32 s11, v7;
	_ =	sdelay $0x3  }
0x17b: {  	[tilespmem:s12+$0x186A0] =	vst v8  }
0x17c: {  	v8 =	vld.idx.msk [tilespmem:v9+s24+$0x0], $0xffff;
	_ =	sdelay $0x1  }
0x17d: {  	v9 =	vmov s3;
	_ =	sdelay $0x1  }
0x17e: {  	s3 =	sadd.s32 $0x1, s3  }
0x17f: {  	p5 =	sne.s32 s3, $0x80  }
0x180: {  	s11 =	simm.s32 @!p5 $0x80;
	[tilespmem:s12+$0x186B0] =	vst v8;
	[smem:$0x1] =	sst s3  }
.Ltmp18:
0x181: {  	s13 =	simm.s32 @!p5 $0x18680;
	s12 =	simm.s32 @!p5 $0x1C680;
	[tilespmem:v9+s22+$0x0] =	vst.idx.msk $0xffff, v10;
	(pc) =	sbr.rel @p4 .LBB2_21-.Ltmp18, $4  }
0x182: {  	[hbm4b:s7+s11] =	stream.indirect.scatter @!p5 [tilespmem:s13], [sflag:$0x1], $0x80, s12, s11, $0xb8;
	[tilespmem:$0x1C700] =	vst v63  }
0x183: {  	s3 =	simm.s32 @!p5 $0x0;
	s11 =	simm.s32 @!p5 $0x1  }
0x184: {  	_ =	swait.ge @!p5 [sflag:s11], $0x4000  }
0x185: {  	s10 =	sadd.s32 $0x1, s10;
	s12 =	simm.s32 @!p5 $0x0;
	[sflag:s11] =	ssyncset.done @!p5 $0x0  }
.LBB2_22:
0x186: {  	[sflag:s11] =	ssyncadd.s32 @!p5 $0xFFFFC000  }
0x187: {  	[smem:$0x1] =	sst @!p5 s12  }
.LBB2_23:
0x188: {  	s1 =	sadd.s32 $0x5, s31  }
0x189: {  	p4 =	sge.u32 s1, s8  }
0x18a: {  	p5 =	sne.s32 @!p4 s1, $0x1E84  }
0x18b: {  	p6 =	por !p5, p4  }
0x18c: {  	s1 =	sshll.u32 @!p6 s1, $0x7  }
0x18d: {  	p4 =	por p5, p4;
	s3 =	simm.s32 @!p6 $0x400;
	s1 =	sand.u32 @!p6 $0x1FFFFF80, s1  }
0x18e: {  	s9 =	simm.s32 @!p6 $0x7A1400;
	s10 =	simm.s32 @!p6 $0x12680;
	s1 =	sadd.s32 @!p6 s2, s1  }
0x18f: {  	[tilespmem:s10], [sflag:$0x3] =	stream.strided.gather @!p6 [hbm4b:s1+s3], $0x2000, s9, s3, $0x38;
	[tilespmem:$0x1C700] =	vst v63  }
0x190: {  	s1 =	simm.s32 @!p4 $0x0;
	s3 =	simm.s32 @!p4 $0x12680  }
0x191: {  	[tilespmem:s3], [sflag:$0x3] =	stream.linear.gather @!p4 [hbm4b:s4+s1], $0x2000, $0x38;
	[tilespmem:$0x1C700] =	vst v63  }
.LBB2_24:
0x192: {  	s1 =	sadd.s32 $0x2, s31  }
0x193: {  	p4 =	sge.u32 s1, s8  }
.Ltmp19:
0x194: {  	_ = 	snop;
	(pc) =	sbr.rel @p4 .LBB2_30-.Ltmp19, $1  }
0x195: {  	_ =	sdelay $0x3  }
0x196: {  	_ =	swait.ge [sflag:s25], $0x2000  }
0x197: {  	[sflag:s25] =	ssyncset.done $0x0  }
0x198: {  	s1 =	ssub.s32 s1, s6;
	[sflag:s25] =	ssyncadd.s32 $0xFFFFE000  }
0x199: {  	v4 =	vld [tilespmem:s1+$0x10380]  }
0x19a: {  	v5 =	vld [tilespmem:s1+$0x10381];
	_ =	sdelay $0x3  }
0x19b: {  	(v2sf) =	vpush v4, $0x0  }
0x19c: {  	(v2sf) =	vpush v5, $0x0;
	_ =	sdelay $0xd  }
0x19d: {  	s9 =	spop (v2sf)  }
0x19e: {  	s10 =	spop (v2sf)  }
0x19f: {  	p4 =	sle.s32 s10, s9  }
.Ltmp20:
0x1a0: {  	_ = 	snop;
	(pc) =	sbr.rel @p4 .LBB2_29-.Ltmp20, $1  }
0x1a1: {  	_ =	sdelay $0x3  }
0x1a2: {  	s1 =	sshll.u32 s9, $0x2  }
0x1a3: {  	s13 =	sshra.s32 s1, $0x2  }
0x1a4: {  	v4 =	vld [tilespmem:s13+$0x0];
	_ =	sdelay $0x4  }
0x1a5: {  	(v2sf) =	vpush v4, $0x0;
	_ =	sdelay $0xe  }
0x1a6: {  	v4 =	vmul.u32 $0x80, v2;
	s12 =	spop (v2sf)  }
0x1a7: {  	s3 =	sand.u32 $0x7F, s12  }
0x1a8: {  	v5 =	vor.u32 s3, v4;
	_ =	sdelay $0x4  }
0x1a9: {  	s11 =	sld [smem:$0x1];
	v6 =	vld.idx.msk [tilespmem:v5+s26+$0x0], $0xffff;
	v5 =	vor.u32 $0x800, v4  }
0x1aa: {  	v7 =	vor.u32 s3, v5;
	_ =	sdelay $0x1  }
0x1ab: {  	s12 =	sshll.u32 s11, $0x9  }
0x1ac: {  	s1 =	sadd.s32 $0xC180, s13;
	s12 =	sshra.s32 s12, $0x2  }
0x1ad: {  	v8 =	vld.msk [tilespmem:s1+$0x0 ss:$0x0], $0xffff;
	[tilespmem:s12+$0x18680] =	vst v6  }
0x1ae: {  	v6 =	vor.u32 $0x1000, v4;
	v7 =	vld.idx.msk [tilespmem:v7+s26+$0x0], $0xffff  }
0x1af: {  	v9 =	vor.u32 s3, v6;
	_ =	sdelay $0x3  }
0x1b0: {  	[tilespmem:s12+$0x18690] =	vst v7  }
0x1b1: {  	v7 =	vor.u32 $0x1800, v4;
	v9 =	vld.idx.msk [tilespmem:v9+s26+$0x0], $0xffff  }
0x1b2: {  	v10 =	vor.u32 s3, v7;
	_ =	sdelay $0x3  }
0x1b3: {  	[tilespmem:s12+$0x186A0] =	vst v9  }
0x1b4: {  	v9 =	vld.idx.msk [tilespmem:v10+s26+$0x0], $0xffff  }
0x1b5: {  	v63 =	vmov s11;
	_ =	sdelay $0x1  }
0x1b6: {  	s9 =	ssub.s32 s10, s9;
	s3 =	sadd.s32 $0x1, s11  }
0x1b7: {  	s9 =	sadd.s32 $0xFFFFFFFF, s9;
	p5 =	sne.s32 s3, $0x80  }
0x1b8: {  	p4 =	sne.s32 s9, $0x0;
	s10 =	simm.s32 @!p5 $0x80;
	[tilespmem:s12+$0x186B0] =	vst v9  }
.Ltmp21:
0x1b9: {  	s11 =	simm.s32 @!p5 $0x1C680;
	s12 =	simm.s32 @!p5 $0x18680;
	[tilespmem:v63+s22+$0x0] =	vst.idx.msk $0xffff, v8;
	(pc) =	sbr.rel @!p4 .LBB2_28-.Ltmp21, $4  }
0x1ba: {  	[hbm4b:s7+s10] =	stream.indirect.scatter @!p5 [tilespmem:s12], [sflag:$0x1], $0x80, s11, s10, $0xb8;
	[tilespmem:$0x1C700] =	vst v63  }
0x1bb: {  	[smem:$0x1] =	sst s3;
	s11 =	simm.s32 @!p5 $0x1  }
0x1bc: {  	s3 =	simm.s32 @!p5 $0x0;
	_ =	swait.ge @!p5 [sflag:s11], $0x4000  }
0x1bd: {  	s12 =	simm.s32 @!p5 $0x0;
	s10 =	sadd.s32 $0x1, s13;
	[sflag:s11] =	ssyncset.done @!p5 $0x0  }
.LBB2_27:
0x1be: {  	s9 =	sadd.s32 $0xFFFFFFFF, s9;
	[sflag:s11] =	ssyncadd.s32 @!p5 $0xFFFFC000;
	s1 =	sadd.s32 $0x1, s1  }
0x1bf: {  	v8 =	vld [tilespmem:s10+$0x0];
	p4 =	sne.s32 s9, $0x0;
	[smem:$0x1] =	sst @!p5 s12;
	_ =	sdelay $0x4  }
0x1c0: {  	(v2sf) =	vpush v8, $0x0;
	_ =	sdelay $0xe  }
0x1c1: {  	s11 =	spop (v2sf)  }
0x1c2: {  	s11 =	sand.u32 $0x7F, s11  }
0x1c3: {  	v8 =	vor.u32 s11, v4;
	_ =	sdelay $0x4  }
0x1c4: {  	v8 =	vld.idx.msk [tilespmem:v8+s26+$0x0], $0xffff;
	_ =	sdelay $0x1  }
0x1c5: {  	v9 =	vor.u32 s11, v5;
	_ =	sdelay $0x1  }
0x1c6: {  	s12 =	sshll.u32 s3, $0x9  }
0x1c7: {  	s12 =	sshra.s32 s12, $0x2;
	v10 =	vld.msk [tilespmem:s1+$0x0 ss:$0x0], $0xffff  }
0x1c8: {  	[tilespmem:s12+$0x18680] =	vst v8  }
0x1c9: {  	v8 =	vld.idx.msk [tilespmem:v9+s26+$0x0], $0xffff;
	_ =	sdelay $0x1  }
0x1ca: {  	v9 =	vor.u32 s11, v6;
	_ =	sdelay $0x3  }
0x1cb: {  	[tilespmem:s12+$0x18690] =	vst v8  }
0x1cc: {  	v8 =	vld.idx.msk [tilespmem:v9+s26+$0x0], $0xffff;
	_ =	sdelay $0x1  }
0x1cd: {  	v9 =	vor.u32 s11, v7;
	_ =	sdelay $0x3  }
0x1ce: {  	[tilespmem:s12+$0x186A0] =	vst v8  }
0x1cf: {  	v8 =	vld.idx.msk [tilespmem:v9+s26+$0x0], $0xffff;
	_ =	sdelay $0x1  }
0x1d0: {  	v9 =	vmov s3;
	_ =	sdelay $0x1  }
0x1d1: {  	s3 =	sadd.s32 $0x1, s3  }
0x1d2: {  	p5 =	sne.s32 s3, $0x80  }
0x1d3: {  	s11 =	simm.s32 @!p5 $0x80;
	[tilespmem:s12+$0x186B0] =	vst v8;
	[smem:$0x1] =	sst s3  }
.Ltmp22:
0x1d4: {  	s13 =	simm.s32 @!p5 $0x18680;
	s12 =	simm.s32 @!p5 $0x1C680;
	[tilespmem:v9+s22+$0x0] =	vst.idx.msk $0xffff, v10;
	(pc) =	sbr.rel @p4 .LBB2_27-.Ltmp22, $4  }
0x1d5: {  	[hbm4b:s7+s11] =	stream.indirect.scatter @!p5 [tilespmem:s13], [sflag:$0x1], $0x80, s12, s11, $0xb8;
	[tilespmem:$0x1C700] =	vst v63  }
0x1d6: {  	s3 =	simm.s32 @!p5 $0x0;
	s11 =	simm.s32 @!p5 $0x1  }
0x1d7: {  	_ =	swait.ge @!p5 [sflag:s11], $0x4000  }
0x1d8: {  	s10 =	sadd.s32 $0x1, s10;
	s12 =	simm.s32 @!p5 $0x0;
	[sflag:s11] =	ssyncset.done @!p5 $0x0  }
.LBB2_28:
0x1d9: {  	[sflag:s11] =	ssyncadd.s32 @!p5 $0xFFFFC000  }
0x1da: {  	[smem:$0x1] =	sst @!p5 s12  }
.LBB2_29:
0x1db: {  	s1 =	sadd.s32 $0x6, s31  }
0x1dc: {  	p4 =	sge.u32 s1, s8  }
0x1dd: {  	p5 =	sne.s32 @!p4 s1, $0x1E84  }
0x1de: {  	p6 =	por !p5, p4  }
0x1df: {  	s1 =	sshll.u32 @!p6 s1, $0x7  }
0x1e0: {  	p4 =	por p5, p4;
	s3 =	simm.s32 @!p6 $0x400;
	s1 =	sand.u32 @!p6 $0x1FFFFF80, s1  }
0x1e1: {  	s9 =	simm.s32 @!p6 $0x7A1400;
	s10 =	simm.s32 @!p6 $0x14680;
	s1 =	sadd.s32 @!p6 s2, s1  }
0x1e2: {  	[tilespmem:s10], [sflag:$0x4] =	stream.strided.gather @!p6 [hbm4b:s1+s3], $0x2000, s9, s3, $0x38;
	[tilespmem:$0x1C700] =	vst v63  }
0x1e3: {  	s1 =	simm.s32 @!p4 $0x0;
	s3 =	simm.s32 @!p4 $0x14680  }
0x1e4: {  	[tilespmem:s3], [sflag:$0x4] =	stream.linear.gather @!p4 [hbm4b:s4+s1], $0x2000, $0x38;
	[tilespmem:$0x1C700] =	vst v63  }
.LBB2_30:
0x1e5: {  	s1 =	sadd.s32 $0x3, s31  }
0x1e6: {  	p4 =	sge.u32 s1, s8  }
.Ltmp23:
0x1e7: {  	_ = 	snop;
	(pc) =	sbr.rel @p4 .LBB2_36-.Ltmp23, $1  }
0x1e8: {  	_ =	sdelay $0x3  }
0x1e9: {  	_ =	swait.ge [sflag:s28], $0x2000  }
0x1ea: {  	[sflag:s28] =	ssyncset.done $0x0  }
0x1eb: {  	s1 =	ssub.s32 s1, s6;
	[sflag:s28] =	ssyncadd.s32 $0xFFFFE000  }
0x1ec: {  	v4 =	vld [tilespmem:s1+$0x10380]  }
0x1ed: {  	v5 =	vld [tilespmem:s1+$0x10381];
	_ =	sdelay $0x3  }
0x1ee: {  	(v2sf) =	vpush v4, $0x0  }
0x1ef: {  	(v2sf) =	vpush v5, $0x0;
	_ =	sdelay $0xd  }
0x1f0: {  	s9 =	spop (v2sf)  }
0x1f1: {  	s10 =	spop (v2sf)  }
0x1f2: {  	p4 =	sle.s32 s10, s9  }
.Ltmp24:
0x1f3: {  	_ = 	snop;
	(pc) =	sbr.rel @p4 .LBB2_35-.Ltmp24, $1  }
0x1f4: {  	_ =	sdelay $0x3  }
0x1f5: {  	s1 =	sshll.u32 s9, $0x2  }
0x1f6: {  	s13 =	sshra.s32 s1, $0x2  }
0x1f7: {  	v4 =	vld [tilespmem:s13+$0x0];
	_ =	sdelay $0x4  }
0x1f8: {  	(v2sf) =	vpush v4, $0x0;
	_ =	sdelay $0xe  }
0x1f9: {  	v4 =	vmul.u32 $0x80, v2;
	s12 =	spop (v2sf)  }
0x1fa: {  	s3 =	sand.u32 $0x7F, s12  }
0x1fb: {  	v5 =	vor.u32 s3, v4;
	_ =	sdelay $0x4  }
0x1fc: {  	s11 =	sld [smem:$0x1];
	v6 =	vld.idx.msk [tilespmem:v5+s29+$0x0], $0xffff;
	v5 =	vor.u32 $0x800, v4  }
0x1fd: {  	v7 =	vor.u32 s3, v5;
	_ =	sdelay $0x1  }
0x1fe: {  	s12 =	sshll.u32 s11, $0x9  }
0x1ff: {  	s1 =	sadd.s32 $0xC180, s13;
	s12 =	sshra.s32 s12, $0x2  }
0x200: {  	v8 =	vld.msk [tilespmem:s1+$0x0 ss:$0x0], $0xffff;
	[tilespmem:s12+$0x18680] =	vst v6  }
0x201: {  	v6 =	vor.u32 $0x1000, v4;
	v7 =	vld.idx.msk [tilespmem:v7+s29+$0x0], $0xffff  }
0x202: {  	v9 =	vor.u32 s3, v6;
	_ =	sdelay $0x3  }
0x203: {  	[tilespmem:s12+$0x18690] =	vst v7  }
0x204: {  	v7 =	vor.u32 $0x1800, v4;
	v9 =	vld.idx.msk [tilespmem:v9+s29+$0x0], $0xffff  }
0x205: {  	v10 =	vor.u32 s3, v7;
	_ =	sdelay $0x3  }
0x206: {  	[tilespmem:s12+$0x186A0] =	vst v9  }
0x207: {  	v9 =	vld.idx.msk [tilespmem:v10+s29+$0x0], $0xffff  }
0x208: {  	v63 =	vmov s11;
	_ =	sdelay $0x1  }
0x209: {  	s9 =	ssub.s32 s10, s9;
	s3 =	sadd.s32 $0x1, s11  }
0x20a: {  	s9 =	sadd.s32 $0xFFFFFFFF, s9;
	p5 =	sne.s32 s3, $0x80  }
0x20b: {  	p4 =	sne.s32 s9, $0x0;
	s10 =	simm.s32 @!p5 $0x80;
	[tilespmem:s12+$0x186B0] =	vst v9  }
.Ltmp25:
0x20c: {  	s11 =	simm.s32 @!p5 $0x1C680;
	s12 =	simm.s32 @!p5 $0x18680;
	[tilespmem:v63+s22+$0x0] =	vst.idx.msk $0xffff, v8;
	(pc) =	sbr.rel @!p4 .LBB2_34-.Ltmp25, $4  }
0x20d: {  	[hbm4b:s7+s10] =	stream.indirect.scatter @!p5 [tilespmem:s12], [sflag:$0x1], $0x80, s11, s10, $0xb8;
	[tilespmem:$0x1C700] =	vst v63  }
0x20e: {  	[smem:$0x1] =	sst s3;
	s11 =	simm.s32 @!p5 $0x1  }
0x20f: {  	s3 =	simm.s32 @!p5 $0x0;
	_ =	swait.ge @!p5 [sflag:s11], $0x4000  }
0x210: {  	s12 =	simm.s32 @!p5 $0x0;
	s10 =	sadd.s32 $0x1, s13;
	[sflag:s11] =	ssyncset.done @!p5 $0x0  }
.LBB2_33:
0x211: {  	s9 =	sadd.s32 $0xFFFFFFFF, s9;
	[sflag:s11] =	ssyncadd.s32 @!p5 $0xFFFFC000;
	s1 =	sadd.s32 $0x1, s1  }
0x212: {  	v8 =	vld [tilespmem:s10+$0x0];
	p4 =	sne.s32 s9, $0x0;
	[smem:$0x1] =	sst @!p5 s12;
	_ =	sdelay $0x4  }
0x213: {  	(v2sf) =	vpush v8, $0x0;
	_ =	sdelay $0xe  }
0x214: {  	s11 =	spop (v2sf)  }
0x215: {  	s11 =	sand.u32 $0x7F, s11  }
0x216: {  	v8 =	vor.u32 s11, v4;
	_ =	sdelay $0x4  }
0x217: {  	v8 =	vld.idx.msk [tilespmem:v8+s29+$0x0], $0xffff;
	_ =	sdelay $0x1  }
0x218: {  	v9 =	vor.u32 s11, v5;
	_ =	sdelay $0x1  }
0x219: {  	s12 =	sshll.u32 s3, $0x9  }
0x21a: {  	s12 =	sshra.s32 s12, $0x2;
	v10 =	vld.msk [tilespmem:s1+$0x0 ss:$0x0], $0xffff  }
0x21b: {  	[tilespmem:s12+$0x18680] =	vst v8  }
0x21c: {  	v8 =	vld.idx.msk [tilespmem:v9+s29+$0x0], $0xffff;
	_ =	sdelay $0x1  }
0x21d: {  	v9 =	vor.u32 s11, v6;
	_ =	sdelay $0x3  }
0x21e: {  	[tilespmem:s12+$0x18690] =	vst v8  }
0x21f: {  	v8 =	vld.idx.msk [tilespmem:v9+s29+$0x0], $0xffff;
	_ =	sdelay $0x1  }
0x220: {  	v9 =	vor.u32 s11, v7;
	_ =	sdelay $0x3  }
0x221: {  	[tilespmem:s12+$0x186A0] =	vst v8  }
0x222: {  	v8 =	vld.idx.msk [tilespmem:v9+s29+$0x0], $0xffff;
	_ =	sdelay $0x1  }
0x223: {  	v9 =	vmov s3;
	_ =	sdelay $0x1  }
0x224: {  	s3 =	sadd.s32 $0x1, s3  }
0x225: {  	p5 =	sne.s32 s3, $0x80  }
0x226: {  	s11 =	simm.s32 @!p5 $0x80;
	[tilespmem:s12+$0x186B0] =	vst v8;
	[smem:$0x1] =	sst s3  }
.Ltmp26:
0x227: {  	s13 =	simm.s32 @!p5 $0x18680;
	s12 =	simm.s32 @!p5 $0x1C680;
	[tilespmem:v9+s22+$0x0] =	vst.idx.msk $0xffff, v10;
	(pc) =	sbr.rel @p4 .LBB2_33-.Ltmp26, $4  }
0x228: {  	[hbm4b:s7+s11] =	stream.indirect.scatter @!p5 [tilespmem:s13], [sflag:$0x1], $0x80, s12, s11, $0xb8;
	[tilespmem:$0x1C700] =	vst v63  }
0x229: {  	s3 =	simm.s32 @!p5 $0x0;
	s11 =	simm.s32 @!p5 $0x1  }
0x22a: {  	_ =	swait.ge @!p5 [sflag:s11], $0x4000  }
0x22b: {  	s10 =	sadd.s32 $0x1, s10;
	s12 =	simm.s32 @!p5 $0x0;
	[sflag:s11] =	ssyncset.done @!p5 $0x0  }
.Ltmp27:
0x22c: {  	_ = 	snop;
	(pc) =	sbr.rel .LBB2_34-.Ltmp27, $1  }
0x22d: {  	_ =	sdelay $0x3  }
.LBB2_37:
0x22e: {  	s1 =	sld [smem:$0x1];
	_ =	sdelay $0x2  }
0x22f: {  	p4 =	slt.s32 s1, $0x1  }
.Ltmp28:
0x230: {  	_ = 	snop;
	(pc) =	sbr.rel @p4 .LBB2_41-.Ltmp28, $1  }
0x231: {  	_ =	sdelay $0x3  }
0x232: {  	v4 =	vld [tilespmem:$0x1C680];
	_ =	sdelay $0x3  }
0x233: {  	v5 =	vsel vm0, $0xFFFFFFFF, v3  }
0x234: {  	v5 =	vand.u32 v5, v4  }
0x235: {  	(xrf0) =	vadd.scan.msk.s32 $0xffff, v5;
	_ =	sdelay $0x4  }
0x236: {  	v5 =	vld [tilespmem:$0x1C690]  }
0x237: {  	v7 =	vld [tilespmem:$0x1C6A0];
	v6, _, _ =	vpop (xrf0)  }
0x238: {  	v8 =	vmov s1;
	v9 =	vadd.s32 $0x1, v2;
	v10 =	vld [tilespmem:$0x1C6B0];
	v6 =	vbroadcast v6, $0xF  }
0x239: {  	v60 =	vadd.s32 $0x11, v2;
	v11 =	vld [tilespmem:$0x1C6C0];
	vm1 =	vlt.s32 v8, v9  }
0x23a: {  	v61 =	vadd.s32 $0x21, v2;
	v12 =	vld [tilespmem:$0x1C6D0];
	v4 =	vsel vm1, v6, v4;
	vm1 =	vlt.s32 v8, v60  }
0x23b: {  	v62 =	vld [tilespmem:$0x1C6E0];
	[tilespmem:$0x1C680] =	vst v4;
	v4 =	vsel vm1, v6, v5;
	vm1 =	vlt.s32 v8, v61;
	v5 =	vadd.s32 $0x31, v2  }
0x23c: {  	[tilespmem:$0x1C690] =	vst v4;
	v4 =	vsel vm1, v6, v7;
	vm1 =	vlt.s32 v8, v5;
	v5 =	vadd.s32 $0x41, v2;
	v7 =	vld [tilespmem:$0x1C6F0]  }
0x23d: {  	[tilespmem:$0x1C6A0] =	vst v4;
	v4 =	vsel vm1, v6, v10;
	vm1 =	vlt.s32 v8, v5;
	v5 =	vadd.s32 $0x51, v2  }
0x23e: {  	[tilespmem:$0x1C6B0] =	vst v4;
	v4 =	vsel vm1, v6, v11;
	vm1 =	vlt.s32 v8, v5;
	v5 =	vadd.s32 $0x61, v2  }
0x23f: {  	v63 =	vsel vm1, v6, v12;
	vm1 =	vlt.s32 v8, v5;
	v5 =	vadd.s32 $0x71, v2  }
0x240: {  	v9 =	vsel vm1, v6, v62;
	vm1 =	vlt.s32 v8, v5  }
0x241: {  	v7 =	vsel vm1, v6, v7  }
0x242: {  	[tilespmem:$0x1C6F0] =	vst v7;
	v7 =	vld [tilespmem:$0x186B0]  }
0x243: {  	[tilespmem:$0x1C6C0] =	vst v4;
	v6 =	vld [tilespmem:$0x186A0]  }
0x244: {  	s3 =	simm.s32 $0x186A0;
	v4 =	vld [tilespmem:$0x18680];
	[tilespmem:$0x1C6D0] =	vst v63  }
0x245: {  	s9 =	simm.s32 $0x1;
	p4 =	sgt.s32 s1, $0x0;
	s10 =	simm.s32 $0x186A0;
	v5 =	vld [tilespmem:$0x18690];
	[tilespmem:$0x1C6E0] =	vst v9  }
.LBB2_39:
0x246: {  	s11 =	smov.u32 s9;
	s9 =	sadd.s32 $0x1, s9  }
0x247: {  	[tilespmem:s3+$0x10] =	vst @!p4 v7;
	s10 =	sadd.s32 $0x80, s10;
	p5 =	sne.s32 s9, $0x80  }
.Ltmp29:
0x248: {  	[tilespmem:s3+$0x0] =	vst @!p4 v6;
	(pc) =	sbr.rel @p5 .LBB2_39-.Ltmp29, $3  }
0x249: {  	[tilespmem:s3+$0xFFFFFFE0] =	vst @!p4 v4  }
0x24a: {  	[tilespmem:s3+$0xFFFFFFF0] =	vst @!p4 v5;
	s3 =	smov.u32 s10;
	_ =	sdelay $0x1  }
0x24b: {  	p4 =	slt.s32 s11, s1  }
0x24c: {  	[tilespmem:s3+$0x10] =	vst @!p4 v7  }
0x24d: {  	[tilespmem:s3+$0x0] =	vst @!p4 v6  }
0x24e: {  	[tilespmem:s3+$0xFFFFFFE0] =	vst @!p4 v4  }
0x24f: {  	[tilespmem:s3+$0xFFFFFFF0] =	vst @!p4 v5;
	s1 =	simm.s32 $0x80;
	s30 =	simm.s32 $0x18680  }
0x250: {  	[hbm4b:s7+s1] =	stream.indirect.scatter [tilespmem:s30], [sflag:$0x1], $0x80, s22, s1, $0xb8;
	[tilespmem:$0x1C700] =	vst v63  }
.Ltmp30:
0x251: {  	s31 =	simm.s32 $0x1;
	(pc) =	sbr.rel .LBB2_41-.Ltmp30, $4  }
0x252: {  	_ =	swait.ge [sflag:s31], $0x4000  }
0x253: {  	[sflag:s31] =	ssyncset.done $0x0  }
0x254: {  	[sflag:s31] =	ssyncadd.s32 $0xFFFFC000  }
0x255: {  	[smem:$0x1] =	sst s5  }
.LBB2_42:
0x256: {  	_ =	sfence.sel $0x180000  }
0x257: {  	[bflag:$0x0] =	sbarrier.arrive $0xFFFF  }
0x258: {  	_ =	strace $0x90000047  }
0x259: {  	s0 =	stileid.u32;
	[bflag:$0x2] =	sbarrier.arrive $0xFFFF  }
0x25a: {  	p0 =	sne.s32 s0, $0x0;
	s0 =	rddreg [dreg:$0x4]  }
0x25b: {  	s0 =	sadd.s32 @!p0 $0x100000, s0  }
0x25c: {  	[sflag:s0] =	ssyncadd.tile.s32 @!p0 $0x1;
	_ =	shalt  }
.Lfunc_end2:
_tile_overlayer_lowered:
.L_overlay_start_2:
0x25d: {  	(tag) =	ssettag $0x2  }
0x25e: {  	s0 =	rddreg [dreg:$0x0];
	s2 =	stileid.u32  }
0x25f: {  	s1 =	rddreg [dreg:$0x1];
	p0 =	sne.s32 s2, $0x0  }
0x260: {  	s3 =	rddreg [dreg:$0x2];
	[bflag:$0x3] =	sbarrier.arrive $0xFFFF;
	s2 =	simm.s32 @!p0 $0x1C06  }
0x261: {  	[timem:s3], [sflag:s2] =	dma.local @!p0 [hbm:s0], s1  }
0x262: {  	s0 =	simm.s32 @!p0 $0x6  }
0x263: {  	_ =	swait.ge @!p0 [sflag:s0], s1  }
0x264: {  	s1 =	ssub.s32 @!p0 $0x0, s1;
	[sflag:s0] =	ssyncset.done @!p0 $0x0  }
0x265: {  	[sflag:s0] =	ssyncadd.s32 @!p0 s1  }
0x266: {  	[bflag:$0x3] =	sbarrier.arrive $0xFFFF  }
0x267: {  	_ =	shalt  }

</sc_bundles>
